<compile_context>
chip_gen: v7x
topology: tpu7x:2x2x1
jax: 0.10.2.dev20260603
libtpu: 0.0.44.dev20260713+nightly
codegen_flags: <defaults>
</compile_context>

<pallas_src>
import jax
import jax.numpy as jnp
from jax import lax
from jax.experimental import pallas as pl
from jax.experimental.pallas import tpu as pltpu
from jax.experimental.pallas import tpu_sc as plsc

_N = 10000
_E = 320000
_F = 128
_L = 3
_EPS = 1e-5

_NC = 2
_NS = 16
_CHUNK = 128
_CH_PER_SUB = 80
_CH_PER_CORE = _CH_PER_SUB * _NS
_EPAD = _CH_PER_CORE * _NC * _CHUNK
_NLAND = 128
_NPAD = _N + _NLAND
_RPS = 624
_RPS_LAST = _N - 15 * _RPS

_BLK = 1000
_NBLK = _N // _BLK

_mesh = plsc.VectorSubcoreMesh(core_axis_name="c", subcore_axis_name="s",
                               num_cores=_NC, num_subcores=_NS)



def _sc_scatter_body(hp_hbm, srcp_hbm, dstp_hbm, out_hbm,
                     src_all, dst0, dst1, rows0, rows1, acc_sh,
                     sg0, sg1, sd0, sd1):
    c = lax.axis_index("c")
    s = lax.axis_index("s")
    r0 = s * _RPS

    @pl.when(s < _NS - 1)
    def _():
        pltpu.sync_copy(hp_hbm.at[pl.ds(r0, _RPS)],
                        acc_sh.at[pl.ds(r0, _RPS)])

    @pl.when(s == _NS - 1)
    def _():
        pltpu.sync_copy(hp_hbm.at[pl.ds(r0, _RPS_LAST)],
                        acc_sh.at[pl.ds(r0, _RPS_LAST)])

    brow = c * _CH_PER_CORE + s * _CH_PER_SUB
    pltpu.sync_copy(srcp_hbm.at[pl.ds(brow, _CH_PER_SUB)], src_all)

    pltpu.async_copy(hp_hbm.at[src_all.at[0]], rows0, sg0)
    pltpu.async_copy(dstp_hbm.at[brow], dst0, sd0)
    plsc.subcore_barrier()

    @pl.loop(0, _CH_PER_SUB // 2)
    def _(i):
        t0 = 2 * i
        pltpu.async_copy(hp_hbm.at[src_all.at[t0 + 1]], rows1, sg1)
        pltpu.async_copy(dstp_hbm.at[brow + t0 + 1], dst1, sd1)
        pltpu.make_async_copy(hp_hbm.at[src_all.at[t0]], rows0, sg0).wait()
        pltpu.make_async_copy(dstp_hbm.at[brow + t0], dst0, sd0).wait()
        pltpu.sync_copy(rows0, acc_sh.at[dst0], add=True)

        @pl.when(i < _CH_PER_SUB // 2 - 1)
        def _():
            pltpu.async_copy(hp_hbm.at[src_all.at[t0 + 2]], rows0, sg0)
            pltpu.async_copy(dstp_hbm.at[brow + t0 + 2], dst0, sd0)

        pltpu.make_async_copy(hp_hbm.at[src_all.at[t0 + 1]], rows1,
                              sg1).wait()
        pltpu.make_async_copy(dstp_hbm.at[brow + t0 + 1], dst1, sd1).wait()
        pltpu.sync_copy(rows1, acc_sh.at[dst1], add=True)

    plsc.subcore_barrier()

    @pl.when(s < _NS - 1)
    def _():
        pltpu.sync_copy(acc_sh.at[pl.ds(r0, _RPS)],
                        out_hbm.at[c, pl.ds(r0, _RPS)])

    @pl.when(s == _NS - 1)
    def _():
        pltpu.sync_copy(acc_sh.at[pl.ds(r0, _RPS_LAST)],
                        out_hbm.at[c, pl.ds(r0, _RPS_LAST)])


_sc_scatter = pl.kernel(
    _sc_scatter_body,
    out_type=jax.ShapeDtypeStruct((_NC, _N, _F), jnp.float32),
    mesh=_mesh,
    scratch_types=[
        pltpu.VMEM((_CH_PER_SUB, _CHUNK), jnp.int32),
        pltpu.VMEM((_CHUNK,), jnp.int32),
        pltpu.VMEM((_CHUNK,), jnp.int32),
        pltpu.VMEM((_CHUNK, _F), jnp.float32),
        pltpu.VMEM((_CHUNK, _F), jnp.float32),
        pltpu.VMEM_SHARED((_NPAD, _F), jnp.float32),
        pltpu.SemaphoreType.DMA,
        pltpu.SemaphoreType.DMA,
        pltpu.SemaphoreType.DMA,
        pltpu.SemaphoreType.DMA,
    ],
)



def _mm_raw_body(x_ref, w_ref, o_ref):
    o_ref[...] = jnp.dot(x_ref[...], w_ref[...],
                         preferred_element_type=jnp.float32)


_mm_raw = pl.pallas_call(
    _mm_raw_body,
    grid=(_NBLK,),
    in_specs=[pl.BlockSpec((_BLK, _F), lambda i: (i, 0)),
              pl.BlockSpec((_F, _F), lambda i: (0, 0))],
    out_specs=pl.BlockSpec((_BLK, _F), lambda i: (i, 0)),
    out_shape=jax.ShapeDtypeStruct((_N, _F), jnp.float32),
)


def _prep_body(h_ref, d0_ref, d1_ref, hp_ref, dinv_ref):
    deg = d0_ref[:, 0:1] + d1_ref[:, 0:1] - 1.0
    dinv = lax.rsqrt(deg)
    dinv_ref[...] = dinv
    hp_ref[...] = h_ref[...] * dinv


_prep = pl.pallas_call(
    _prep_body,
    grid=(_NBLK,),
    in_specs=[pl.BlockSpec((_BLK, _F), lambda i: (i, 0)),
              pl.BlockSpec((_BLK, _F), lambda i: (i, 0)),
              pl.BlockSpec((_BLK, _F), lambda i: (i, 0))],
    out_specs=[pl.BlockSpec((_BLK, _F), lambda i: (i, 0)),
               pl.BlockSpec((_BLK, 1), lambda i: (i, 0))],
    out_shape=[jax.ShapeDtypeStruct((_N, _F), jnp.float32),
               jax.ShapeDtypeStruct((_N, 1), jnp.float32)],
)



def _stage_phase0(p0, p1, hp, dinv, y_scr, acc, i):
    @pl.when(i == 0)
    def _():
        acc[...] = jnp.zeros((8, _F), jnp.float32)

    y = (p0[...] + p1[...] - hp[...]) * dinv[...]
    y_scr[pl.ds(i * _BLK, _BLK), :] = y
    acc[0:1, :] += jnp.sum(y, axis=0, keepdims=True)
    acc[1:2, :] += jnp.sum(y * y, axis=0, keepdims=True)


def _stage_z(y_scr, acc, g, b, prev, i):
    y = y_scr[pl.ds(i * _BLK, _BLK), :]
    mean = acc[0:1, :] * (1.0 / _N)
    var = acc[1:2, :] * (1.0 / _N) - mean * mean
    inv = lax.rsqrt(var + _EPS)
    z = (y - mean) * (inv * g[...]) + b[...]
    return jnp.maximum(z, 0.0) + prev[...]


def _stage_mid_body(p0, p1, hp, dinv, g, b, prev, w,
                    z_ref, hpn_ref, y_scr, acc):
    ph = pl.program_id(0)
    i = pl.program_id(1)

    @pl.when(ph == 0)
    def _():
        _stage_phase0(p0, p1, hp, dinv, y_scr, acc, i)

    @pl.when(ph == 1)
    def _():
        z = _stage_z(y_scr, acc, g, b, prev, i)
        z_ref[...] = z
        h = jnp.dot(z, w[...], preferred_element_type=jnp.float32)
        hpn_ref[...] = h * dinv[...]


_stage_mid = pl.pallas_call(
    _stage_mid_body,
    grid=(2, _NBLK),
    in_specs=[pl.BlockSpec((_BLK, _F), lambda ph, i: (i * (1 - ph), 0)),
              pl.BlockSpec((_BLK, _F), lambda ph, i: (i * (1 - ph), 0)),
              pl.BlockSpec((_BLK, _F), lambda ph, i: (i * (1 - ph), 0)),
              pl.BlockSpec((_BLK, 1), lambda ph, i: (i, 0)),
              pl.BlockSpec((1, _F), lambda ph, i: (0, 0)),
              pl.BlockSpec((1, _F), lambda ph, i: (0, 0)),
              pl.BlockSpec((_BLK, _F), lambda ph, i: (i * ph, 0)),
              pl.BlockSpec((_F, _F), lambda ph, i: (0, 0))],
    out_specs=[pl.BlockSpec((_BLK, _F), lambda ph, i: (i * ph, 0)),
               pl.BlockSpec((_BLK, _F), lambda ph, i: (i * ph, 0))],
    out_shape=[jax.ShapeDtypeStruct((_N, _F), jnp.float32),
               jax.ShapeDtypeStruct((_N, _F), jnp.float32)],
    scratch_shapes=[pltpu.VMEM((_N, _F), jnp.float32),
                    pltpu.VMEM((8, _F), jnp.float32)],
)


def _stage_fin_body(p0, p1, hp, dinv, g, b, prev, w, bo,
                    o_ref, y_scr, acc):
    ph = pl.program_id(0)
    i = pl.program_id(1)

    @pl.when(ph == 0)
    def _():
        _stage_phase0(p0, p1, hp, dinv, y_scr, acc, i)

    @pl.when(ph == 1)
    def _():
        z = _stage_z(y_scr, acc, g, b, prev, i)
        h = jnp.dot(z, w[...], preferred_element_type=jnp.float32)
        o_ref[...] = h + bo[...]


_stage_fin = pl.pallas_call(
    _stage_fin_body,
    grid=(2, _NBLK),
    in_specs=[pl.BlockSpec((_BLK, _F), lambda ph, i: (i * (1 - ph), 0)),
              pl.BlockSpec((_BLK, _F), lambda ph, i: (i * (1 - ph), 0)),
              pl.BlockSpec((_BLK, _F), lambda ph, i: (i * (1 - ph), 0)),
              pl.BlockSpec((_BLK, 1), lambda ph, i: (i, 0)),
              pl.BlockSpec((1, _F), lambda ph, i: (0, 0)),
              pl.BlockSpec((1, _F), lambda ph, i: (0, 0)),
              pl.BlockSpec((_BLK, _F), lambda ph, i: (i * ph, 0)),
              pl.BlockSpec((_F, _F), lambda ph, i: (0, 0)),
              pl.BlockSpec((1, _F), lambda ph, i: (0, 0))],
    out_specs=pl.BlockSpec((_BLK, _F), lambda ph, i: (i * ph, 0)),
    out_shape=jax.ShapeDtypeStruct((_N, _F), jnp.float32),
    scratch_shapes=[pltpu.VMEM((_N, _F), jnp.float32),
                    pltpu.VMEM((8, _F), jnp.float32)],
)



def kernel(x, edge_index, edge_attr, Ws, gammas, betas, W_out, b_out):
    del edge_attr
    x2 = x[0]
    src = edge_index[0]
    dst = edge_index[1]
    npad = _EPAD - _E
    pad_ar = jnp.arange(npad, dtype=jnp.int32)
    nchunks = _EPAD // _CHUNK
    srcp = jnp.concatenate([src, (pad_ar * 64) % _N]).reshape(nchunks, _CHUNK)
    dstp = jnp.concatenate(
        [dst, _N + (pad_ar % _NLAND)]).reshape(nchunks, _CHUNK)

    deg_table = jnp.ones((_N, _F), jnp.float32)
    deg_src = (jnp.arange(_EPAD, dtype=jnp.int32) % _N).reshape(
        nchunks, _CHUNK)
    degp = _sc_scatter(deg_table, deg_src, dstp)
    h1 = _mm_raw(x2, Ws[0])
    hp, dinv = _prep(h1, degp[0], degp[1])

    prev = x2
    out = None
    for i in range(_L):
        parts = _sc_scatter(hp, srcp, dstp)
        g = gammas[i].reshape(1, _F)
        b = betas[i].reshape(1, _F)
        if i < _L - 1:
            prev, hp = _stage_mid(parts[0], parts[1], hp, dinv, g, b, prev,
                                  Ws[i + 1])
        else:
            out = _stage_fin(parts[0], parts[1], hp, dinv, g, b, prev,
                             W_out, b_out.reshape(1, _F))
    return out[None]

# --- scband reference (transcript-rebuilt; emitter-appended) ---
"""Pipeline reference for scband-gnn-68049461837969 (READ-ONLY COPY).

The authoritative reference and input builder live on the scoring server;
editing this copy changes nothing except your own understanding.
"""

import jax, jax.numpy as jnp
import numpy as np

N = 10000
E = 320000
F = 128
DE = 16
L = 3
EPS = 1e-5


def setup_inputs(seed: int = 0) -> dict:
    key = jax.random.key(seed)
    ks = jax.random.split(key, 6)
    x = jax.random.normal(ks[0], (1, N, F), dtype=jnp.float32)
    edge_index = jax.random.randint(ks[1], (2, E), 0, N, dtype=jnp.int32)
    edge_attr = jax.random.normal(ks[2], (E, DE), dtype=jnp.float32)
    Ws = jax.random.normal(ks[3], (L, F, F), dtype=jnp.float32) * (1.0 / np.sqrt(F))
    gammas = jnp.ones((L, F), dtype=jnp.float32)
    betas = jnp.zeros((L, F), dtype=jnp.float32)
    W_out = jax.random.normal(ks[4], (F, F), dtype=jnp.float32) * (1.0 / np.sqrt(F))
    b_out = jnp.zeros((F,), dtype=jnp.float32)
    return {"x": x, "edge_index": edge_index, "edge_attr": edge_attr,
            "Ws": Ws, "gammas": gammas, "betas": betas,
            "W_out": W_out, "b_out": b_out}


def reference(x, edge_index, edge_attr, Ws, gammas, betas, W_out, b_out):
    # GNN with GCNConv layers (edge_attr is accepted but ignored by GCNConv),
    # BatchNorm1d (training-mode batch statistics, since module default is train),
    # ReLU, residual connections, and a final Linear output encoder.
    B, n, f = x.shape
    src = edge_index[0]
    dst = edge_index[1]
    # GCN: add self loops, symmetric normalization D^-1/2 (A+I) D^-1/2
    sl = jnp.arange(n, dtype=src.dtype)
    src_f = jnp.concatenate([src, sl])
    dst_f = jnp.concatenate([dst, sl])
    deg = jax.ops.segment_sum(jnp.ones_like(src_f, dtype=x.dtype), dst_f, num_segments=n)
    dinv = jnp.where(deg > 0, jax.lax.rsqrt(jnp.maximum(deg, 1e-12)), 0.0)
    norm = dinv[src_f] * dinv[dst_f]

    def conv(x2d, W):
        h = x2d @ W  # linear transform (bias=False since bn=True)
        msg = h[src_f] * norm[:, None]  # gather + scale
        return jax.ops.segment_sum(msg, dst_f, num_segments=n)  # scatter-add

    prev = x
    out = x
    for i in range(L):
        h = jax.vmap(lambda xb: conv(xb, Ws[i]))(out)
        flat = h.reshape(B * n, f)  # rearrange 'B n f -> (B n) f'
        mean = flat.mean(axis=0)
        var = flat.var(axis=0)
        flat = (flat - mean) / jnp.sqrt(var + EPS) * gammas[i] + betas[i]
        h = flat.reshape(B, n, f)  # rearrange '(B n) f -> B n f'
        h = jax.nn.relu(h)
        # dropout p=0.0 -> no-op
        h = h + prev  # residual
        prev = h
        out = h
    return out @ W_out + b_out

if __name__ == "__main__":
    import jax
    _d = setup_inputs()
    print(jax.jit(kernel)(*tuple(_d.values())))

</pallas_src>

<mosaic_0001>
#map = affine_map<(d0, d1) -> (0, 0)>
#map1 = affine_map<(d0, d1) -> (0, 0, 0)>
module attributes {stable_mosaic.version = 14 : i64} {
  func.func @_sc_scatter_body(%arg0: i32, %arg1: i32, %arg2: memref<10000x128xf32, #tpu.memory_space<hbm>>, %arg3: memref<2560x128xi32, #tpu.memory_space<hbm>>, %arg4: memref<2560x128xi32, #tpu.memory_space<hbm>>, %arg5: memref<2x10000x128xf32, #tpu.memory_space<hbm>>, %arg6: memref<80x128xi32, #tpu.memory_space<vmem>>, %arg7: memref<128xi32, #tpu.memory_space<vmem>>, %arg8: memref<128xi32, #tpu.memory_space<vmem>>, %arg9: memref<128x128xf32, #tpu.memory_space<vmem>>, %arg10: memref<128x128xf32, #tpu.memory_space<vmem>>, %arg11: memref<10128x128xf32, #tpu.memory_space<vmem_shared>>, %arg12: memref<!tpu.dma_semaphore, #tpu.memory_space<semaphore_mem>>, %arg13: memref<!tpu.dma_semaphore, #tpu.memory_space<semaphore_mem>>, %arg14: memref<!tpu.dma_semaphore, #tpu.memory_space<semaphore_mem>>, %arg15: memref<!tpu.dma_semaphore, #tpu.memory_space<semaphore_mem>>) attributes {dimension_semantics = [#tpu.dimension_semantics<core_parallel>, #tpu.dimension_semantics<subcore_parallel>], iteration_bounds = array<i64: 2, 16>, scalar_prefetch = 0 : i64, scratch_operands = 10 : i64, tpu.core_type = #tpu.core_type<sc_vector_subcore>, window_params = [{transform_indices = #map}, {transform_indices = #map}, {transform_indices = #map}, {transform_indices = #map1}]} {
    %mul3A = arith.constant 624 : i32
    %mul3A_0 = arith.muli %arg1, %mul3A : i32
    %lt3A = arith.constant 15 : i32
    %lt3A_1 = arith.cmpi slt, %arg1, %lt3A : i32
    %convert_element_type3A = arith.extui %lt3A_1 : i1 to i32
    %cond3A = arith.constant 0 : i32
    %cond3A_2 = arith.cmpi ne, %convert_element_type3A, %cond3A : i32
    scf.if %cond3A_2 {
      "tpu.region"() ({
        %run_scoped3A = tpu.sem_alloc : memref<!tpu.dma_semaphore, #tpu.memory_space<semaphore_mem>>
        %dma_start3A_38 = arith.constant 0 : i32
        %dma_start3A_39 = tpu.memref_slice %arg11[%mul3A_0, %dma_start3A_38] : memref<10128x128xf32, #tpu.memory_space<vmem_shared>> -> memref<624x128xf32, #tpu.memory_space<vmem_shared>>
        %dma_start3A_40 = arith.constant 0 : i32
        %dma_start3A_41 = tpu.memref_slice %arg2[%mul3A_0, %dma_start3A_40] : memref<10000x128xf32, #tpu.memory_space<hbm>> -> memref<624x128xf32, #tpu.memory_space<hbm>>
        tpu.enqueue_dma source(%dma_start3A_41 : memref<624x128xf32, #tpu.memory_space<hbm>>) target(%dma_start3A_39 : memref<624x128xf32, #tpu.memory_space<vmem_shared>>) target_semaphore(%run_scoped3A : memref<!tpu.dma_semaphore, #tpu.memory_space<semaphore_mem>>)
        %dma_wait3A = arith.constant 0 : i32
        %dma_wait3A_42 = tpu.memref_slice %arg11[%mul3A_0, %dma_wait3A] : memref<10128x128xf32, #tpu.memory_space<vmem_shared>> -> memref<624x128xf32, #tpu.memory_space<vmem_shared>>
        %dma_wait3A_43 = arith.constant 0 : i32
        %dma_wait3A_44 = tpu.memref_slice %arg2[%mul3A_0, %dma_wait3A_43] : memref<10000x128xf32, #tpu.memory_space<hbm>> -> memref<624x128xf32, #tpu.memory_space<hbm>>
        tpu.wait_dma2 semaphore(%run_scoped3A : memref<!tpu.dma_semaphore, #tpu.memory_space<semaphore_mem>>) src(%dma_wait3A_44 : memref<624x128xf32, #tpu.memory_space<hbm>>) dst(%dma_wait3A_42 : memref<624x128xf32, #tpu.memory_space<vmem_shared>>)
        tpu.yield
      }) : () -> ()
    } else {
    }
    %eq3A = arith.constant 15 : i32
    %eq3A_3 = arith.cmpi eq, %arg1, %eq3A : i32
    %convert_element_type3A_4 = arith.extui %eq3A_3 : i1 to i32
    %cond3A_5 = arith.constant 0 : i32
    %cond3A_6 = arith.cmpi ne, %convert_element_type3A_4, %cond3A_5 : i32
    scf.if %cond3A_6 {
      "tpu.region"() ({
        %run_scoped3A = tpu.sem_alloc : memref<!tpu.dma_semaphore, #tpu.memory_space<semaphore_mem>>
        %dma_start3A_38 = arith.constant 0 : i32
        %dma_start3A_39 = tpu.memref_slice %arg11[%mul3A_0, %dma_start3A_38] : memref<10128x128xf32, #tpu.memory_space<vmem_shared>> -> memref<640x128xf32, #tpu.memory_space<vmem_shared>>
        %dma_start3A_40 = arith.constant 0 : i32
        %dma_start3A_41 = tpu.memref_slice %arg2[%mul3A_0, %dma_start3A_40] : memref<10000x128xf32, #tpu.memory_space<hbm>> -> memref<640x128xf32, #tpu.memory_space<hbm>>
        tpu.enqueue_dma source(%dma_start3A_41 : memref<640x128xf32, #tpu.memory_space<hbm>>) target(%dma_start3A_39 : memref<640x128xf32, #tpu.memory_space<vmem_shared>>) target_semaphore(%run_scoped3A : memref<!tpu.dma_semaphore, #tpu.memory_space<semaphore_mem>>)
        %dma_wait3A = arith.constant 0 : i32
        %dma_wait3A_42 = tpu.memref_slice %arg11[%mul3A_0, %dma_wait3A] : memref<10128x128xf32, #tpu.memory_space<vmem_shared>> -> memref<640x128xf32, #tpu.memory_space<vmem_shared>>
        %dma_wait3A_43 = arith.constant 0 : i32
        %dma_wait3A_44 = tpu.memref_slice %arg2[%mul3A_0, %dma_wait3A_43] : memref<10000x128xf32, #tpu.memory_space<hbm>> -> memref<640x128xf32, #tpu.memory_space<hbm>>
        tpu.wait_dma2 semaphore(%run_scoped3A : memref<!tpu.dma_semaphore, #tpu.memory_space<semaphore_mem>>) src(%dma_wait3A_44 : memref<640x128xf32, #tpu.memory_space<hbm>>) dst(%dma_wait3A_42 : memref<640x128xf32, #tpu.memory_space<vmem_shared>>)
        tpu.yield
      }) : () -> ()
    } else {
    }
    %mul3A_7 = arith.constant 1280 : i32
    %mul3A_8 = arith.muli %arg0, %mul3A_7 : i32
    %mul3A_9 = arith.constant 80 : i32
    %mul3A_10 = arith.muli %arg1, %mul3A_9 : i32
    %add3A = arith.addi %mul3A_8, %mul3A_10 : i32
    "tpu.region"() ({
      %run_scoped3A = tpu.sem_alloc : memref<!tpu.dma_semaphore, #tpu.memory_space<semaphore_mem>>
      %dma_start3A_38 = arith.constant 0 : i32
      %dma_start3A_39 = tpu.memref_slice %arg3[%add3A, %dma_start3A_38] : memref<2560x128xi32, #tpu.memory_space<hbm>> -> memref<80x128xi32, #tpu.memory_space<hbm>>
      %dma_start3A_40 = arith.constant 0 : i32
      %dma_start3A_41 = tpu.memref_slice %arg3[%add3A, %dma_start3A_40] : memref<2560x128xi32, #tpu.memory_space<hbm>> -> memref<80x128xi32, #tpu.memory_space<hbm>>
      tpu.enqueue_dma source(%dma_start3A_41 : memref<80x128xi32, #tpu.memory_space<hbm>>) target(%arg6 : memref<80x128xi32, #tpu.memory_space<vmem>>) target_semaphore(%run_scoped3A : memref<!tpu.dma_semaphore, #tpu.memory_space<semaphore_mem>>)
      %dma_wait3A = arith.constant 0 : i32
      %dma_wait3A_42 = tpu.memref_slice %arg3[%add3A, %dma_wait3A] : memref<2560x128xi32, #tpu.memory_space<hbm>> -> memref<80x128xi32, #tpu.memory_space<hbm>>
      %dma_wait3A_43 = arith.constant 0 : i32
      %dma_wait3A_44 = tpu.memref_slice %arg3[%add3A, %dma_wait3A_43] : memref<2560x128xi32, #tpu.memory_space<hbm>> -> memref<80x128xi32, #tpu.memory_space<hbm>>
      tpu.wait_dma2 semaphore(%run_scoped3A : memref<!tpu.dma_semaphore, #tpu.memory_space<semaphore_mem>>) src(%dma_wait3A_44 : memref<80x128xi32, #tpu.memory_space<hbm>>) dst(%arg6 : memref<80x128xi32, #tpu.memory_space<vmem>>)
      tpu.yield
    }) : () -> ()
    %dma_start3A = arith.constant 0 : i32
    %dma_start3A_11 = arith.constant 0 : i32
    %dma_start3A_12 = tpu.memref_slice %arg6[%dma_start3A, %dma_start3A_11] : memref<80x128xi32, #tpu.memory_space<vmem>> -> memref<1x128xi32, #tpu.memory_space<vmem>>
    %dma_start3A_13 = tpu.memref_squeeze %dma_start3A_12 : memref<1x128xi32, #tpu.memory_space<vmem>> -> memref<128xi32, #tpu.memory_space<vmem>>
    %dma_start3A_14 = arith.constant 0 : i32
    %dma_start3A_15 = arith.constant 0 : i32
    %dma_start3A_16 = tpu.memref_slice %arg2[%dma_start3A_14, %dma_start3A_15] : memref<10000x128xf32, #tpu.memory_space<hbm>> -> memref<10000x128xf32, #tpu.memory_space<hbm>>
    tpu.enqueue_indirect_dma source(%dma_start3A_16 : memref<10000x128xf32, #tpu.memory_space<hbm>>) target(%arg9 : memref<128x128xf32, #tpu.memory_space<vmem>>) offsets(%dma_start3A_13 : memref<128xi32, #tpu.memory_space<vmem>>) semaphore(%arg12 : memref<!tpu.dma_semaphore, #tpu.memory_space<semaphore_mem>>)
    %dma_start3A_17 = arith.constant 0 : i32
    %dma_start3A_18 = tpu.memref_slice %arg4[%add3A, %dma_start3A_17] : memref<2560x128xi32, #tpu.memory_space<hbm>> -> memref<1x128xi32, #tpu.memory_space<hbm>>
    %dma_start3A_19 = tpu.memref_squeeze %dma_start3A_18 : memref<1x128xi32, #tpu.memory_space<hbm>> -> memref<128xi32, #tpu.memory_space<hbm>>
    %dma_start3A_20 = arith.constant 0 : i32
    %dma_start3A_21 = tpu.memref_slice %arg4[%add3A, %dma_start3A_20] : memref<2560x128xi32, #tpu.memory_space<hbm>> -> memref<1x128xi32, #tpu.memory_space<hbm>>
    %dma_start3A_22 = tpu.memref_squeeze %dma_start3A_21 : memref<1x128xi32, #tpu.memory_space<hbm>> -> memref<128xi32, #tpu.memory_space<hbm>>
    tpu.enqueue_dma source(%dma_start3A_22 : memref<128xi32, #tpu.memory_space<hbm>>) target(%arg7 : memref<128xi32, #tpu.memory_space<vmem>>) target_semaphore(%arg14 : memref<!tpu.dma_semaphore, #tpu.memory_space<semaphore_mem>>)
    %barrier3A = arith.constant 0 : index
    tpu.barrier barrier_id(%barrier3A)
    %scan3A = arith.constant 0 : i32
    %scan3A_23 = arith.constant 40 : i32
    %scan3A_24 = arith.addi %scan3A, %scan3A_23 : i32
    %scan3A_25 = arith.constant 1 : i32
    scf.for %scan3A_38 = %scan3A to %scan3A_24 step %scan3A_25  : i32 {
      %mul3A_39 = arith.constant 1 : i32
      %mul3A_40 = arith.muli %scan3A_38, %mul3A_39 : i32
      %add3A_41 = arith.constant 0 : i32
      %add3A_42 = arith.addi %add3A_41, %mul3A_40 : i32
      %mul3A_43 = arith.constant 2 : i32
      %mul3A_44 = arith.muli %mul3A_43, %add3A_42 : i32
      %add3A_45 = arith.constant 1 : i32
      %add3A_46 = arith.addi %mul3A_44, %add3A_45 : i32
      %dma_start3A_47 = arith.constant 0 : i32
      %dma_start3A_48 = tpu.memref_slice %arg6[%add3A_46, %dma_start3A_47] : memref<80x128xi32, #tpu.memory_space<vmem>> -> memref<1x128xi32, #tpu.memory_space<vmem>>
      %dma_start3A_49 = tpu.memref_squeeze %dma_start3A_48 : memref<1x128xi32, #tpu.memory_space<vmem>> -> memref<128xi32, #tpu.memory_space<vmem>>
      %dma_start3A_50 = arith.constant 0 : i32
      %dma_start3A_51 = arith.constant 0 : i32
      %dma_start3A_52 = tpu.memref_slice %arg2[%dma_start3A_50, %dma_start3A_51] : memref<10000x128xf32, #tpu.memory_space<hbm>> -> memref<10000x128xf32, #tpu.memory_space<hbm>>
      tpu.enqueue_indirect_dma source(%dma_start3A_52 : memref<10000x128xf32, #tpu.memory_space<hbm>>) target(%arg10 : memref<128x128xf32, #tpu.memory_space<vmem>>) offsets(%dma_start3A_49 : memref<128xi32, #tpu.memory_space<vmem>>) semaphore(%arg13 : memref<!tpu.dma_semaphore, #tpu.memory_space<semaphore_mem>>)
      %add3A_53 = arith.addi %add3A, %mul3A_44 : i32
      %add3A_54 = arith.constant 1 : i32
      %add3A_55 = arith.addi %add3A_53, %add3A_54 : i32
      %dma_start3A_56 = arith.constant 0 : i32
      %dma_start3A_57 = tpu.memref_slice %arg4[%add3A_55, %dma_start3A_56] : memref<2560x128xi32, #tpu.memory_space<hbm>> -> memref<1x128xi32, #tpu.memory_space<hbm>>
      %dma_start3A_58 = tpu.memref_squeeze %dma_start3A_57 : memref<1x128xi32, #tpu.memory_space<hbm>> -> memref<128xi32, #tpu.memory_space<hbm>>
      %dma_start3A_59 = arith.constant 0 : i32
      %dma_start3A_60 = tpu.memref_slice %arg4[%add3A_55, %dma_start3A_59] : memref<2560x128xi32, #tpu.memory_space<hbm>> -> memref<1x128xi32, #tpu.memory_space<hbm>>
      %dma_start3A_61 = tpu.memref_squeeze %dma_start3A_60 : memref<1x128xi32, #tpu.memory_space<hbm>> -> memref<128xi32, #tpu.memory_space<hbm>>
      tpu.enqueue_dma source(%dma_start3A_61 : memref<128xi32, #tpu.memory_space<hbm>>) target(%arg8 : memref<128xi32, #tpu.memory_space<vmem>>) target_semaphore(%arg15 : memref<!tpu.dma_semaphore, #tpu.memory_space<semaphore_mem>>)
      %dma_wait3A = arith.constant 0 : i32
      %dma_wait3A_62 = tpu.memref_slice %arg6[%mul3A_44, %dma_wait3A] : memref<80x128xi32, #tpu.memory_space<vmem>> -> memref<1x128xi32, #tpu.memory_space<vmem>>
      %dma_wait3A_63 = tpu.memref_squeeze %dma_wait3A_62 : memref<1x128xi32, #tpu.memory_space<vmem>> -> memref<128xi32, #tpu.memory_space<vmem>>
      %dma_wait3A_64 = arith.constant 0 : i32
      %dma_wait3A_65 = arith.constant 0 : i32
      %dma_wait3A_66 = tpu.memref_slice %arg2[%dma_wait3A_64, %dma_wait3A_65] : memref<10000x128xf32, #tpu.memory_space<hbm>> -> memref<10000x128xf32, #tpu.memory_space<hbm>>
      tpu.wait_indirect_dma semaphore(%arg12 : memref<!tpu.dma_semaphore, #tpu.memory_space<semaphore_mem>>) src(%dma_wait3A_66 : memref<10000x128xf32, #tpu.memory_space<hbm>>) dst(%arg9 : memref<128x128xf32, #tpu.memory_space<vmem>>)
      %add3A_67 = arith.addi %add3A, %mul3A_44 : i32
      %dma_wait3A_68 = arith.constant 0 : i32
      %dma_wait3A_69 = tpu.memref_slice %arg4[%add3A_67, %dma_wait3A_68] : memref<2560x128xi32, #tpu.memory_space<hbm>> -> memref<1x128xi32, #tpu.memory_space<hbm>>
      %dma_wait3A_70 = tpu.memref_squeeze %dma_wait3A_69 : memref<1x128xi32, #tpu.memory_space<hbm>> -> memref<128xi32, #tpu.memory_space<hbm>>
      %dma_wait3A_71 = arith.constant 0 : i32
      %dma_wait3A_72 = tpu.memref_slice %arg4[%add3A_67, %dma_wait3A_71] : memref<2560x128xi32, #tpu.memory_space<hbm>> -> memref<1x128xi32, #tpu.memory_space<hbm>>
      %dma_wait3A_73 = tpu.memref_squeeze %dma_wait3A_72 : memref<1x128xi32, #tpu.memory_space<hbm>> -> memref<128xi32, #tpu.memory_space<hbm>>
      tpu.wait_dma2 semaphore(%arg14 : memref<!tpu.dma_semaphore, #tpu.memory_space<semaphore_mem>>) src(%dma_wait3A_73 : memref<128xi32, #tpu.memory_space<hbm>>) dst(%arg7 : memref<128xi32, #tpu.memory_space<vmem>>)
      "tpu.region"() ({
        %run_scoped3A = tpu.sem_alloc : memref<!tpu.dma_semaphore, #tpu.memory_space<semaphore_mem>>
        %dma_start3A_96 = arith.constant 0 : i32
        %dma_start3A_97 = arith.constant 0 : i32
        %dma_start3A_98 = tpu.memref_slice %arg11[%dma_start3A_96, %dma_start3A_97] : memref<10128x128xf32, #tpu.memory_space<vmem_shared>> -> memref<10128x128xf32, #tpu.memory_space<vmem_shared>>
        tpu.enqueue_indirect_dma source(%arg9 : memref<128x128xf32, #tpu.memory_space<vmem>>) target(%dma_start3A_98 : memref<10128x128xf32, #tpu.memory_space<vmem_shared>>) offsets(%arg7 : memref<128xi32, #tpu.memory_space<vmem>>) semaphore(%run_scoped3A : memref<!tpu.dma_semaphore, #tpu.memory_space<semaphore_mem>>) {add = true}
        %dma_wait3A_99 = arith.constant 0 : i32
        %dma_wait3A_100 = arith.constant 0 : i32
        %dma_wait3A_101 = tpu.memref_slice %arg11[%dma_wait3A_99, %dma_wait3A_100] : memref<10128x128xf32, #tpu.memory_space<vmem_shared>> -> memref<10128x128xf32, #tpu.memory_space<vmem_shared>>
        tpu.wait_indirect_dma semaphore(%run_scoped3A : memref<!tpu.dma_semaphore, #tpu.memory_space<semaphore_mem>>) src(%arg9 : memref<128x128xf32, #tpu.memory_space<vmem>>) dst(%dma_wait3A_101 : memref<10128x128xf32, #tpu.memory_space<vmem_shared>>)
        tpu.yield
      }) : () -> ()
      %lt3A_74 = arith.constant 39 : i32
      %lt3A_75 = arith.cmpi slt, %add3A_42, %lt3A_74 : i32
      %convert_element_type3A_76 = arith.extui %lt3A_75 : i1 to i32
      %cond3A_77 = arith.constant 0 : i32
      %cond3A_78 = arith.cmpi ne, %convert_element_type3A_76, %cond3A_77 : i32
      scf.if %cond3A_78 {
        %add3A_96 = arith.constant 2 : i32
        %add3A_97 = arith.addi %mul3A_44, %add3A_96 : i32
        %dma_start3A_98 = arith.constant 0 : i32
        %dma_start3A_99 = tpu.memref_slice %arg6[%add3A_97, %dma_start3A_98] : memref<80x128xi32, #tpu.memory_space<vmem>> -> memref<1x128xi32, #tpu.memory_space<vmem>>
        %dma_start3A_100 = tpu.memref_squeeze %dma_start3A_99 : memref<1x128xi32, #tpu.memory_space<vmem>> -> memref<128xi32, #tpu.memory_space<vmem>>
        %dma_start3A_101 = arith.constant 0 : i32
        %dma_start3A_102 = arith.constant 0 : i32
        %dma_start3A_103 = tpu.memref_slice %arg2[%dma_start3A_101, %dma_start3A_102] : memref<10000x128xf32, #tpu.memory_space<hbm>> -> memref<10000x128xf32, #tpu.memory_space<hbm>>
        tpu.enqueue_indirect_dma source(%dma_start3A_103 : memref<10000x128xf32, #tpu.memory_space<hbm>>) target(%arg9 : memref<128x128xf32, #tpu.memory_space<vmem>>) offsets(%dma_start3A_100 : memref<128xi32, #tpu.memory_space<vmem>>) semaphore(%arg12 : memref<!tpu.dma_semaphore, #tpu.memory_space<semaphore_mem>>)
        %add3A_104 = arith.addi %add3A, %mul3A_44 : i32
        %add3A_105 = arith.constant 2 : i32
        %add3A_106 = arith.addi %add3A_104, %add3A_105 : i32
        %dma_start3A_107 = arith.constant 0 : i32
        %dma_start3A_108 = tpu.memref_slice %arg4[%add3A_106, %dma_start3A_107] : memref<2560x128xi32, #tpu.memory_space<hbm>> -> memref<1x128xi32, #tpu.memory_space<hbm>>
        %dma_start3A_109 = tpu.memref_squeeze %dma_start3A_108 : memref<1x128xi32, #tpu.memory_space<hbm>> -> memref<128xi32, #tpu.memory_space<hbm>>
        %dma_start3A_110 = arith.constant 0 : i32
        %dma_start3A_111 = tpu.memref_slice %arg4[%add3A_106, %dma_start3A_110] : memref<2560x128xi32, #tpu.memory_space<hbm>> -> memref<1x128xi32, #tpu.memory_space<hbm>>
        %dma_start3A_112 = tpu.memref_squeeze %dma_start3A_111 : memref<1x128xi32, #tpu.memory_space<hbm>> -> memref<128xi32, #tpu.memory_space<hbm>>
        tpu.enqueue_dma source(%dma_start3A_112 : memref<128xi32, #tpu.memory_space<hbm>>) target(%arg7 : memref<128xi32, #tpu.memory_space<vmem>>) target_semaphore(%arg14 : memref<!tpu.dma_semaphore, #tpu.memory_space<semaphore_mem>>)
      } else {
      }
      %add3A_79 = arith.constant 1 : i32
      %add3A_80 = arith.addi %mul3A_44, %add3A_79 : i32
      %dma_wait3A_81 = arith.constant 0 : i32
      %dma_wait3A_82 = tpu.memref_slice %arg6[%add3A_80, %dma_wait3A_81] : memref<80x128xi32, #tpu.memory_space<vmem>> -> memref<1x128xi32, #tpu.memory_space<vmem>>
      %dma_wait3A_83 = tpu.memref_squeeze %dma_wait3A_82 : memref<1x128xi32, #tpu.memory_space<vmem>> -> memref<128xi32, #tpu.memory_space<vmem>>
      %dma_wait3A_84 = arith.constant 0 : i32
      %dma_wait3A_85 = arith.constant 0 : i32
      %dma_wait3A_86 = tpu.memref_slice %arg2[%dma_wait3A_84, %dma_wait3A_85] : memref<10000x128xf32, #tpu.memory_space<hbm>> -> memref<10000x128xf32, #tpu.memory_space<hbm>>
      tpu.wait_indirect_dma semaphore(%arg13 : memref<!tpu.dma_semaphore, #tpu.memory_space<semaphore_mem>>) src(%dma_wait3A_86 : memref<10000x128xf32, #tpu.memory_space<hbm>>) dst(%arg10 : memref<128x128xf32, #tpu.memory_space<vmem>>)
      %add3A_87 = arith.addi %add3A, %mul3A_44 : i32
      %add3A_88 = arith.constant 1 : i32
      %add3A_89 = arith.addi %add3A_87, %add3A_88 : i32
      %dma_wait3A_90 = arith.constant 0 : i32
      %dma_wait3A_91 = tpu.memref_slice %arg4[%add3A_89, %dma_wait3A_90] : memref<2560x128xi32, #tpu.memory_space<hbm>> -> memref<1x128xi32, #tpu.memory_space<hbm>>
      %dma_wait3A_92 = tpu.memref_squeeze %dma_wait3A_91 : memref<1x128xi32, #tpu.memory_space<hbm>> -> memref<128xi32, #tpu.memory_space<hbm>>
      %dma_wait3A_93 = arith.constant 0 : i32
      %dma_wait3A_94 = tpu.memref_slice %arg4[%add3A_89, %dma_wait3A_93] : memref<2560x128xi32, #tpu.memory_space<hbm>> -> memref<1x128xi32, #tpu.memory_space<hbm>>
      %dma_wait3A_95 = tpu.memref_squeeze %dma_wait3A_94 : memref<1x128xi32, #tpu.memory_space<hbm>> -> memref<128xi32, #tpu.memory_space<hbm>>
      tpu.wait_dma2 semaphore(%arg15 : memref<!tpu.dma_semaphore, #tpu.memory_space<semaphore_mem>>) src(%dma_wait3A_95 : memref<128xi32, #tpu.memory_space<hbm>>) dst(%arg8 : memref<128xi32, #tpu.memory_space<vmem>>)
      "tpu.region"() ({
        %run_scoped3A = tpu.sem_alloc : memref<!tpu.dma_semaphore, #tpu.memory_space<semaphore_mem>>
        %dma_start3A_96 = arith.constant 0 : i32
        %dma_start3A_97 = arith.constant 0 : i32
        %dma_start3A_98 = tpu.memref_slice %arg11[%dma_start3A_96, %dma_start3A_97] : memref<10128x128xf32, #tpu.memory_space<vmem_shared>> -> memref<10128x128xf32, #tpu.memory_space<vmem_shared>>
        tpu.enqueue_indirect_dma source(%arg10 : memref<128x128xf32, #tpu.memory_space<vmem>>) target(%dma_start3A_98 : memref<10128x128xf32, #tpu.memory_space<vmem_shared>>) offsets(%arg8 : memref<128xi32, #tpu.memory_space<vmem>>) semaphore(%run_scoped3A : memref<!tpu.dma_semaphore, #tpu.memory_space<semaphore_mem>>) {add = true}
        %dma_wait3A_99 = arith.constant 0 : i32
        %dma_wait3A_100 = arith.constant 0 : i32
        %dma_wait3A_101 = tpu.memref_slice %arg11[%dma_wait3A_99, %dma_wait3A_100] : memref<10128x128xf32, #tpu.memory_space<vmem_shared>> -> memref<10128x128xf32, #tpu.memory_space<vmem_shared>>
        tpu.wait_indirect_dma semaphore(%run_scoped3A : memref<!tpu.dma_semaphore, #tpu.memory_space<semaphore_mem>>) src(%arg10 : memref<128x128xf32, #tpu.memory_space<vmem>>) dst(%dma_wait3A_101 : memref<10128x128xf32, #tpu.memory_space<vmem_shared>>)
        tpu.yield
      }) : () -> ()
    }
    %scan3A_26 = arith.constant 40 : i32
    %barrier3A_27 = arith.constant 0 : index
    tpu.barrier barrier_id(%barrier3A_27)
    %lt3A_28 = arith.constant 15 : i32
    %lt3A_29 = arith.cmpi slt, %arg1, %lt3A_28 : i32
    %convert_element_type3A_30 = arith.extui %lt3A_29 : i1 to i32
    %cond3A_31 = arith.constant 0 : i32
    %cond3A_32 = arith.cmpi ne, %convert_element_type3A_30, %cond3A_31 : i32
    scf.if %cond3A_32 {
      "tpu.region"() ({
        %run_scoped3A = tpu.sem_alloc : memref<!tpu.dma_semaphore, #tpu.memory_space<semaphore_mem>>
        %dma_start3A_38 = arith.constant 0 : i32
        %dma_start3A_39 = tpu.memref_slice %arg5[%arg0, %mul3A_0, %dma_start3A_38] : memref<2x10000x128xf32, #tpu.memory_space<hbm>> -> memref<1x624x128xf32, #tpu.memory_space<hbm>>
        %dma_start3A_40 = tpu.memref_squeeze %dma_start3A_39 : memref<1x624x128xf32, #tpu.memory_space<hbm>> -> memref<624x128xf32, #tpu.memory_space<hbm>>
        %dma_start3A_41 = arith.constant 0 : i32
        %dma_start3A_42 = tpu.memref_slice %arg11[%mul3A_0, %dma_start3A_41] : memref<10128x128xf32, #tpu.memory_space<vmem_shared>> -> memref<624x128xf32, #tpu.memory_space<vmem_shared>>
        tpu.enqueue_dma source(%dma_start3A_42 : memref<624x128xf32, #tpu.memory_space<vmem_shared>>) target(%dma_start3A_40 : memref<624x128xf32, #tpu.memory_space<hbm>>) target_semaphore(%run_scoped3A : memref<!tpu.dma_semaphore, #tpu.memory_space<semaphore_mem>>)
        %dma_wait3A = arith.constant 0 : i32
        %dma_wait3A_43 = tpu.memref_slice %arg5[%arg0, %mul3A_0, %dma_wait3A] : memref<2x10000x128xf32, #tpu.memory_space<hbm>> -> memref<1x624x128xf32, #tpu.memory_space<hbm>>
        %dma_wait3A_44 = tpu.memref_squeeze %dma_wait3A_43 : memref<1x624x128xf32, #tpu.memory_space<hbm>> -> memref<624x128xf32, #tpu.memory_space<hbm>>
        %dma_wait3A_45 = arith.constant 0 : i32
        %dma_wait3A_46 = tpu.memref_slice %arg11[%mul3A_0, %dma_wait3A_45] : memref<10128x128xf32, #tpu.memory_space<vmem_shared>> -> memref<624x128xf32, #tpu.memory_space<vmem_shared>>
        tpu.wait_dma2 semaphore(%run_scoped3A : memref<!tpu.dma_semaphore, #tpu.memory_space<semaphore_mem>>) src(%dma_wait3A_46 : memref<624x128xf32, #tpu.memory_space<vmem_shared>>) dst(%dma_wait3A_44 : memref<624x128xf32, #tpu.memory_space<hbm>>)
        tpu.yield
      }) : () -> ()
    } else {
    }
    %eq3A_33 = arith.constant 15 : i32
    %eq3A_34 = arith.cmpi eq, %arg1, %eq3A_33 : i32
    %convert_element_type3A_35 = arith.extui %eq3A_34 : i1 to i32
    %cond3A_36 = arith.constant 0 : i32
    %cond3A_37 = arith.cmpi ne, %convert_element_type3A_35, %cond3A_36 : i32
    scf.if %cond3A_37 {
      "tpu.region"() ({
        %run_scoped3A = tpu.sem_alloc : memref<!tpu.dma_semaphore, #tpu.memory_space<semaphore_mem>>
        %dma_start3A_38 = arith.constant 0 : i32
        %dma_start3A_39 = tpu.memref_slice %arg5[%arg0, %mul3A_0, %dma_start3A_38] : memref<2x10000x128xf32, #tpu.memory_space<hbm>> -> memref<1x640x128xf32, #tpu.memory_space<hbm>>
        %dma_start3A_40 = tpu.memref_squeeze %dma_start3A_39 : memref<1x640x128xf32, #tpu.memory_space<hbm>> -> memref<640x128xf32, #tpu.memory_space<hbm>>
        %dma_start3A_41 = arith.constant 0 : i32
        %dma_start3A_42 = tpu.memref_slice %arg11[%mul3A_0, %dma_start3A_41] : memref<10128x128xf32, #tpu.memory_space<vmem_shared>> -> memref<640x128xf32, #tpu.memory_space<vmem_shared>>
        tpu.enqueue_dma source(%dma_start3A_42 : memref<640x128xf32, #tpu.memory_space<vmem_shared>>) target(%dma_start3A_40 : memref<640x128xf32, #tpu.memory_space<hbm>>) target_semaphore(%run_scoped3A : memref<!tpu.dma_semaphore, #tpu.memory_space<semaphore_mem>>)
        %dma_wait3A = arith.constant 0 : i32
        %dma_wait3A_43 = tpu.memref_slice %arg5[%arg0, %mul3A_0, %dma_wait3A] : memref<2x10000x128xf32, #tpu.memory_space<hbm>> -> memref<1x640x128xf32, #tpu.memory_space<hbm>>
        %dma_wait3A_44 = tpu.memref_squeeze %dma_wait3A_43 : memref<1x640x128xf32, #tpu.memory_space<hbm>> -> memref<640x128xf32, #tpu.memory_space<hbm>>
        %dma_wait3A_45 = arith.constant 0 : i32
        %dma_wait3A_46 = tpu.memref_slice %arg11[%mul3A_0, %dma_wait3A_45] : memref<10128x128xf32, #tpu.memory_space<vmem_shared>> -> memref<640x128xf32, #tpu.memory_space<vmem_shared>>
        tpu.wait_dma2 semaphore(%run_scoped3A : memref<!tpu.dma_semaphore, #tpu.memory_space<semaphore_mem>>) src(%dma_wait3A_46 : memref<640x128xf32, #tpu.memory_space<vmem_shared>>) dst(%dma_wait3A_44 : memref<640x128xf32, #tpu.memory_space<hbm>>)
        tpu.yield
      }) : () -> ()
    } else {
    }
    return
  }
}

#map = affine_map<(d0, d1) -> (0, 0)>
#map1 = affine_map<(d0, d1) -> (0, 0, 0)>
module attributes {stable_mosaic.version = 14 : i64} {
  func.func @_sc_scatter_body(%arg0: i32, %arg1: i32, %arg2: memref<10000x128xf32, #tpu.memory_space<hbm>>, %arg3: memref<2560x128xi32, #tpu.memory_space<hbm>>, %arg4: memref<2560x128xi32, #tpu.memory_space<hbm>>, %arg5: memref<2x10000x128xf32, #tpu.memory_space<hbm>>, %arg6: memref<80x128xi32, #tpu.memory_space<vmem>>, %arg7: memref<128xi32, #tpu.memory_space<vmem>>, %arg8: memref<128xi32, #tpu.memory_space<vmem>>, %arg9: memref<128x128xf32, #tpu.memory_space<vmem>>, %arg10: memref<128x128xf32, #tpu.memory_space<vmem>>, %arg11: memref<10128x128xf32, #tpu.memory_space<vmem_shared>>, %arg12: memref<!tpu.dma_semaphore, #tpu.memory_space<semaphore_mem>>, %arg13: memref<!tpu.dma_semaphore, #tpu.memory_space<semaphore_mem>>, %arg14: memref<!tpu.dma_semaphore, #tpu.memory_space<semaphore_mem>>, %arg15: memref<!tpu.dma_semaphore, #tpu.memory_space<semaphore_mem>>) attributes {dimension_semantics = [#tpu.dimension_semantics<core_parallel>, #tpu.dimension_semantics<subcore_parallel>], iteration_bounds = array<i64: 2, 16>, scalar_prefetch = 0 : i64, scratch_operands = 10 : i64, tpu.core_type = #tpu.core_type<sc_vector_subcore>, window_params = [{transform_indices = #map}, {transform_indices = #map}, {transform_indices = #map}, {transform_indices = #map1}]} {
    %mul3A = arith.constant 624 : i32
    %mul3A_0 = arith.muli %arg1, %mul3A : i32
    %lt3A = arith.constant 15 : i32
    %lt3A_1 = arith.cmpi slt, %arg1, %lt3A : i32
    %convert_element_type3A = arith.extui %lt3A_1 : i1 to i32
    %cond3A = arith.constant 0 : i32
    %cond3A_2 = arith.cmpi ne, %convert_element_type3A, %cond3A : i32
    scf.if %cond3A_2 {
      "tpu.region"() ({
        %run_scoped3A = tpu.sem_alloc : memref<!tpu.dma_semaphore, #tpu.memory_space<semaphore_mem>>
        %dma_start3A_38 = arith.constant 0 : i32
        %dma_start3A_39 = tpu.memref_slice %arg11[%mul3A_0, %dma_start3A_38] : memref<10128x128xf32, #tpu.memory_space<vmem_shared>> -> memref<624x128xf32, #tpu.memory_space<vmem_shared>>
        %dma_start3A_40 = arith.constant 0 : i32
        %dma_start3A_41 = tpu.memref_slice %arg2[%mul3A_0, %dma_start3A_40] : memref<10000x128xf32, #tpu.memory_space<hbm>> -> memref<624x128xf32, #tpu.memory_space<hbm>>
        tpu.enqueue_dma source(%dma_start3A_41 : memref<624x128xf32, #tpu.memory_space<hbm>>) target(%dma_start3A_39 : memref<624x128xf32, #tpu.memory_space<vmem_shared>>) target_semaphore(%run_scoped3A : memref<!tpu.dma_semaphore, #tpu.memory_space<semaphore_mem>>)
        %dma_wait3A = arith.constant 0 : i32
        %dma_wait3A_42 = tpu.memref_slice %arg11[%mul3A_0, %dma_wait3A] : memref<10128x128xf32, #tpu.memory_space<vmem_shared>> -> memref<624x128xf32, #tpu.memory_space<vmem_shared>>
        %dma_wait3A_43 = arith.constant 0 : i32
        %dma_wait3A_44 = tpu.memref_slice %arg2[%mul3A_0, %dma_wait3A_43] : memref<10000x128xf32, #tpu.memory_space<hbm>> -> memref<624x128xf32, #tpu.memory_space<hbm>>
        tpu.wait_dma2 semaphore(%run_scoped3A : memref<!tpu.dma_semaphore, #tpu.memory_space<semaphore_mem>>) src(%dma_wait3A_44 : memref<624x128xf32, #tpu.memory_space<hbm>>) dst(%dma_wait3A_42 : memref<624x128xf32, #tpu.memory_space<vmem_shared>>)
        tpu.yield
      }) : () -> ()
    } else {
    }
    %eq3A = arith.constant 15 : i32
    %eq3A_3 = arith.cmpi eq, %arg1, %eq3A : i32
    %convert_element_type3A_4 = arith.extui %eq3A_3 : i1 to i32
    %cond3A_5 = arith.constant 0 : i32
    %cond3A_6 = arith.cmpi ne, %convert_element_type3A_4, %cond3A_5 : i32
    scf.if %cond3A_6 {
      "tpu.region"() ({
        %run_scoped3A = tpu.sem_alloc : memref<!tpu.dma_semaphore, #tpu.memory_space<semaphore_mem>>
        %dma_start3A_38 = arith.constant 0 : i32
        %dma_start3A_39 = tpu.memref_slice %arg11[%mul3A_0, %dma_start3A_38] : memref<10128x128xf32, #tpu.memory_space<vmem_shared>> -> memref<640x128xf32, #tpu.memory_space<vmem_shared>>
        %dma_start3A_40 = arith.constant 0 : i32
        %dma_start3A_41 = tpu.memref_slice %arg2[%mul3A_0, %dma_start3A_40] : memref<10000x128xf32, #tpu.memory_space<hbm>> -> memref<640x128xf32, #tpu.memory_space<hbm>>
        tpu.enqueue_dma source(%dma_start3A_41 : memref<640x128xf32, #tpu.memory_space<hbm>>) target(%dma_start3A_39 : memref<640x128xf32, #tpu.memory_space<vmem_shared>>) target_semaphore(%run_scoped3A : memref<!tpu.dma_semaphore, #tpu.memory_space<semaphore_mem>>)
        %dma_wait3A = arith.constant 0 : i32
        %dma_wait3A_42 = tpu.memref_slice %arg11[%mul3A_0, %dma_wait3A] : memref<10128x128xf32, #tpu.memory_space<vmem_shared>> -> memref<640x128xf32, #tpu.memory_space<vmem_shared>>
        %dma_wait3A_43 = arith.constant 0 : i32
        %dma_wait3A_44 = tpu.memref_slice %arg2[%mul3A_0, %dma_wait3A_43] : memref<10000x128xf32, #tpu.memory_space<hbm>> -> memref<640x128xf32, #tpu.memory_space<hbm>>
        tpu.wait_dma2 semaphore(%run_scoped3A : memref<!tpu.dma_semaphore, #tpu.memory_space<semaphore_mem>>) src(%dma_wait3A_44 : memref<640x128xf32, #tpu.memory_space<hbm>>) dst(%dma_wait3A_42 : memref<640x128xf32, #tpu.memory_space<vmem_shared>>)
        tpu.yield
      }) : () -> ()
    } else {
    }
    %mul3A_7 = arith.constant 1280 : i32
    %mul3A_8 = arith.muli %arg0, %mul3A_7 : i32
    %mul3A_9 = arith.constant 80 : i32
    %mul3A_10 = arith.muli %arg1, %mul3A_9 : i32
    %add3A = arith.addi %mul3A_8, %mul3A_10 : i32
    "tpu.region"() ({
      %run_scoped3A = tpu.sem_alloc : memref<!tpu.dma_semaphore, #tpu.memory_space<semaphore_mem>>
      %dma_start3A_38 = arith.constant 0 : i32
      %dma_start3A_39 = tpu.memref_slice %arg3[%add3A, %dma_start3A_38] : memref<2560x128xi32, #tpu.memory_space<hbm>> -> memref<80x128xi32, #tpu.memory_space<hbm>>
      %dma_start3A_40 = arith.constant 0 : i32
      %dma_start3A_41 = tpu.memref_slice %arg3[%add3A, %dma_start3A_40] : memref<2560x128xi32, #tpu.memory_space<hbm>> -> memref<80x128xi32, #tpu.memory_space<hbm>>
      tpu.enqueue_dma source(%dma_start3A_41 : memref<80x128xi32, #tpu.memory_space<hbm>>) target(%arg6 : memref<80x128xi32, #tpu.memory_space<vmem>>) target_semaphore(%run_scoped3A : memref<!tpu.dma_semaphore, #tpu.memory_space<semaphore_mem>>)
      %dma_wait3A = arith.constant 0 : i32
      %dma_wait3A_42 = tpu.memref_slice %arg3[%add3A, %dma_wait3A] : memref<2560x128xi32, #tpu.memory_space<hbm>> -> memref<80x128xi32, #tpu.memory_space<hbm>>
      %dma_wait3A_43 = arith.constant 0 : i32
      %dma_wait3A_44 = tpu.memref_slice %arg3[%add3A, %dma_wait3A_43] : memref<2560x128xi32, #tpu.memory_space<hbm>> -> memref<80x128xi32, #tpu.memory_space<hbm>>
      tpu.wait_dma2 semaphore(%run_scoped3A : memref<!tpu.dma_semaphore, #tpu.memory_space<semaphore_mem>>) src(%dma_wait3A_44 : memref<80x128xi32, #tpu.memory_space<hbm>>) dst(%arg6 : memref<80x128xi32, #tpu.memory_space<vmem>>)
      tpu.yield
    }) : () -> ()
    %dma_start3A = arith.constant 0 : i32
    %dma_start3A_11 = arith.constant 0 : i32
    %dma_start3A_12 = tpu.memref_slice %arg6[%dma_start3A, %dma_start3A_11] : memref<80x128xi32, #tpu.memory_space<vmem>> -> memref<1x128xi32, #tpu.memory_space<vmem>>
    %dma_start3A_13 = tpu.memref_squeeze %dma_start3A_12 : memref<1x128xi32, #tpu.memory_space<vmem>> -> memref<128xi32, #tpu.memory_space<vmem>>
    %dma_start3A_14 = arith.constant 0 : i32
    %dma_start3A_15 = arith.constant 0 : i32
    %dma_start3A_16 = tpu.memref_slice %arg2[%dma_start3A_14, %dma_start3A_15] : memref<10000x128xf32, #tpu.memory_space<hbm>> -> memref<10000x128xf32, #tpu.memory_space<hbm>>
    tpu.enqueue_indirect_dma source(%dma_start3A_16 : memref<10000x128xf32, #tpu.memory_space<hbm>>) target(%arg9 : memref<128x128xf32, #tpu.memory_space<vmem>>) offsets(%dma_start3A_13 : memref<128xi32, #tpu.memory_space<vmem>>) semaphore(%arg12 : memref<!tpu.dma_semaphore, #tpu.memory_space<semaphore_mem>>)
    %dma_start3A_17 = arith.constant 0 : i32
    %dma_start3A_18 = tpu.memref_slice %arg4[%add3A, %dma_start3A_17] : memref<2560x128xi32, #tpu.memory_space<hbm>> -> memref<1x128xi32, #tpu.memory_space<hbm>>
    %dma_start3A_19 = tpu.memref_squeeze %dma_start3A_18 : memref<1x128xi32, #tpu.memory_space<hbm>> -> memref<128xi32, #tpu.memory_space<hbm>>
    %dma_start3A_20 = arith.constant 0 : i32
    %dma_start3A_21 = tpu.memref_slice %arg4[%add3A, %dma_start3A_20] : memref<2560x128xi32, #tpu.memory_space<hbm>> -> memref<1x128xi32, #tpu.memory_space<hbm>>
    %dma_start3A_22 = tpu.memref_squeeze %dma_start3A_21 : memref<1x128xi32, #tpu.memory_space<hbm>> -> memref<128xi32, #tpu.memory_space<hbm>>
    tpu.enqueue_dma source(%dma_start3A_22 : memref<128xi32, #tpu.memory_space<hbm>>) target(%arg7 : memref<128xi32, #tpu.memory_space<vmem>>) target_semaphore(%arg14 : memref<!tpu.dma_semaphore, #tpu.memory_space<semaphore_mem>>)
    %barrier3A = arith.constant 0 : index
    tpu.barrier barrier_id(%barrier3A)
    %scan3A = arith.constant 0 : i32
    %scan3A_23 = arith.constant 40 : i32
    %scan3A_24 = arith.addi %scan3A, %scan3A_23 : i32
    %scan3A_25 = arith.constant 1 : i32
    scf.for %scan3A_38 = %scan3A to %scan3A_24 step %scan3A_25  : i32 {
      %mul3A_39 = arith.constant 1 : i32
      %mul3A_40 = arith.muli %scan3A_38, %mul3A_39 : i32
      %add3A_41 = arith.constant 0 : i32
      %add3A_42 = arith.addi %add3A_41, %mul3A_40 : i32
      %mul3A_43 = arith.constant 2 : i32
      %mul3A_44 = arith.muli %mul3A_43, %add3A_42 : i32
      %add3A_45 = arith.constant 1 : i32
      %add3A_46 = arith.addi %mul3A_44, %add3A_45 : i32
      %dma_start3A_47 = arith.constant 0 : i32
      %dma_start3A_48 = tpu.memref_slice %arg6[%add3A_46, %dma_start3A_47] : memref<80x128xi32, #tpu.memory_space<vmem>> -> memref<1x128xi32, #tpu.memory_space<vmem>>
      %dma_start3A_49 = tpu.memref_squeeze %dma_start3A_48 : memref<1x128xi32, #tpu.memory_space<vmem>> -> memref<128xi32, #tpu.memory_space<vmem>>
      %dma_start3A_50 = arith.constant 0 : i32
      %dma_start3A_51 = arith.constant 0 : i32
      %dma_start3A_52 = tpu.memref_slice %arg2[%dma_start3A_50, %dma_start3A_51] : memref<10000x128xf32, #tpu.memory_space<hbm>> -> memref<10000x128xf32, #tpu.memory_space<hbm>>
      tpu.enqueue_indirect_dma source(%dma_start3A_52 : memref<10000x128xf32, #tpu.memory_space<hbm>>) target(%arg10 : memref<128x128xf32, #tpu.memory_space<vmem>>) offsets(%dma_start3A_49 : memref<128xi32, #tpu.memory_space<vmem>>) semaphore(%arg13 : memref<!tpu.dma_semaphore, #tpu.memory_space<semaphore_mem>>)
      %add3A_53 = arith.addi %add3A, %mul3A_44 : i32
      %add3A_54 = arith.constant 1 : i32
      %add3A_55 = arith.addi %add3A_53, %add3A_54 : i32
      %dma_start3A_56 = arith.constant 0 : i32
      %dma_start3A_57 = tpu.memref_slice %arg4[%add3A_55, %dma_start3A_56] : memref<2560x128xi32, #tpu.memory_space<hbm>> -> memref<1x128xi32, #tpu.memory_space<hbm>>
      %dma_start3A_58 = tpu.memref_squeeze %dma_start3A_57 : memref<1x128xi32, #tpu.memory_space<hbm>> -> memref<128xi32, #tpu.memory_space<hbm>>
      %dma_start3A_59 = arith.constant 0 : i32
      %dma_start3A_60 = tpu.memref_slice %arg4[%add3A_55, %dma_start3A_59] : memref<2560x128xi32, #tpu.memory_space<hbm>> -> memref<1x128xi32, #tpu.memory_space<hbm>>
      %dma_start3A_61 = tpu.memref_squeeze %dma_start3A_60 : memref<1x128xi32, #tpu.memory_space<hbm>> -> memref<128xi32, #tpu.memory_space<hbm>>
      tpu.enqueue_dma source(%dma_start3A_61 : memref<128xi32, #tpu.memory_space<hbm>>) target(%arg8 : memref<128xi32, #tpu.memory_space<vmem>>) target_semaphore(%arg15 : memref<!tpu.dma_semaphore, #tpu.memory_space<semaphore_mem>>)
      %dma_wait3A = arith.constant 0 : i32
      %dma_wait3A_62 = tpu.memref_slice %arg6[%mul3A_44, %dma_wait3A] : memref<80x128xi32, #tpu.memory_space<vmem>> -> memref<1x128xi32, #tpu.memory_space<vmem>>
      %dma_wait3A_63 = tpu.memref_squeeze %dma_wait3A_62 : memref<1x128xi32, #tpu.memory_space<vmem>> -> memref<128xi32, #tpu.memory_space<vmem>>
      %dma_wait3A_64 = arith.constant 0 : i32
      %dma_wait3A_65 = arith.constant 0 : i32
      %dma_wait3A_66 = tpu.memref_slice %arg2[%dma_wait3A_64, %dma_wait3A_65] : memref<10000x128xf32, #tpu.memory_space<hbm>> -> memref<10000x128xf32, #tpu.memory_space<hbm>>
      tpu.wait_indirect_dma semaphore(%arg12 : memref<!tpu.dma_semaphore, #tpu.memory_space<semaphore_mem>>) src(%dma_wait3A_66 : memref<10000x128xf32, #tpu.memory_space<hbm>>) dst(%arg9 : memref<128x128xf32, #tpu.memory_space<vmem>>)
      %add3A_67 = arith.addi %add3A, %mul3A_44 : i32
      %dma_wait3A_68 = arith.constant 0 : i32
      %dma_wait3A_69 = tpu.memref_slice %arg4[%add3A_67, %dma_wait3A_68] : memref<2560x128xi32, #tpu.memory_space<hbm>> -> memref<1x128xi32, #tpu.memory_space<hbm>>
      %dma_wait3A_70 = tpu.memref_squeeze %dma_wait3A_69 : memref<1x128xi32, #tpu.memory_space<hbm>> -> memref<128xi32, #tpu.memory_space<hbm>>
      %dma_wait3A_71 = arith.constant 0 : i32
      %dma_wait3A_72 = tpu.memref_slice %arg4[%add3A_67, %dma_wait3A_71] : memref<2560x128xi32, #tpu.memory_space<hbm>> -> memref<1x128xi32, #tpu.memory_space<hbm>>
      %dma_wait3A_73 = tpu.memref_squeeze %dma_wait3A_72 : memref<1x128xi32, #tpu.memory_space<hbm>> -> memref<128xi32, #tpu.memory_space<hbm>>
      tpu.wait_dma2 semaphore(%arg14 : memref<!tpu.dma_semaphore, #tpu.memory_space<semaphore_mem>>) src(%dma_wait3A_73 : memref<128xi32, #tpu.memory_space<hbm>>) dst(%arg7 : memref<128xi32, #tpu.memory_space<vmem>>)
      "tpu.region"() ({
        %run_scoped3A = tpu.sem_alloc : memref<!tpu.dma_semaphore, #tpu.memory_space<semaphore_mem>>
        %dma_start3A_96 = arith.constant 0 : i32
        %dma_start3A_97 = arith.constant 0 : i32
        %dma_start3A_98 = tpu.memref_slice %arg11[%dma_start3A_96, %dma_start3A_97] : memref<10128x128xf32, #tpu.memory_space<vmem_shared>> -> memref<10128x128xf32, #tpu.memory_space<vmem_shared>>
        tpu.enqueue_indirect_dma source(%arg9 : memref<128x128xf32, #tpu.memory_space<vmem>>) target(%dma_start3A_98 : memref<10128x128xf32, #tpu.memory_space<vmem_shared>>) offsets(%arg7 : memref<128xi32, #tpu.memory_space<vmem>>) semaphore(%run_scoped3A : memref<!tpu.dma_semaphore, #tpu.memory_space<semaphore_mem>>) {add = true}
        %dma_wait3A_99 = arith.constant 0 : i32
        %dma_wait3A_100 = arith.constant 0 : i32
        %dma_wait3A_101 = tpu.memref_slice %arg11[%dma_wait3A_99, %dma_wait3A_100] : memref<10128x128xf32, #tpu.memory_space<vmem_shared>> -> memref<10128x128xf32, #tpu.memory_space<vmem_shared>>
        tpu.wait_indirect_dma semaphore(%run_scoped3A : memref<!tpu.dma_semaphore, #tpu.memory_space<semaphore_mem>>) src(%arg9 : memref<128x128xf32, #tpu.memory_space<vmem>>) dst(%dma_wait3A_101 : memref<10128x128xf32, #tpu.memory_space<vmem_shared>>)
        tpu.yield
      }) : () -> ()
      %lt3A_74 = arith.constant 39 : i32
      %lt3A_75 = arith.cmpi slt, %add3A_42, %lt3A_74 : i32
      %convert_element_type3A_76 = arith.extui %lt3A_75 : i1 to i32
      %cond3A_77 = arith.constant 0 : i32
      %cond3A_78 = arith.cmpi ne, %convert_element_type3A_76, %cond3A_77 : i32
      scf.if %cond3A_78 {
        %add3A_96 = arith.constant 2 : i32
        %add3A_97 = arith.addi %mul3A_44, %add3A_96 : i32
        %dma_start3A_98 = arith.constant 0 : i32
        %dma_start3A_99 = tpu.memref_slice %arg6[%add3A_97, %dma_start3A_98] : memref<80x128xi32, #tpu.memory_space<vmem>> -> memref<1x128xi32, #tpu.memory_space<vmem>>
        %dma_start3A_100 = tpu.memref_squeeze %dma_start3A_99 : memref<1x128xi32, #tpu.memory_space<vmem>> -> memref<128xi32, #tpu.memory_space<vmem>>
        %dma_start3A_101 = arith.constant 0 : i32
        %dma_start3A_102 = arith.constant 0 : i32
        %dma_start3A_103 = tpu.memref_slice %arg2[%dma_start3A_101, %dma_start3A_102] : memref<10000x128xf32, #tpu.memory_space<hbm>> -> memref<10000x128xf32, #tpu.memory_space<hbm>>
        tpu.enqueue_indirect_dma source(%dma_start3A_103 : memref<10000x128xf32, #tpu.memory_space<hbm>>) target(%arg9 : memref<128x128xf32, #tpu.memory_space<vmem>>) offsets(%dma_start3A_100 : memref<128xi32, #tpu.memory_space<vmem>>) semaphore(%arg12 : memref<!tpu.dma_semaphore, #tpu.memory_space<semaphore_mem>>)
        %add3A_104 = arith.addi %add3A, %mul3A_44 : i32
        %add3A_105 = arith.constant 2 : i32
        %add3A_106 = arith.addi %add3A_104, %add3A_105 : i32
        %dma_start3A_107 = arith.constant 0 : i32
        %dma_start3A_108 = tpu.memref_slice %arg4[%add3A_106, %dma_start3A_107] : memref<2560x128xi32, #tpu.memory_space<hbm>> -> memref<1x128xi32, #tpu.memory_space<hbm>>
        %dma_start3A_109 = tpu.memref_squeeze %dma_start3A_108 : memref<1x128xi32, #tpu.memory_space<hbm>> -> memref<128xi32, #tpu.memory_space<hbm>>
        %dma_start3A_110 = arith.constant 0 : i32
        %dma_start3A_111 = tpu.memref_slice %arg4[%add3A_106, %dma_start3A_110] : memref<2560x128xi32, #tpu.memory_space<hbm>> -> memref<1x128xi32, #tpu.memory_space<hbm>>
        %dma_start3A_112 = tpu.memref_squeeze %dma_start3A_111 : memref<1x128xi32, #tpu.memory_space<hbm>> -> memref<128xi32, #tpu.memory_space<hbm>>
        tpu.enqueue_dma source(%dma_start3A_112 : memref<128xi32, #tpu.memory_space<hbm>>) target(%arg7 : memref<128xi32, #tpu.memory_space<vmem>>) target_semaphore(%arg14 : memref<!tpu.dma_semaphore, #tpu.memory_space<semaphore_mem>>)
      } else {
      }
      %add3A_79 = arith.constant 1 : i32
      %add3A_80 = arith.addi %mul3A_44, %add3A_79 : i32
      %dma_wait3A_81 = arith.constant 0 : i32
      %dma_wait3A_82 = tpu.memref_slice %arg6[%add3A_80, %dma_wait3A_81] : memref<80x128xi32, #tpu.memory_space<vmem>> -> memref<1x128xi32, #tpu.memory_space<vmem>>
      %dma_wait3A_83 = tpu.memref_squeeze %dma_wait3A_82 : memref<1x128xi32, #tpu.memory_space<vmem>> -> memref<128xi32, #tpu.memory_space<vmem>>
      %dma_wait3A_84 = arith.constant 0 : i32
      %dma_wait3A_85 = arith.constant 0 : i32
      %dma_wait3A_86 = tpu.memref_slice %arg2[%dma_wait3A_84, %dma_wait3A_85] : memref<10000x128xf32, #tpu.memory_space<hbm>> -> memref<10000x128xf32, #tpu.memory_space<hbm>>
      tpu.wait_indirect_dma semaphore(%arg13 : memref<!tpu.dma_semaphore, #tpu.memory_space<semaphore_mem>>) src(%dma_wait3A_86 : memref<10000x128xf32, #tpu.memory_space<hbm>>) dst(%arg10 : memref<128x128xf32, #tpu.memory_space<vmem>>)
      %add3A_87 = arith.addi %add3A, %mul3A_44 : i32
      %add3A_88 = arith.constant 1 : i32
      %add3A_89 = arith.addi %add3A_87, %add3A_88 : i32
      %dma_wait3A_90 = arith.constant 0 : i32
      %dma_wait3A_91 = tpu.memref_slice %arg4[%add3A_89, %dma_wait3A_90] : memref<2560x128xi32, #tpu.memory_space<hbm>> -> memref<1x128xi32, #tpu.memory_space<hbm>>
      %dma_wait3A_92 = tpu.memref_squeeze %dma_wait3A_91 : memref<1x128xi32, #tpu.memory_space<hbm>> -> memref<128xi32, #tpu.memory_space<hbm>>
      %dma_wait3A_93 = arith.constant 0 : i32
      %dma_wait3A_94 = tpu.memref_slice %arg4[%add3A_89, %dma_wait3A_93] : memref<2560x128xi32, #tpu.memory_space<hbm>> -> memref<1x128xi32, #tpu.memory_space<hbm>>
      %dma_wait3A_95 = tpu.memref_squeeze %dma_wait3A_94 : memref<1x128xi32, #tpu.memory_space<hbm>> -> memref<128xi32, #tpu.memory_space<hbm>>
      tpu.wait_dma2 semaphore(%arg15 : memref<!tpu.dma_semaphore, #tpu.memory_space<semaphore_mem>>) src(%dma_wait3A_95 : memref<128xi32, #tpu.memory_space<hbm>>) dst(%arg8 : memref<128xi32, #tpu.memory_space<vmem>>)
      "tpu.region"() ({
        %run_scoped3A = tpu.sem_alloc : memref<!tpu.dma_semaphore, #tpu.memory_space<semaphore_mem>>
        %dma_start3A_96 = arith.constant 0 : i32
        %dma_start3A_97 = arith.constant 0 : i32
        %dma_start3A_98 = tpu.memref_slice %arg11[%dma_start3A_96, %dma_start3A_97] : memref<10128x128xf32, #tpu.memory_space<vmem_shared>> -> memref<10128x128xf32, #tpu.memory_space<vmem_shared>>
        tpu.enqueue_indirect_dma source(%arg10 : memref<128x128xf32, #tpu.memory_space<vmem>>) target(%dma_start3A_98 : memref<10128x128xf32, #tpu.memory_space<vmem_shared>>) offsets(%arg8 : memref<128xi32, #tpu.memory_space<vmem>>) semaphore(%run_scoped3A : memref<!tpu.dma_semaphore, #tpu.memory_space<semaphore_mem>>) {add = true}
        %dma_wait3A_99 = arith.constant 0 : i32
        %dma_wait3A_100 = arith.constant 0 : i32
        %dma_wait3A_101 = tpu.memref_slice %arg11[%dma_wait3A_99, %dma_wait3A_100] : memref<10128x128xf32, #tpu.memory_space<vmem_shared>> -> memref<10128x128xf32, #tpu.memory_space<vmem_shared>>
        tpu.wait_indirect_dma semaphore(%run_scoped3A : memref<!tpu.dma_semaphore, #tpu.memory_space<semaphore_mem>>) src(%arg10 : memref<128x128xf32, #tpu.memory_space<vmem>>) dst(%dma_wait3A_101 : memref<10128x128xf32, #tpu.memory_space<vmem_shared>>)
        tpu.yield
      }) : () -> ()
    }
    %scan3A_26 = arith.constant 40 : i32
    %barrier3A_27 = arith.constant 0 : index
    tpu.barrier barrier_id(%barrier3A_27)
    %lt3A_28 = arith.constant 15 : i32
    %lt3A_29 = arith.cmpi slt, %arg1, %lt3A_28 : i32
    %convert_element_type3A_30 = arith.extui %lt3A_29 : i1 to i32
    %cond3A_31 = arith.constant 0 : i32
    %cond3A_32 = arith.cmpi ne, %convert_element_type3A_30, %cond3A_31 : i32
    scf.if %cond3A_32 {
      "tpu.region"() ({
        %run_scoped3A = tpu.sem_alloc : memref<!tpu.dma_semaphore, #tpu.memory_space<semaphore_mem>>
        %dma_start3A_38 = arith.constant 0 : i32
        %dma_start3A_39 = tpu.memref_slice %arg5[%arg0, %mul3A_0, %dma_start3A_38] : memref<2x10000x128xf32, #tpu.memory_space<hbm>> -> memref<1x624x128xf32, #tpu.memory_space<hbm>>
        %dma_start3A_40 = tpu.memref_squeeze %dma_start3A_39 : memref<1x624x128xf32, #tpu.memory_space<hbm>> -> memref<624x128xf32, #tpu.memory_space<hbm>>
        %dma_start3A_41 = arith.constant 0 : i32
        %dma_start3A_42 = tpu.memref_slice %arg11[%mul3A_0, %dma_start3A_41] : memref<10128x128xf32, #tpu.memory_space<vmem_shared>> -> memref<624x128xf32, #tpu.memory_space<vmem_shared>>
        tpu.enqueue_dma source(%dma_start3A_42 : memref<624x128xf32, #tpu.memory_space<vmem_shared>>) target(%dma_start3A_40 : memref<624x128xf32, #tpu.memory_space<hbm>>) target_semaphore(%run_scoped3A : memref<!tpu.dma_semaphore, #tpu.memory_space<semaphore_mem>>)
        %dma_wait3A = arith.constant 0 : i32
        %dma_wait3A_43 = tpu.memref_slice %arg5[%arg0, %mul3A_0, %dma_wait3A] : memref<2x10000x128xf32, #tpu.memory_space<hbm>> -> memref<1x624x128xf32, #tpu.memory_space<hbm>>
        %dma_wait3A_44 = tpu.memref_squeeze %dma_wait3A_43 : memref<1x624x128xf32, #tpu.memory_space<hbm>> -> memref<624x128xf32, #tpu.memory_space<hbm>>
        %dma_wait3A_45 = arith.constant 0 : i32
        %dma_wait3A_46 = tpu.memref_slice %arg11[%mul3A_0, %dma_wait3A_45] : memref<10128x128xf32, #tpu.memory_space<vmem_shared>> -> memref<624x128xf32, #tpu.memory_space<vmem_shared>>
        tpu.wait_dma2 semaphore(%run_scoped3A : memref<!tpu.dma_semaphore, #tpu.memory_space<semaphore_mem>>) src(%dma_wait3A_46 : memref<624x128xf32, #tpu.memory_space<vmem_shared>>) dst(%dma_wait3A_44 : memref<624x128xf32, #tpu.memory_space<hbm>>)
        tpu.yield
      }) : () -> ()
    } else {
    }
    %eq3A_33 = arith.constant 15 : i32
    %eq3A_34 = arith.cmpi eq, %arg1, %eq3A_33 : i32
    %convert_element_type3A_35 = arith.extui %eq3A_34 : i1 to i32
    %cond3A_36 = arith.constant 0 : i32
    %cond3A_37 = arith.cmpi ne, %convert_element_type3A_35, %cond3A_36 : i32
    scf.if %cond3A_37 {
      "tpu.region"() ({
        %run_scoped3A = tpu.sem_alloc : memref<!tpu.dma_semaphore, #tpu.memory_space<semaphore_mem>>
        %dma_start3A_38 = arith.constant 0 : i32
        %dma_start3A_39 = tpu.memref_slice %arg5[%arg0, %mul3A_0, %dma_start3A_38] : memref<2x10000x128xf32, #tpu.memory_space<hbm>> -> memref<1x640x128xf32, #tpu.memory_space<hbm>>
        %dma_start3A_40 = tpu.memref_squeeze %dma_start3A_39 : memref<1x640x128xf32, #tpu.memory_space<hbm>> -> memref<640x128xf32, #tpu.memory_space<hbm>>
        %dma_start3A_41 = arith.constant 0 : i32
        %dma_start3A_42 = tpu.memref_slice %arg11[%mul3A_0, %dma_start3A_41] : memref<10128x128xf32, #tpu.memory_space<vmem_shared>> -> memref<640x128xf32, #tpu.memory_space<vmem_shared>>
        tpu.enqueue_dma source(%dma_start3A_42 : memref<640x128xf32, #tpu.memory_space<vmem_shared>>) target(%dma_start3A_40 : memref<640x128xf32, #tpu.memory_space<hbm>>) target_semaphore(%run_scoped3A : memref<!tpu.dma_semaphore, #tpu.memory_space<semaphore_mem>>)
        %dma_wait3A = arith.constant 0 : i32
        %dma_wait3A_43 = tpu.memref_slice %arg5[%arg0, %mul3A_0, %dma_wait3A] : memref<2x10000x128xf32, #tpu.memory_space<hbm>> -> memref<1x640x128xf32, #tpu.memory_space<hbm>>
        %dma_wait3A_44 = tpu.memref_squeeze %dma_wait3A_43 : memref<1x640x128xf32, #tpu.memory_space<hbm>> -> memref<640x128xf32, #tpu.memory_space<hbm>>
        %dma_wait3A_45 = arith.constant 0 : i32
        %dma_wait3A_46 = tpu.memref_slice %arg11[%mul3A_0, %dma_wait3A_45] : memref<10128x128xf32, #tpu.memory_space<vmem_shared>> -> memref<640x128xf32, #tpu.memory_space<vmem_shared>>
        tpu.wait_dma2 semaphore(%run_scoped3A : memref<!tpu.dma_semaphore, #tpu.memory_space<semaphore_mem>>) src(%dma_wait3A_46 : memref<640x128xf32, #tpu.memory_space<vmem_shared>>) dst(%dma_wait3A_44 : memref<640x128xf32, #tpu.memory_space<hbm>>)
        tpu.yield
      }) : () -> ()
    } else {
    }
    return
  }
}

#map = affine_map<(d0, d1) -> (0, 0)>
#map1 = affine_map<(d0, d1) -> (0, 0, 0)>
module attributes {stable_mosaic.version = 14 : i64} {
  func.func @_sc_scatter_body(%arg0: i32, %arg1: i32, %arg2: memref<10000x128xf32, #tpu.memory_space<hbm>>, %arg3: memref<2560x128xi32, #tpu.memory_space<hbm>>, %arg4: memref<2560x128xi32, #tpu.memory_space<hbm>>, %arg5: memref<2x10000x128xf32, #tpu.memory_space<hbm>>, %arg6: memref<80x128xi32, #tpu.memory_space<vmem>>, %arg7: memref<128xi32, #tpu.memory_space<vmem>>, %arg8: memref<128xi32, #tpu.memory_space<vmem>>, %arg9: memref<128x128xf32, #tpu.memory_space<vmem>>, %arg10: memref<128x128xf32, #tpu.memory_space<vmem>>, %arg11: memref<10128x128xf32, #tpu.memory_space<vmem_shared>>, %arg12: memref<!tpu.dma_semaphore, #tpu.memory_space<semaphore_mem>>, %arg13: memref<!tpu.dma_semaphore, #tpu.memory_space<semaphore_mem>>, %arg14: memref<!tpu.dma_semaphore, #tpu.memory_space<semaphore_mem>>, %arg15: memref<!tpu.dma_semaphore, #tpu.memory_space<semaphore_mem>>) attributes {dimension_semantics = [#tpu.dimension_semantics<core_parallel>, #tpu.dimension_semantics<subcore_parallel>], iteration_bounds = array<i64: 2, 16>, scalar_prefetch = 0 : i64, scratch_operands = 10 : i64, tpu.core_type = #tpu.core_type<sc_vector_subcore>, window_params = [{transform_indices = #map}, {transform_indices = #map}, {transform_indices = #map}, {transform_indices = #map1}]} {
    %mul3A = arith.constant 624 : i32
    %mul3A_0 = arith.muli %arg1, %mul3A : i32
    %lt3A = arith.constant 15 : i32
    %lt3A_1 = arith.cmpi slt, %arg1, %lt3A : i32
    %convert_element_type3A = arith.extui %lt3A_1 : i1 to i32
    %cond3A = arith.constant 0 : i32
    %cond3A_2 = arith.cmpi ne, %convert_element_type3A, %cond3A : i32
    scf.if %cond3A_2 {
      "tpu.region"() ({
        %run_scoped3A = tpu.sem_alloc : memref<!tpu.dma_semaphore, #tpu.memory_space<semaphore_mem>>
        %dma_start3A_38 = arith.constant 0 : i32
        %dma_start3A_39 = tpu.memref_slice %arg11[%mul3A_0, %dma_start3A_38] : memref<10128x128xf32, #tpu.memory_space<vmem_shared>> -> memref<624x128xf32, #tpu.memory_space<vmem_shared>>
        %dma_start3A_40 = arith.constant 0 : i32
        %dma_start3A_41 = tpu.memref_slice %arg2[%mul3A_0, %dma_start3A_40] : memref<10000x128xf32, #tpu.memory_space<hbm>> -> memref<624x128xf32, #tpu.memory_space<hbm>>
        tpu.enqueue_dma source(%dma_start3A_41 : memref<624x128xf32, #tpu.memory_space<hbm>>) target(%dma_start3A_39 : memref<624x128xf32, #tpu.memory_space<vmem_shared>>) target_semaphore(%run_scoped3A : memref<!tpu.dma_semaphore, #tpu.memory_space<semaphore_mem>>)
        %dma_wait3A = arith.constant 0 : i32
        %dma_wait3A_42 = tpu.memref_slice %arg11[%mul3A_0, %dma_wait3A] : memref<10128x128xf32, #tpu.memory_space<vmem_shared>> -> memref<624x128xf32, #tpu.memory_space<vmem_shared>>
        %dma_wait3A_43 = arith.constant 0 : i32
        %dma_wait3A_44 = tpu.memref_slice %arg2[%mul3A_0, %dma_wait3A_43] : memref<10000x128xf32, #tpu.memory_space<hbm>> -> memref<624x128xf32, #tpu.memory_space<hbm>>
        tpu.wait_dma2 semaphore(%run_scoped3A : memref<!tpu.dma_semaphore, #tpu.memory_space<semaphore_mem>>) src(%dma_wait3A_44 : memref<624x128xf32, #tpu.memory_space<hbm>>) dst(%dma_wait3A_42 : memref<624x128xf32, #tpu.memory_space<vmem_shared>>)
        tpu.yield
      }) : () -> ()
    } else {
    }
    %eq3A = arith.constant 15 : i32
    %eq3A_3 = arith.cmpi eq, %arg1, %eq3A : i32
    %convert_element_type3A_4 = arith.extui %eq3A_3 : i1 to i32
    %cond3A_5 = arith.constant 0 : i32
    %cond3A_6 = arith.cmpi ne, %convert_element_type3A_4, %cond3A_5 : i32
    scf.if %cond3A_6 {
      "tpu.region"() ({
        %run_scoped3A = tpu.sem_alloc : memref<!tpu.dma_semaphore, #tpu.memory_space<semaphore_mem>>
        %dma_start3A_38 = arith.constant 0 : i32
        %dma_start3A_39 = tpu.memref_slice %arg11[%mul3A_0, %dma_start3A_38] : memref<10128x128xf32, #tpu.memory_space<vmem_shared>> -> memref<640x128xf32, #tpu.memory_space<vmem_shared>>
        %dma_start3A_40 = arith.constant 0 : i32
        %dma_start3A_41 = tpu.memref_slice %arg2[%mul3A_0, %dma_start3A_40] : memref<10000x128xf32, #tpu.memory_space<hbm>> -> memref<640x128xf32, #tpu.memory_space<hbm>>
        tpu.enqueue_dma source(%dma_start3A_41 : memref<640x128xf32, #tpu.memory_space<hbm>>) target(%dma_start3A_39 : memref<640x128xf32, #tpu.memory_space<vmem_shared>>) target_semaphore(%run_scoped3A : memref<!tpu.dma_semaphore, #tpu.memory_space<semaphore_mem>>)
        %dma_wait3A = arith.constant 0 : i32
        %dma_wait3A_42 = tpu.memref_slice %arg11[%mul3A_0, %dma_wait3A] : memref<10128x128xf32, #tpu.memory_space<vmem_shared>> -> memref<640x128xf32, #tpu.memory_space<vmem_shared>>
        %dma_wait3A_43 = arith.constant 0 : i32
        %dma_wait3A_44 = tpu.memref_slice %arg2[%mul3A_0, %dma_wait3A_43] : memref<10000x128xf32, #tpu.memory_space<hbm>> -> memref<640x128xf32, #tpu.memory_space<hbm>>
        tpu.wait_dma2 semaphore(%run_scoped3A : memref<!tpu.dma_semaphore, #tpu.memory_space<semaphore_mem>>) src(%dma_wait3A_44 : memref<640x128xf32, #tpu.memory_space<hbm>>) dst(%dma_wait3A_42 : memref<640x128xf32, #tpu.memory_space<vmem_shared>>)
        tpu.yield
      }) : () -> ()
    } else {
    }
    %mul3A_7 = arith.constant 1280 : i32
    %mul3A_8 = arith.muli %arg0, %mul3A_7 : i32
    %mul3A_9 = arith.constant 80 : i32
    %mul3A_10 = arith.muli %arg1, %mul3A_9 : i32
    %add3A = arith.addi %mul3A_8, %mul3A_10 : i32
    "tpu.region"() ({
      %run_scoped3A = tpu.sem_alloc : memref<!tpu.dma_semaphore, #tpu.memory_space<semaphore_mem>>
      %dma_start3A_38 = arith.constant 0 : i32
      %dma_start3A_39 = tpu.memref_slice %arg3[%add3A, %dma_start3A_38] : memref<2560x128xi32, #tpu.memory_space<hbm>> -> memref<80x128xi32, #tpu.memory_space<hbm>>
      %dma_start3A_40 = arith.constant 0 : i32
      %dma_start3A_41 = tpu.memref_slice %arg3[%add3A, %dma_start3A_40] : memref<2560x128xi32, #tpu.memory_space<hbm>> -> memref<80x128xi32, #tpu.memory_space<hbm>>
      tpu.enqueue_dma source(%dma_start3A_41 : memref<80x128xi32, #tpu.memory_space<hbm>>) target(%arg6 : memref<80x128xi32, #tpu.memory_space<vmem>>) target_semaphore(%run_scoped3A : memref<!tpu.dma_semaphore, #tpu.memory_space<semaphore_mem>>)
      %dma_wait3A = arith.constant 0 : i32
      %dma_wait3A_42 = tpu.memref_slice %arg3[%add3A, %dma_wait3A] : memref<2560x128xi32, #tpu.memory_space<hbm>> -> memref<80x128xi32, #tpu.memory_space<hbm>>
      %dma_wait3A_43 = arith.constant 0 : i32
      %dma_wait3A_44 = tpu.memref_slice %arg3[%add3A, %dma_wait3A_43] : memref<2560x128xi32, #tpu.memory_space<hbm>> -> memref<80x128xi32, #tpu.memory_space<hbm>>
      tpu.wait_dma2 semaphore(%run_scoped3A : memref<!tpu.dma_semaphore, #tpu.memory_space<semaphore_mem>>) src(%dma_wait3A_44 : memref<80x128xi32, #tpu.memory_space<hbm>>) dst(%arg6 : memref<80x128xi32, #tpu.memory_space<vmem>>)
      tpu.yield
    }) : () -> ()
    %dma_start3A = arith.constant 0 : i32
    %dma_start3A_11 = arith.constant 0 : i32
    %dma_start3A_12 = tpu.memref_slice %arg6[%dma_start3A, %dma_start3A_11] : memref<80x128xi32, #tpu.memory_space<vmem>> -> memref<1x128xi32, #tpu.memory_space<vmem>>
    %dma_start3A_13 = tpu.memref_squeeze %dma_start3A_12 : memref<1x128xi32, #tpu.memory_space<vmem>> -> memref<128xi32, #tpu.memory_space<vmem>>
    %dma_start3A_14 = arith.constant 0 : i32
    %dma_start3A_15 = arith.constant 0 : i32
    %dma_start3A_16 = tpu.memref_slice %arg2[%dma_start3A_14, %dma_start3A_15] : memref<10000x128xf32, #tpu.memory_space<hbm>> -> memref<10000x128xf32, #tpu.memory_space<hbm>>
    tpu.enqueue_indirect_dma source(%dma_start3A_16 : memref<10000x128xf32, #tpu.memory_space<hbm>>) target(%arg9 : memref<128x128xf32, #tpu.memory_space<vmem>>) offsets(%dma_start3A_13 : memref<128xi32, #tpu.memory_space<vmem>>) semaphore(%arg12 : memref<!tpu.dma_semaphore, #tpu.memory_space<semaphore_mem>>)
    %dma_start3A_17 = arith.constant 0 : i32
    %dma_start3A_18 = tpu.memref_slice %arg4[%add3A, %dma_start3A_17] : memref<2560x128xi32, #tpu.memory_space<hbm>> -> memref<1x128xi32, #tpu.memory_space<hbm>>
    %dma_start3A_19 = tpu.memref_squeeze %dma_start3A_18 : memref<1x128xi32, #tpu.memory_space<hbm>> -> memref<128xi32, #tpu.memory_space<hbm>>
    %dma_start3A_20 = arith.constant 0 : i32
    %dma_start3A_21 = tpu.memref_slice %arg4[%add3A, %dma_start3A_20] : memref<2560x128xi32, #tpu.memory_space<hbm>> -> memref<1x128xi32, #tpu.memory_space<hbm>>
    %dma_start3A_22 = tpu.memref_squeeze %dma_start3A_21 : memref<1x128xi32, #tpu.memory_space<hbm>> -> memref<128xi32, #tpu.memory_space<hbm>>
    tpu.enqueue_dma source(%dma_start3A_22 : memref<128xi32, #tpu.memory_space<hbm>>) target(%arg7 : memref<128xi32, #tpu.memory_space<vmem>>) target_semaphore(%arg14 : memref<!tpu.dma_semaphore, #tpu.memory_space<semaphore_mem>>)
    %barrier3A = arith.constant 0 : index
    tpu.barrier barrier_id(%barrier3A)
    %scan3A = arith.constant 0 : i32
    %scan3A_23 = arith.constant 40 : i32
    %scan3A_24 = arith.addi %scan3A, %scan3A_23 : i32
    %scan3A_25 = arith.constant 1 : i32
    scf.for %scan3A_38 = %scan3A to %scan3A_24 step %scan3A_25  : i32 {
      %mul3A_39 = arith.constant 1 : i32
      %mul3A_40 = arith.muli %scan3A_38, %mul3A_39 : i32
      %add3A_41 = arith.constant 0 : i32
      %add3A_42 = arith.addi %add3A_41, %mul3A_40 : i32
      %mul3A_43 = arith.constant 2 : i32
      %mul3A_44 = arith.muli %mul3A_43, %add3A_42 : i32
      %add3A_45 = arith.constant 1 : i32
      %add3A_46 = arith.addi %mul3A_44, %add3A_45 : i32
      %dma_start3A_47 = arith.constant 0 : i32
      %dma_start3A_48 = tpu.memref_slice %arg6[%add3A_46, %dma_start3A_47] : memref<80x128xi32, #tpu.memory_space<vmem>> -> memref<1x128xi32, #tpu.memory_space<vmem>>
      %dma_start3A_49 = tpu.memref_squeeze %dma_start3A_48 : memref<1x128xi32, #tpu.memory_space<vmem>> -> memref<128xi32, #tpu.memory_space<vmem>>
      %dma_start3A_50 = arith.constant 0 : i32
      %dma_start3A_51 = arith.constant 0 : i32
      %dma_start3A_52 = tpu.memref_slice %arg2[%dma_start3A_50, %dma_start3A_51] : memref<10000x128xf32, #tpu.memory_space<hbm>> -> memref<10000x128xf32, #tpu.memory_space<hbm>>
      tpu.enqueue_indirect_dma source(%dma_start3A_52 : memref<10000x128xf32, #tpu.memory_space<hbm>>) target(%arg10 : memref<128x128xf32, #tpu.memory_space<vmem>>) offsets(%dma_start3A_49 : memref<128xi32, #tpu.memory_space<vmem>>) semaphore(%arg13 : memref<!tpu.dma_semaphore, #tpu.memory_space<semaphore_mem>>)
      %add3A_53 = arith.addi %add3A, %mul3A_44 : i32
      %add3A_54 = arith.constant 1 : i32
      %add3A_55 = arith.addi %add3A_53, %add3A_54 : i32
      %dma_start3A_56 = arith.constant 0 : i32
      %dma_start3A_57 = tpu.memref_slice %arg4[%add3A_55, %dma_start3A_56] : memref<2560x128xi32, #tpu.memory_space<hbm>> -> memref<1x128xi32, #tpu.memory_space<hbm>>
      %dma_start3A_58 = tpu.memref_squeeze %dma_start3A_57 : memref<1x128xi32, #tpu.memory_space<hbm>> -> memref<128xi32, #tpu.memory_space<hbm>>
      %dma_start3A_59 = arith.constant 0 : i32
      %dma_start3A_60 = tpu.memref_slice %arg4[%add3A_55, %dma_start3A_59] : memref<2560x128xi32, #tpu.memory_space<hbm>> -> memref<1x128xi32, #tpu.memory_space<hbm>>
      %dma_start3A_61 = tpu.memref_squeeze %dma_start3A_60 : memref<1x128xi32, #tpu.memory_space<hbm>> -> memref<128xi32, #tpu.memory_space<hbm>>
      tpu.enqueue_dma source(%dma_start3A_61 : memref<128xi32, #tpu.memory_space<hbm>>) target(%arg8 : memref<128xi32, #tpu.memory_space<vmem>>) target_semaphore(%arg15 : memref<!tpu.dma_semaphore, #tpu.memory_space<semaphore_mem>>)
      %dma_wait3A = arith.constant 0 : i32
      %dma_wait3A_62 = tpu.memref_slice %arg6[%mul3A_44, %dma_wait3A] : memref<80x128xi32, #tpu.memory_space<vmem>> -> memref<1x128xi32, #tpu.memory_space<vmem>>
      %dma_wait3A_63 = tpu.memref_squeeze %dma_wait3A_62 : memref<1x128xi32, #tpu.memory_space<vmem>> -> memref<128xi32, #tpu.memory_space<vmem>>
      %dma_wait3A_64 = arith.constant 0 : i32
      %dma_wait3A_65 = arith.constant 0 : i32
      %dma_wait3A_66 = tpu.memref_slice %arg2[%dma_wait3A_64, %dma_wait3A_65] : memref<10000x128xf32, #tpu.memory_space<hbm>> -> memref<10000x128xf32, #tpu.memory_space<hbm>>
      tpu.wait_indirect_dma semaphore(%arg12 : memref<!tpu.dma_semaphore, #tpu.memory_space<semaphore_mem>>) src(%dma_wait3A_66 : memref<10000x128xf32, #tpu.memory_space<hbm>>) dst(%arg9 : memref<128x128xf32, #tpu.memory_space<vmem>>)
      %add3A_67 = arith.addi %add3A, %mul3A_44 : i32
      %dma_wait3A_68 = arith.constant 0 : i32
      %dma_wait3A_69 = tpu.memref_slice %arg4[%add3A_67, %dma_wait3A_68] : memref<2560x128xi32, #tpu.memory_space<hbm>> -> memref<1x128xi32, #tpu.memory_space<hbm>>
      %dma_wait3A_70 = tpu.memref_squeeze %dma_wait3A_69 : memref<1x128xi32, #tpu.memory_space<hbm>> -> memref<128xi32, #tpu.memory_space<hbm>>
      %dma_wait3A_71 = arith.constant 0 : i32
      %dma_wait3A_72 = tpu.memref_slice %arg4[%add3A_67, %dma_wait3A_71] : memref<2560x128xi32, #tpu.memory_space<hbm>> -> memref<1x128xi32, #tpu.memory_space<hbm>>
      %dma_wait3A_73 = tpu.memref_squeeze %dma_wait3A_72 : memref<1x128xi32, #tpu.memory_space<hbm>> -> memref<128xi32, #tpu.memory_space<hbm>>
      tpu.wait_dma2 semaphore(%arg14 : memref<!tpu.dma_semaphore, #tpu.memory_space<semaphore_mem>>) src(%dma_wait3A_73 : memref<128xi32, #tpu.memory_space<hbm>>) dst(%arg7 : memref<128xi32, #tpu.memory_space<vmem>>)
      "tpu.region"() ({
        %run_scoped3A = tpu.sem_alloc : memref<!tpu.dma_semaphore, #tpu.memory_space<semaphore_mem>>
        %dma_start3A_96 = arith.constant 0 : i32
        %dma_start3A_97 = arith.constant 0 : i32
        %dma_start3A_98 = tpu.memref_slice %arg11[%dma_start3A_96, %dma_start3A_97] : memref<10128x128xf32, #tpu.memory_space<vmem_shared>> -> memref<10128x128xf32, #tpu.memory_space<vmem_shared>>
        tpu.enqueue_indirect_dma source(%arg9 : memref<128x128xf32, #tpu.memory_space<vmem>>) target(%dma_start3A_98 : memref<10128x128xf32, #tpu.memory_space<vmem_shared>>) offsets(%arg7 : memref<128xi32, #tpu.memory_space<vmem>>) semaphore(%run_scoped3A : memref<!tpu.dma_semaphore, #tpu.memory_space<semaphore_mem>>) {add = true}
        %dma_wait3A_99 = arith.constant 0 : i32
        %dma_wait3A_100 = arith.constant 0 : i32
        %dma_wait3A_101 = tpu.memref_slice %arg11[%dma_wait3A_99, %dma_wait3A_100] : memref<10128x128xf32, #tpu.memory_space<vmem_shared>> -> memref<10128x128xf32, #tpu.memory_space<vmem_shared>>
        tpu.wait_indirect_dma semaphore(%run_scoped3A : memref<!tpu.dma_semaphore, #tpu.memory_space<semaphore_mem>>) src(%arg9 : memref<128x128xf32, #tpu.memory_space<vmem>>) dst(%dma_wait3A_101 : memref<10128x128xf32, #tpu.memory_space<vmem_shared>>)
        tpu.yield
      }) : () -> ()
      %lt3A_74 = arith.constant 39 : i32
      %lt3A_75 = arith.cmpi slt, %add3A_42, %lt3A_74 : i32
      %convert_element_type3A_76 = arith.extui %lt3A_75 : i1 to i32
      %cond3A_77 = arith.constant 0 : i32
      %cond3A_78 = arith.cmpi ne, %convert_element_type3A_76, %cond3A_77 : i32
      scf.if %cond3A_78 {
        %add3A_96 = arith.constant 2 : i32
        %add3A_97 = arith.addi %mul3A_44, %add3A_96 : i32
        %dma_start3A_98 = arith.constant 0 : i32
        %dma_start3A_99 = tpu.memref_slice %arg6[%add3A_97, %dma_start3A_98] : memref<80x128xi32, #tpu.memory_space<vmem>> -> memref<1x128xi32, #tpu.memory_space<vmem>>
        %dma_start3A_100 = tpu.memref_squeeze %dma_start3A_99 : memref<1x128xi32, #tpu.memory_space<vmem>> -> memref<128xi32, #tpu.memory_space<vmem>>
        %dma_start3A_101 = arith.constant 0 : i32
        %dma_start3A_102 = arith.constant 0 : i32
        %dma_start3A_103 = tpu.memref_slice %arg2[%dma_start3A_101, %dma_start3A_102] : memref<10000x128xf32, #tpu.memory_space<hbm>> -> memref<10000x128xf32, #tpu.memory_space<hbm>>
        tpu.enqueue_indirect_dma source(%dma_start3A_103 : memref<10000x128xf32, #tpu.memory_space<hbm>>) target(%arg9 : memref<128x128xf32, #tpu.memory_space<vmem>>) offsets(%dma_start3A_100 : memref<128xi32, #tpu.memory_space<vmem>>) semaphore(%arg12 : memref<!tpu.dma_semaphore, #tpu.memory_space<semaphore_mem>>)
        %add3A_104 = arith.addi %add3A, %mul3A_44 : i32
        %add3A_105 = arith.constant 2 : i32
        %add3A_106 = arith.addi %add3A_104, %add3A_105 : i32
        %dma_start3A_107 = arith.constant 0 : i32
        %dma_start3A_108 = tpu.memref_slice %arg4[%add3A_106, %dma_start3A_107] : memref<2560x128xi32, #tpu.memory_space<hbm>> -> memref<1x128xi32, #tpu.memory_space<hbm>>
        %dma_start3A_109 = tpu.memref_squeeze %dma_start3A_108 : memref<1x128xi32, #tpu.memory_space<hbm>> -> memref<128xi32, #tpu.memory_space<hbm>>
        %dma_start3A_110 = arith.constant 0 : i32
        %dma_start3A_111 = tpu.memref_slice %arg4[%add3A_106, %dma_start3A_110] : memref<2560x128xi32, #tpu.memory_space<hbm>> -> memref<1x128xi32, #tpu.memory_space<hbm>>
        %dma_start3A_112 = tpu.memref_squeeze %dma_start3A_111 : memref<1x128xi32, #tpu.memory_space<hbm>> -> memref<128xi32, #tpu.memory_space<hbm>>
        tpu.enqueue_dma source(%dma_start3A_112 : memref<128xi32, #tpu.memory_space<hbm>>) target(%arg7 : memref<128xi32, #tpu.memory_space<vmem>>) target_semaphore(%arg14 : memref<!tpu.dma_semaphore, #tpu.memory_space<semaphore_mem>>)
      } else {
      }
      %add3A_79 = arith.constant 1 : i32
      %add3A_80 = arith.addi %mul3A_44, %add3A_79 : i32
      %dma_wait3A_81 = arith.constant 0 : i32
      %dma_wait3A_82 = tpu.memref_slice %arg6[%add3A_80, %dma_wait3A_81] : memref<80x128xi32, #tpu.memory_space<vmem>> -> memref<1x128xi32, #tpu.memory_space<vmem>>
      %dma_wait3A_83 = tpu.memref_squeeze %dma_wait3A_82 : memref<1x128xi32, #tpu.memory_space<vmem>> -> memref<128xi32, #tpu.memory_space<vmem>>
      %dma_wait3A_84 = arith.constant 0 : i32
      %dma_wait3A_85 = arith.constant 0 : i32
      %dma_wait3A_86 = tpu.memref_slice %arg2[%dma_wait3A_84, %dma_wait3A_85] : memref<10000x128xf32, #tpu.memory_space<hbm>> -> memref<10000x128xf32, #tpu.memory_space<hbm>>
      tpu.wait_indirect_dma semaphore(%arg13 : memref<!tpu.dma_semaphore, #tpu.memory_space<semaphore_mem>>) src(%dma_wait3A_86 : memref<10000x128xf32, #tpu.memory_space<hbm>>) dst(%arg10 : memref<128x128xf32, #tpu.memory_space<vmem>>)
      %add3A_87 = arith.addi %add3A, %mul3A_44 : i32
      %add3A_88 = arith.constant 1 : i32
      %add3A_89 = arith.addi %add3A_87, %add3A_88 : i32
      %dma_wait3A_90 = arith.constant 0 : i32
      %dma_wait3A_91 = tpu.memref_slice %arg4[%add3A_89, %dma_wait3A_90] : memref<2560x128xi32, #tpu.memory_space<hbm>> -> memref<1x128xi32, #tpu.memory_space<hbm>>
      %dma_wait3A_92 = tpu.memref_squeeze %dma_wait3A_91 : memref<1x128xi32, #tpu.memory_space<hbm>> -> memref<128xi32, #tpu.memory_space<hbm>>
      %dma_wait3A_93 = arith.constant 0 : i32
      %dma_wait3A_94 = tpu.memref_slice %arg4[%add3A_89, %dma_wait3A_93] : memref<2560x128xi32, #tpu.memory_space<hbm>> -> memref<1x128xi32, #tpu.memory_space<hbm>>
      %dma_wait3A_95 = tpu.memref_squeeze %dma_wait3A_94 : memref<1x128xi32, #tpu.memory_space<hbm>> -> memref<128xi32, #tpu.memory_space<hbm>>
      tpu.wait_dma2 semaphore(%arg15 : memref<!tpu.dma_semaphore, #tpu.memory_space<semaphore_mem>>) src(%dma_wait3A_95 : memref<128xi32, #tpu.memory_space<hbm>>) dst(%arg8 : memref<128xi32, #tpu.memory_space<vmem>>)
      "tpu.region"() ({
        %run_scoped3A = tpu.sem_alloc : memref<!tpu.dma_semaphore, #tpu.memory_space<semaphore_mem>>
        %dma_start3A_96 = arith.constant 0 : i32
        %dma_start3A_97 = arith.constant 0 : i32
        %dma_start3A_98 = tpu.memref_slice %arg11[%dma_start3A_96, %dma_start3A_97] : memref<10128x128xf32, #tpu.memory_space<vmem_shared>> -> memref<10128x128xf32, #tpu.memory_space<vmem_shared>>
        tpu.enqueue_indirect_dma source(%arg10 : memref<128x128xf32, #tpu.memory_space<vmem>>) target(%dma_start3A_98 : memref<10128x128xf32, #tpu.memory_space<vmem_shared>>) offsets(%arg8 : memref<128xi32, #tpu.memory_space<vmem>>) semaphore(%run_scoped3A : memref<!tpu.dma_semaphore, #tpu.memory_space<semaphore_mem>>) {add = true}
        %dma_wait3A_99 = arith.constant 0 : i32
        %dma_wait3A_100 = arith.constant 0 : i32
        %dma_wait3A_101 = tpu.memref_slice %arg11[%dma_wait3A_99, %dma_wait3A_100] : memref<10128x128xf32, #tpu.memory_space<vmem_shared>> -> memref<10128x128xf32, #tpu.memory_space<vmem_shared>>
        tpu.wait_indirect_dma semaphore(%run_scoped3A : memref<!tpu.dma_semaphore, #tpu.memory_space<semaphore_mem>>) src(%arg10 : memref<128x128xf32, #tpu.memory_space<vmem>>) dst(%dma_wait3A_101 : memref<10128x128xf32, #tpu.memory_space<vmem_shared>>)
        tpu.yield
      }) : () -> ()
    }
    %scan3A_26 = arith.constant 40 : i32
    %barrier3A_27 = arith.constant 0 : index
    tpu.barrier barrier_id(%barrier3A_27)
    %lt3A_28 = arith.constant 15 : i32
    %lt3A_29 = arith.cmpi slt, %arg1, %lt3A_28 : i32
    %convert_element_type3A_30 = arith.extui %lt3A_29 : i1 to i32
    %cond3A_31 = arith.constant 0 : i32
    %cond3A_32 = arith.cmpi ne, %convert_element_type3A_30, %cond3A_31 : i32
    scf.if %cond3A_32 {
      "tpu.region"() ({
        %run_scoped3A = tpu.sem_alloc : memref<!tpu.dma_semaphore, #tpu.memory_space<semaphore_mem>>
        %dma_start3A_38 = arith.constant 0 : i32
        %dma_start3A_39 = tpu.memref_slice %arg5[%arg0, %mul3A_0, %dma_start3A_38] : memref<2x10000x128xf32, #tpu.memory_space<hbm>> -> memref<1x624x128xf32, #tpu.memory_space<hbm>>
        %dma_start3A_40 = tpu.memref_squeeze %dma_start3A_39 : memref<1x624x128xf32, #tpu.memory_space<hbm>> -> memref<624x128xf32, #tpu.memory_space<hbm>>
        %dma_start3A_41 = arith.constant 0 : i32
        %dma_start3A_42 = tpu.memref_slice %arg11[%mul3A_0, %dma_start3A_41] : memref<10128x128xf32, #tpu.memory_space<vmem_shared>> -> memref<624x128xf32, #tpu.memory_space<vmem_shared>>
        tpu.enqueue_dma source(%dma_start3A_42 : memref<624x128xf32, #tpu.memory_space<vmem_shared>>) target(%dma_start3A_40 : memref<624x128xf32, #tpu.memory_space<hbm>>) target_semaphore(%run_scoped3A : memref<!tpu.dma_semaphore, #tpu.memory_space<semaphore_mem>>)
        %dma_wait3A = arith.constant 0 : i32
        %dma_wait3A_43 = tpu.memref_slice %arg5[%arg0, %mul3A_0, %dma_wait3A] : memref<2x10000x128xf32, #tpu.memory_space<hbm>> -> memref<1x624x128xf32, #tpu.memory_space<hbm>>
        %dma_wait3A_44 = tpu.memref_squeeze %dma_wait3A_43 : memref<1x624x128xf32, #tpu.memory_space<hbm>> -> memref<624x128xf32, #tpu.memory_space<hbm>>
        %dma_wait3A_45 = arith.constant 0 : i32
        %dma_wait3A_46 = tpu.memref_slice %arg11[%mul3A_0, %dma_wait3A_45] : memref<10128x128xf32, #tpu.memory_space<vmem_shared>> -> memref<624x128xf32, #tpu.memory_space<vmem_shared>>
        tpu.wait_dma2 semaphore(%run_scoped3A : memref<!tpu.dma_semaphore, #tpu.memory_space<semaphore_mem>>) src(%dma_wait3A_46 : memref<624x128xf32, #tpu.memory_space<vmem_shared>>) dst(%dma_wait3A_44 : memref<624x128xf32, #tpu.memory_space<hbm>>)
        tpu.yield
      }) : () -> ()
    } else {
    }
    %eq3A_33 = arith.constant 15 : i32
    %eq3A_34 = arith.cmpi eq, %arg1, %eq3A_33 : i32
    %convert_element_type3A_35 = arith.extui %eq3A_34 : i1 to i32
    %cond3A_36 = arith.constant 0 : i32
    %cond3A_37 = arith.cmpi ne, %convert_element_type3A_35, %cond3A_36 : i32
    scf.if %cond3A_37 {
      "tpu.region"() ({
        %run_scoped3A = tpu.sem_alloc : memref<!tpu.dma_semaphore, #tpu.memory_space<semaphore_mem>>
        %dma_start3A_38 = arith.constant 0 : i32
        %dma_start3A_39 = tpu.memref_slice %arg5[%arg0, %mul3A_0, %dma_start3A_38] : memref<2x10000x128xf32, #tpu.memory_space<hbm>> -> memref<1x640x128xf32, #tpu.memory_space<hbm>>
        %dma_start3A_40 = tpu.memref_squeeze %dma_start3A_39 : memref<1x640x128xf32, #tpu.memory_space<hbm>> -> memref<640x128xf32, #tpu.memory_space<hbm>>
        %dma_start3A_41 = arith.constant 0 : i32
        %dma_start3A_42 = tpu.memref_slice %arg11[%mul3A_0, %dma_start3A_41] : memref<10128x128xf32, #tpu.memory_space<vmem_shared>> -> memref<640x128xf32, #tpu.memory_space<vmem_shared>>
        tpu.enqueue_dma source(%dma_start3A_42 : memref<640x128xf32, #tpu.memory_space<vmem_shared>>) target(%dma_start3A_40 : memref<640x128xf32, #tpu.memory_space<hbm>>) target_semaphore(%run_scoped3A : memref<!tpu.dma_semaphore, #tpu.memory_space<semaphore_mem>>)
        %dma_wait3A = arith.constant 0 : i32
        %dma_wait3A_43 = tpu.memref_slice %arg5[%arg0, %mul3A_0, %dma_wait3A] : memref<2x10000x128xf32, #tpu.memory_space<hbm>> -> memref<1x640x128xf32, #tpu.memory_space<hbm>>
        %dma_wait3A_44 = tpu.memref_squeeze %dma_wait3A_43 : memref<1x640x128xf32, #tpu.memory_space<hbm>> -> memref<640x128xf32, #tpu.memory_space<hbm>>
        %dma_wait3A_45 = arith.constant 0 : i32
        %dma_wait3A_46 = tpu.memref_slice %arg11[%mul3A_0, %dma_wait3A_45] : memref<10128x128xf32, #tpu.memory_space<vmem_shared>> -> memref<640x128xf32, #tpu.memory_space<vmem_shared>>
        tpu.wait_dma2 semaphore(%run_scoped3A : memref<!tpu.dma_semaphore, #tpu.memory_space<semaphore_mem>>) src(%dma_wait3A_46 : memref<640x128xf32, #tpu.memory_space<vmem_shared>>) dst(%dma_wait3A_44 : memref<640x128xf32, #tpu.memory_space<hbm>>)
        tpu.yield
      }) : () -> ()
    } else {
    }
    return
  }
}

#map = affine_map<(d0, d1) -> (0, 0)>
#map1 = affine_map<(d0, d1) -> (0, 0, 0)>
module attributes {stable_mosaic.version = 14 : i64} {
  func.func @_sc_scatter_body(%arg0: i32, %arg1: i32, %arg2: memref<10000x128xf32, #tpu.memory_space<hbm>>, %arg3: memref<2560x128xi32, #tpu.memory_space<hbm>>, %arg4: memref<2560x128xi32, #tpu.memory_space<hbm>>, %arg5: memref<2x10000x128xf32, #tpu.memory_space<hbm>>, %arg6: memref<80x128xi32, #tpu.memory_space<vmem>>, %arg7: memref<128xi32, #tpu.memory_space<vmem>>, %arg8: memref<128xi32, #tpu.memory_space<vmem>>, %arg9: memref<128x128xf32, #tpu.memory_space<vmem>>, %arg10: memref<128x128xf32, #tpu.memory_space<vmem>>, %arg11: memref<10128x128xf32, #tpu.memory_space<vmem_shared>>, %arg12: memref<!tpu.dma_semaphore, #tpu.memory_space<semaphore_mem>>, %arg13: memref<!tpu.dma_semaphore, #tpu.memory_space<semaphore_mem>>, %arg14: memref<!tpu.dma_semaphore, #tpu.memory_space<semaphore_mem>>, %arg15: memref<!tpu.dma_semaphore, #tpu.memory_space<semaphore_mem>>) attributes {dimension_semantics = [#tpu.dimension_semantics<core_parallel>, #tpu.dimension_semantics<subcore_parallel>], iteration_bounds = array<i64: 2, 16>, scalar_prefetch = 0 : i64, scratch_operands = 10 : i64, tpu.core_type = #tpu.core_type<sc_vector_subcore>, window_params = [{transform_indices = #map}, {transform_indices = #map}, {transform_indices = #map}, {transform_indices = #map1}]} {
    %mul3A = arith.constant 624 : i32
    %mul3A_0 = arith.muli %arg1, %mul3A : i32
    %lt3A = arith.constant 15 : i32
    %lt3A_1 = arith.cmpi slt, %arg1, %lt3A : i32
    %convert_element_type3A = arith.extui %lt3A_1 : i1 to i32
    %cond3A = arith.constant 0 : i32
    %cond3A_2 = arith.cmpi ne, %convert_element_type3A, %cond3A : i32
    scf.if %cond3A_2 {
      "tpu.region"() ({
        %run_scoped3A = tpu.sem_alloc : memref<!tpu.dma_semaphore, #tpu.memory_space<semaphore_mem>>
        %dma_start3A_38 = arith.constant 0 : i32
        %dma_start3A_39 = tpu.memref_slice %arg11[%mul3A_0, %dma_start3A_38] : memref<10128x128xf32, #tpu.memory_space<vmem_shared>> -> memref<624x128xf32, #tpu.memory_space<vmem_shared>>
        %dma_start3A_40 = arith.constant 0 : i32
        %dma_start3A_41 = tpu.memref_slice %arg2[%mul3A_0, %dma_start3A_40] : memref<10000x128xf32, #tpu.memory_space<hbm>> -> memref<624x128xf32, #tpu.memory_space<hbm>>
        tpu.enqueue_dma source(%dma_start3A_41 : memref<624x128xf32, #tpu.memory_space<hbm>>) target(%dma_start3A_39 : memref<624x128xf32, #tpu.memory_space<vmem_shared>>) target_semaphore(%run_scoped3A : memref<!tpu.dma_semaphore, #tpu.memory_space<semaphore_mem>>)
        %dma_wait3A = arith.constant 0 : i32
        %dma_wait3A_42 = tpu.memref_slice %arg11[%mul3A_0, %dma_wait3A] : memref<10128x128xf32, #tpu.memory_space<vmem_shared>> -> memref<624x128xf32, #tpu.memory_space<vmem_shared>>
        %dma_wait3A_43 = arith.constant 0 : i32
        %dma_wait3A_44 = tpu.memref_slice %arg2[%mul3A_0, %dma_wait3A_43] : memref<10000x128xf32, #tpu.memory_space<hbm>> -> memref<624x128xf32, #tpu.memory_space<hbm>>
        tpu.wait_dma2 semaphore(%run_scoped3A : memref<!tpu.dma_semaphore, #tpu.memory_space<semaphore_mem>>) src(%dma_wait3A_44 : memref<624x128xf32, #tpu.memory_space<hbm>>) dst(%dma_wait3A_42 : memref<624x128xf32, #tpu.memory_space<vmem_shared>>)
        tpu.yield
      }) : () -> ()
    } else {
    }
    %eq3A = arith.constant 15 : i32
    %eq3A_3 = arith.cmpi eq, %arg1, %eq3A : i32
    %convert_element_type3A_4 = arith.extui %eq3A_3 : i1 to i32
    %cond3A_5 = arith.constant 0 : i32
    %cond3A_6 = arith.cmpi ne, %convert_element_type3A_4, %cond3A_5 : i32
    scf.if %cond3A_6 {
      "tpu.region"() ({
        %run_scoped3A = tpu.sem_alloc : memref<!tpu.dma_semaphore, #tpu.memory_space<semaphore_mem>>
        %dma_start3A_38 = arith.constant 0 : i32
        %dma_start3A_39 = tpu.memref_slice %arg11[%mul3A_0, %dma_start3A_38] : memref<10128x128xf32, #tpu.memory_space<vmem_shared>> -> memref<640x128xf32, #tpu.memory_space<vmem_shared>>
        %dma_start3A_40 = arith.constant 0 : i32
        %dma_start3A_41 = tpu.memref_slice %arg2[%mul3A_0, %dma_start3A_40] : memref<10000x128xf32, #tpu.memory_space<hbm>> -> memref<640x128xf32, #tpu.memory_space<hbm>>
        tpu.enqueue_dma source(%dma_start3A_41 : memref<640x128xf32, #tpu.memory_space<hbm>>) target(%dma_start3A_39 : memref<640x128xf32, #tpu.memory_space<vmem_shared>>) target_semaphore(%run_scoped3A : memref<!tpu.dma_semaphore, #tpu.memory_space<semaphore_mem>>)
        %dma_wait3A = arith.constant 0 : i32
        %dma_wait3A_42 = tpu.memref_slice %arg11[%mul3A_0, %dma_wait3A] : memref<10128x128xf32, #tpu.memory_space<vmem_shared>> -> memref<640x128xf32, #tpu.memory_space<vmem_shared>>
        %dma_wait3A_43 = arith.constant 0 : i32
        %dma_wait3A_44 = tpu.memref_slice %arg2[%mul3A_0, %dma_wait3A_43] : memref<10000x128xf32, #tpu.memory_space<hbm>> -> memref<640x128xf32, #tpu.memory_space<hbm>>
        tpu.wait_dma2 semaphore(%run_scoped3A : memref<!tpu.dma_semaphore, #tpu.memory_space<semaphore_mem>>) src(%dma_wait3A_44 : memref<640x128xf32, #tpu.memory_space<hbm>>) dst(%dma_wait3A_42 : memref<640x128xf32, #tpu.memory_space<vmem_shared>>)
        tpu.yield
      }) : () -> ()
    } else {
    }
    %mul3A_7 = arith.constant 1280 : i32
    %mul3A_8 = arith.muli %arg0, %mul3A_7 : i32
    %mul3A_9 = arith.constant 80 : i32
    %mul3A_10 = arith.muli %arg1, %mul3A_9 : i32
    %add3A = arith.addi %mul3A_8, %mul3A_10 : i32
    "tpu.region"() ({
      %run_scoped3A = tpu.sem_alloc : memref<!tpu.dma_semaphore, #tpu.memory_space<semaphore_mem>>
      %dma_start3A_38 = arith.constant 0 : i32
      %dma_start3A_39 = tpu.memref_slice %arg3[%add3A, %dma_start3A_38] : memref<2560x128xi32, #tpu.memory_space<hbm>> -> memref<80x128xi32, #tpu.memory_space<hbm>>
      %dma_start3A_40 = arith.constant 0 : i32
      %dma_start3A_41 = tpu.memref_slice %arg3[%add3A, %dma_start3A_40] : memref<2560x128xi32, #tpu.memory_space<hbm>> -> memref<80x128xi32, #tpu.memory_space<hbm>>
      tpu.enqueue_dma source(%dma_start3A_41 : memref<80x128xi32, #tpu.memory_space<hbm>>) target(%arg6 : memref<80x128xi32, #tpu.memory_space<vmem>>) target_semaphore(%run_scoped3A : memref<!tpu.dma_semaphore, #tpu.memory_space<semaphore_mem>>)
      %dma_wait3A = arith.constant 0 : i32
      %dma_wait3A_42 = tpu.memref_slice %arg3[%add3A, %dma_wait3A] : memref<2560x128xi32, #tpu.memory_space<hbm>> -> memref<80x128xi32, #tpu.memory_space<hbm>>
      %dma_wait3A_43 = arith.constant 0 : i32
      %dma_wait3A_44 = tpu.memref_slice %arg3[%add3A, %dma_wait3A_43] : memref<2560x128xi32, #tpu.memory_space<hbm>> -> memref<80x128xi32, #tpu.memory_space<hbm>>
      tpu.wait_dma2 semaphore(%run_scoped3A : memref<!tpu.dma_semaphore, #tpu.memory_space<semaphore_mem>>) src(%dma_wait3A_44 : memref<80x128xi32, #tpu.memory_space<hbm>>) dst(%arg6 : memref<80x128xi32, #tpu.memory_space<vmem>>)
      tpu.yield
    }) : () -> ()
    %dma_start3A = arith.constant 0 : i32
    %dma_start3A_11 = arith.constant 0 : i32
    %dma_start3A_12 = tpu.memref_slice %arg6[%dma_start3A, %dma_start3A_11] : memref<80x128xi32, #tpu.memory_space<vmem>> -> memref<1x128xi32, #tpu.memory_space<vmem>>
    %dma_start3A_13 = tpu.memref_squeeze %dma_start3A_12 : memref<1x128xi32, #tpu.memory_space<vmem>> -> memref<128xi32, #tpu.memory_space<vmem>>
    %dma_start3A_14 = arith.constant 0 : i32
    %dma_start3A_15 = arith.constant 0 : i32
    %dma_start3A_16 = tpu.memref_slice %arg2[%dma_start3A_14, %dma_start3A_15] : memref<10000x128xf32, #tpu.memory_space<hbm>> -> memref<10000x128xf32, #tpu.memory_space<hbm>>
    tpu.enqueue_indirect_dma source(%dma_start3A_16 : memref<10000x128xf32, #tpu.memory_space<hbm>>) target(%arg9 : memref<128x128xf32, #tpu.memory_space<vmem>>) offsets(%dma_start3A_13 : memref<128xi32, #tpu.memory_space<vmem>>) semaphore(%arg12 : memref<!tpu.dma_semaphore, #tpu.memory_space<semaphore_mem>>)
    %dma_start3A_17 = arith.constant 0 : i32
    %dma_start3A_18 = tpu.memref_slice %arg4[%add3A, %dma_start3A_17] : memref<2560x128xi32, #tpu.memory_space<hbm>> -> memref<1x128xi32, #tpu.memory_space<hbm>>
    %dma_start3A_19 = tpu.memref_squeeze %dma_start3A_18 : memref<1x128xi32, #tpu.memory_space<hbm>> -> memref<128xi32, #tpu.memory_space<hbm>>
    %dma_start3A_20 = arith.constant 0 : i32
    %dma_start3A_21 = tpu.memref_slice %arg4[%add3A, %dma_start3A_20] : memref<2560x128xi32, #tpu.memory_space<hbm>> -> memref<1x128xi32, #tpu.memory_space<hbm>>
    %dma_start3A_22 = tpu.memref_squeeze %dma_start3A_21 : memref<1x128xi32, #tpu.memory_space<hbm>> -> memref<128xi32, #tpu.memory_space<hbm>>
    tpu.enqueue_dma source(%dma_start3A_22 : memref<128xi32, #tpu.memory_space<hbm>>) target(%arg7 : memref<128xi32, #tpu.memory_space<vmem>>) target_semaphore(%arg14 : memref<!tpu.dma_semaphore, #tpu.memory_space<semaphore_mem>>)
    %barrier3A = arith.constant 0 : index
    tpu.barrier barrier_id(%barrier3A)
    %scan3A = arith.constant 0 : i32
    %scan3A_23 = arith.constant 40 : i32
    %scan3A_24 = arith.addi %scan3A, %scan3A_23 : i32
    %scan3A_25 = arith.constant 1 : i32
    scf.for %scan3A_38 = %scan3A to %scan3A_24 step %scan3A_25  : i32 {
      %mul3A_39 = arith.constant 1 : i32
      %mul3A_40 = arith.muli %scan3A_38, %mul3A_39 : i32
      %add3A_41 = arith.constant 0 : i32
      %add3A_42 = arith.addi %add3A_41, %mul3A_40 : i32
      %mul3A_43 = arith.constant 2 : i32
      %mul3A_44 = arith.muli %mul3A_43, %add3A_42 : i32
      %add3A_45 = arith.constant 1 : i32
      %add3A_46 = arith.addi %mul3A_44, %add3A_45 : i32
      %dma_start3A_47 = arith.constant 0 : i32
      %dma_start3A_48 = tpu.memref_slice %arg6[%add3A_46, %dma_start3A_47] : memref<80x128xi32, #tpu.memory_space<vmem>> -> memref<1x128xi32, #tpu.memory_space<vmem>>
      %dma_start3A_49 = tpu.memref_squeeze %dma_start3A_48 : memref<1x128xi32, #tpu.memory_space<vmem>> -> memref<128xi32, #tpu.memory_space<vmem>>
      %dma_start3A_50 = arith.constant 0 : i32
      %dma_start3A_51 = arith.constant 0 : i32
      %dma_start3A_52 = tpu.memref_slice %arg2[%dma_start3A_50, %dma_start3A_51] : memref<10000x128xf32, #tpu.memory_space<hbm>> -> memref<10000x128xf32, #tpu.memory_space<hbm>>
      tpu.enqueue_indirect_dma source(%dma_start3A_52 : memref<10000x128xf32, #tpu.memory_space<hbm>>) target(%arg10 : memref<128x128xf32, #tpu.memory_space<vmem>>) offsets(%dma_start3A_49 : memref<128xi32, #tpu.memory_space<vmem>>) semaphore(%arg13 : memref<!tpu.dma_semaphore, #tpu.memory_space<semaphore_mem>>)
      %add3A_53 = arith.addi %add3A, %mul3A_44 : i32
      %add3A_54 = arith.constant 1 : i32
      %add3A_55 = arith.addi %add3A_53, %add3A_54 : i32
      %dma_start3A_56 = arith.constant 0 : i32
      %dma_start3A_57 = tpu.memref_slice %arg4[%add3A_55, %dma_start3A_56] : memref<2560x128xi32, #tpu.memory_space<hbm>> -> memref<1x128xi32, #tpu.memory_space<hbm>>
      %dma_start3A_58 = tpu.memref_squeeze %dma_start3A_57 : memref<1x128xi32, #tpu.memory_space<hbm>> -> memref<128xi32, #tpu.memory_space<hbm>>
      %dma_start3A_59 = arith.constant 0 : i32
      %dma_start3A_60 = tpu.memref_slice %arg4[%add3A_55, %dma_start3A_59] : memref<2560x128xi32, #tpu.memory_space<hbm>> -> memref<1x128xi32, #tpu.memory_space<hbm>>
      %dma_start3A_61 = tpu.memref_squeeze %dma_start3A_60 : memref<1x128xi32, #tpu.memory_space<hbm>> -> memref<128xi32, #tpu.memory_space<hbm>>
      tpu.enqueue_dma source(%dma_start3A_61 : memref<128xi32, #tpu.memory_space<hbm>>) target(%arg8 : memref<128xi32, #tpu.memory_space<vmem>>) target_semaphore(%arg15 : memref<!tpu.dma_semaphore, #tpu.memory_space<semaphore_mem>>)
      %dma_wait3A = arith.constant 0 : i32
      %dma_wait3A_62 = tpu.memref_slice %arg6[%mul3A_44, %dma_wait3A] : memref<80x128xi32, #tpu.memory_space<vmem>> -> memref<1x128xi32, #tpu.memory_space<vmem>>
      %dma_wait3A_63 = tpu.memref_squeeze %dma_wait3A_62 : memref<1x128xi32, #tpu.memory_space<vmem>> -> memref<128xi32, #tpu.memory_space<vmem>>
      %dma_wait3A_64 = arith.constant 0 : i32
      %dma_wait3A_65 = arith.constant 0 : i32
      %dma_wait3A_66 = tpu.memref_slice %arg2[%dma_wait3A_64, %dma_wait3A_65] : memref<10000x128xf32, #tpu.memory_space<hbm>> -> memref<10000x128xf32, #tpu.memory_space<hbm>>
      tpu.wait_indirect_dma semaphore(%arg12 : memref<!tpu.dma_semaphore, #tpu.memory_space<semaphore_mem>>) src(%dma_wait3A_66 : memref<10000x128xf32, #tpu.memory_space<hbm>>) dst(%arg9 : memref<128x128xf32, #tpu.memory_space<vmem>>)
      %add3A_67 = arith.addi %add3A, %mul3A_44 : i32
      %dma_wait3A_68 = arith.constant 0 : i32
      %dma_wait3A_69 = tpu.memref_slice %arg4[%add3A_67, %dma_wait3A_68] : memref<2560x128xi32, #tpu.memory_space<hbm>> -> memref<1x128xi32, #tpu.memory_space<hbm>>
      %dma_wait3A_70 = tpu.memref_squeeze %dma_wait3A_69 : memref<1x128xi32, #tpu.memory_space<hbm>> -> memref<128xi32, #tpu.memory_space<hbm>>
      %dma_wait3A_71 = arith.constant 0 : i32
      %dma_wait3A_72 = tpu.memref_slice %arg4[%add3A_67, %dma_wait3A_71] : memref<2560x128xi32, #tpu.memory_space<hbm>> -> memref<1x128xi32, #tpu.memory_space<hbm>>
      %dma_wait3A_73 = tpu.memref_squeeze %dma_wait3A_72 : memref<1x128xi32, #tpu.memory_space<hbm>> -> memref<128xi32, #tpu.memory_space<hbm>>
      tpu.wait_dma2 semaphore(%arg14 : memref<!tpu.dma_semaphore, #tpu.memory_space<semaphore_mem>>) src(%dma_wait3A_73 : memref<128xi32, #tpu.memory_space<hbm>>) dst(%arg7 : memref<128xi32, #tpu.memory_space<vmem>>)
      "tpu.region"() ({
        %run_scoped3A = tpu.sem_alloc : memref<!tpu.dma_semaphore, #tpu.memory_space<semaphore_mem>>
        %dma_start3A_96 = arith.constant 0 : i32
        %dma_start3A_97 = arith.constant 0 : i32
        %dma_start3A_98 = tpu.memref_slice %arg11[%dma_start3A_96, %dma_start3A_97] : memref<10128x128xf32, #tpu.memory_space<vmem_shared>> -> memref<10128x128xf32, #tpu.memory_space<vmem_shared>>
        tpu.enqueue_indirect_dma source(%arg9 : memref<128x128xf32, #tpu.memory_space<vmem>>) target(%dma_start3A_98 : memref<10128x128xf32, #tpu.memory_space<vmem_shared>>) offsets(%arg7 : memref<128xi32, #tpu.memory_space<vmem>>) semaphore(%run_scoped3A : memref<!tpu.dma_semaphore, #tpu.memory_space<semaphore_mem>>) {add = true}
        %dma_wait3A_99 = arith.constant 0 : i32
        %dma_wait3A_100 = arith.constant 0 : i32
        %dma_wait3A_101 = tpu.memref_slice %arg11[%dma_wait3A_99, %dma_wait3A_100] : memref<10128x128xf32, #tpu.memory_space<vmem_shared>> -> memref<10128x128xf32, #tpu.memory_space<vmem_shared>>
        tpu.wait_indirect_dma semaphore(%run_scoped3A : memref<!tpu.dma_semaphore, #tpu.memory_space<semaphore_mem>>) src(%arg9 : memref<128x128xf32, #tpu.memory_space<vmem>>) dst(%dma_wait3A_101 : memref<10128x128xf32, #tpu.memory_space<vmem_shared>>)
        tpu.yield
      }) : () -> ()
      %lt3A_74 = arith.constant 39 : i32
      %lt3A_75 = arith.cmpi slt, %add3A_42, %lt3A_74 : i32
      %convert_element_type3A_76 = arith.extui %lt3A_75 : i1 to i32
      %cond3A_77 = arith.constant 0 : i32
      %cond3A_78 = arith.cmpi ne, %convert_element_type3A_76, %cond3A_77 : i32
      scf.if %cond3A_78 {
        %add3A_96 = arith.constant 2 : i32
        %add3A_97 = arith.addi %mul3A_44, %add3A_96 : i32
        %dma_start3A_98 = arith.constant 0 : i32
        %dma_start3A_99 = tpu.memref_slice %arg6[%add3A_97, %dma_start3A_98] : memref<80x128xi32, #tpu.memory_space<vmem>> -> memref<1x128xi32, #tpu.memory_space<vmem>>
        %dma_start3A_100 = tpu.memref_squeeze %dma_start3A_99 : memref<1x128xi32, #tpu.memory_space<vmem>> -> memref<128xi32, #tpu.memory_space<vmem>>
        %dma_start3A_101 = arith.constant 0 : i32
        %dma_start3A_102 = arith.constant 0 : i32
        %dma_start3A_103 = tpu.memref_slice %arg2[%dma_start3A_101, %dma_start3A_102] : memref<10000x128xf32, #tpu.memory_space<hbm>> -> memref<10000x128xf32, #tpu.memory_space<hbm>>
        tpu.enqueue_indirect_dma source(%dma_start3A_103 : memref<10000x128xf32, #tpu.memory_space<hbm>>) target(%arg9 : memref<128x128xf32, #tpu.memory_space<vmem>>) offsets(%dma_start3A_100 : memref<128xi32, #tpu.memory_space<vmem>>) semaphore(%arg12 : memref<!tpu.dma_semaphore, #tpu.memory_space<semaphore_mem>>)
        %add3A_104 = arith.addi %add3A, %mul3A_44 : i32
        %add3A_105 = arith.constant 2 : i32
        %add3A_106 = arith.addi %add3A_104, %add3A_105 : i32
        %dma_start3A_107 = arith.constant 0 : i32
        %dma_start3A_108 = tpu.memref_slice %arg4[%add3A_106, %dma_start3A_107] : memref<2560x128xi32, #tpu.memory_space<hbm>> -> memref<1x128xi32, #tpu.memory_space<hbm>>
        %dma_start3A_109 = tpu.memref_squeeze %dma_start3A_108 : memref<1x128xi32, #tpu.memory_space<hbm>> -> memref<128xi32, #tpu.memory_space<hbm>>
        %dma_start3A_110 = arith.constant 0 : i32
        %dma_start3A_111 = tpu.memref_slice %arg4[%add3A_106, %dma_start3A_110] : memref<2560x128xi32, #tpu.memory_space<hbm>> -> memref<1x128xi32, #tpu.memory_space<hbm>>
        %dma_start3A_112 = tpu.memref_squeeze %dma_start3A_111 : memref<1x128xi32, #tpu.memory_space<hbm>> -> memref<128xi32, #tpu.memory_space<hbm>>
        tpu.enqueue_dma source(%dma_start3A_112 : memref<128xi32, #tpu.memory_space<hbm>>) target(%arg7 : memref<128xi32, #tpu.memory_space<vmem>>) target_semaphore(%arg14 : memref<!tpu.dma_semaphore, #tpu.memory_space<semaphore_mem>>)
      } else {
      }
      %add3A_79 = arith.constant 1 : i32
      %add3A_80 = arith.addi %mul3A_44, %add3A_79 : i32
      %dma_wait3A_81 = arith.constant 0 : i32
      %dma_wait3A_82 = tpu.memref_slice %arg6[%add3A_80, %dma_wait3A_81] : memref<80x128xi32, #tpu.memory_space<vmem>> -> memref<1x128xi32, #tpu.memory_space<vmem>>
      %dma_wait3A_83 = tpu.memref_squeeze %dma_wait3A_82 : memref<1x128xi32, #tpu.memory_space<vmem>> -> memref<128xi32, #tpu.memory_space<vmem>>
      %dma_wait3A_84 = arith.constant 0 : i32
      %dma_wait3A_85 = arith.constant 0 : i32
      %dma_wait3A_86 = tpu.memref_slice %arg2[%dma_wait3A_84, %dma_wait3A_85] : memref<10000x128xf32, #tpu.memory_space<hbm>> -> memref<10000x128xf32, #tpu.memory_space<hbm>>
      tpu.wait_indirect_dma semaphore(%arg13 : memref<!tpu.dma_semaphore, #tpu.memory_space<semaphore_mem>>) src(%dma_wait3A_86 : memref<10000x128xf32, #tpu.memory_space<hbm>>) dst(%arg10 : memref<128x128xf32, #tpu.memory_space<vmem>>)
      %add3A_87 = arith.addi %add3A, %mul3A_44 : i32
      %add3A_88 = arith.constant 1 : i32
      %add3A_89 = arith.addi %add3A_87, %add3A_88 : i32
      %dma_wait3A_90 = arith.constant 0 : i32
      %dma_wait3A_91 = tpu.memref_slice %arg4[%add3A_89, %dma_wait3A_90] : memref<2560x128xi32, #tpu.memory_space<hbm>> -> memref<1x128xi32, #tpu.memory_space<hbm>>
      %dma_wait3A_92 = tpu.memref_squeeze %dma_wait3A_91 : memref<1x128xi32, #tpu.memory_space<hbm>> -> memref<128xi32, #tpu.memory_space<hbm>>
      %dma_wait3A_93 = arith.constant 0 : i32
      %dma_wait3A_94 = tpu.memref_slice %arg4[%add3A_89, %dma_wait3A_93] : memref<2560x128xi32, #tpu.memory_space<hbm>> -> memref<1x128xi32, #tpu.memory_space<hbm>>
      %dma_wait3A_95 = tpu.memref_squeeze %dma_wait3A_94 : memref<1x128xi32, #tpu.memory_space<hbm>> -> memref<128xi32, #tpu.memory_space<hbm>>
      tpu.wait_dma2 semaphore(%arg15 : memref<!tpu.dma_semaphore, #tpu.memory_space<semaphore_mem>>) src(%dma_wait3A_95 : memref<128xi32, #tpu.memory_space<hbm>>) dst(%arg8 : memref<128xi32, #tpu.memory_space<vmem>>)
      "tpu.region"() ({
        %run_scoped3A = tpu.sem_alloc : memref<!tpu.dma_semaphore, #tpu.memory_space<semaphore_mem>>
        %dma_start3A_96 = arith.constant 0 : i32
        %dma_start3A_97 = arith.constant 0 : i32
        %dma_start3A_98 = tpu.memref_slice %arg11[%dma_start3A_96, %dma_start3A_97] : memref<10128x128xf32, #tpu.memory_space<vmem_shared>> -> memref<10128x128xf32, #tpu.memory_space<vmem_shared>>
        tpu.enqueue_indirect_dma source(%arg10 : memref<128x128xf32, #tpu.memory_space<vmem>>) target(%dma_start3A_98 : memref<10128x128xf32, #tpu.memory_space<vmem_shared>>) offsets(%arg8 : memref<128xi32, #tpu.memory_space<vmem>>) semaphore(%run_scoped3A : memref<!tpu.dma_semaphore, #tpu.memory_space<semaphore_mem>>) {add = true}
        %dma_wait3A_99 = arith.constant 0 : i32
        %dma_wait3A_100 = arith.constant 0 : i32
        %dma_wait3A_101 = tpu.memref_slice %arg11[%dma_wait3A_99, %dma_wait3A_100] : memref<10128x128xf32, #tpu.memory_space<vmem_shared>> -> memref<10128x128xf32, #tpu.memory_space<vmem_shared>>
        tpu.wait_indirect_dma semaphore(%run_scoped3A : memref<!tpu.dma_semaphore, #tpu.memory_space<semaphore_mem>>) src(%arg10 : memref<128x128xf32, #tpu.memory_space<vmem>>) dst(%dma_wait3A_101 : memref<10128x128xf32, #tpu.memory_space<vmem_shared>>)
        tpu.yield
      }) : () -> ()
    }
    %scan3A_26 = arith.constant 40 : i32
    %barrier3A_27 = arith.constant 0 : index
    tpu.barrier barrier_id(%barrier3A_27)
    %lt3A_28 = arith.constant 15 : i32
    %lt3A_29 = arith.cmpi slt, %arg1, %lt3A_28 : i32
    %convert_element_type3A_30 = arith.extui %lt3A_29 : i1 to i32
    %cond3A_31 = arith.constant 0 : i32
    %cond3A_32 = arith.cmpi ne, %convert_element_type3A_30, %cond3A_31 : i32
    scf.if %cond3A_32 {
      "tpu.region"() ({
        %run_scoped3A = tpu.sem_alloc : memref<!tpu.dma_semaphore, #tpu.memory_space<semaphore_mem>>
        %dma_start3A_38 = arith.constant 0 : i32
        %dma_start3A_39 = tpu.memref_slice %arg5[%arg0, %mul3A_0, %dma_start3A_38] : memref<2x10000x128xf32, #tpu.memory_space<hbm>> -> memref<1x624x128xf32, #tpu.memory_space<hbm>>
        %dma_start3A_40 = tpu.memref_squeeze %dma_start3A_39 : memref<1x624x128xf32, #tpu.memory_space<hbm>> -> memref<624x128xf32, #tpu.memory_space<hbm>>
        %dma_start3A_41 = arith.constant 0 : i32
        %dma_start3A_42 = tpu.memref_slice %arg11[%mul3A_0, %dma_start3A_41] : memref<10128x128xf32, #tpu.memory_space<vmem_shared>> -> memref<624x128xf32, #tpu.memory_space<vmem_shared>>
        tpu.enqueue_dma source(%dma_start3A_42 : memref<624x128xf32, #tpu.memory_space<vmem_shared>>) target(%dma_start3A_40 : memref<624x128xf32, #tpu.memory_space<hbm>>) target_semaphore(%run_scoped3A : memref<!tpu.dma_semaphore, #tpu.memory_space<semaphore_mem>>)
        %dma_wait3A = arith.constant 0 : i32
        %dma_wait3A_43 = tpu.memref_slice %arg5[%arg0, %mul3A_0, %dma_wait3A] : memref<2x10000x128xf32, #tpu.memory_space<hbm>> -> memref<1x624x128xf32, #tpu.memory_space<hbm>>
        %dma_wait3A_44 = tpu.memref_squeeze %dma_wait3A_43 : memref<1x624x128xf32, #tpu.memory_space<hbm>> -> memref<624x128xf32, #tpu.memory_space<hbm>>
        %dma_wait3A_45 = arith.constant 0 : i32
        %dma_wait3A_46 = tpu.memref_slice %arg11[%mul3A_0, %dma_wait3A_45] : memref<10128x128xf32, #tpu.memory_space<vmem_shared>> -> memref<624x128xf32, #tpu.memory_space<vmem_shared>>
        tpu.wait_dma2 semaphore(%run_scoped3A : memref<!tpu.dma_semaphore, #tpu.memory_space<semaphore_mem>>) src(%dma_wait3A_46 : memref<624x128xf32, #tpu.memory_space<vmem_shared>>) dst(%dma_wait3A_44 : memref<624x128xf32, #tpu.memory_space<hbm>>)
        tpu.yield
      }) : () -> ()
    } else {
    }
    %eq3A_33 = arith.constant 15 : i32
    %eq3A_34 = arith.cmpi eq, %arg1, %eq3A_33 : i32
    %convert_element_type3A_35 = arith.extui %eq3A_34 : i1 to i32
    %cond3A_36 = arith.constant 0 : i32
    %cond3A_37 = arith.cmpi ne, %convert_element_type3A_35, %cond3A_36 : i32
    scf.if %cond3A_37 {
      "tpu.region"() ({
        %run_scoped3A = tpu.sem_alloc : memref<!tpu.dma_semaphore, #tpu.memory_space<semaphore_mem>>
        %dma_start3A_38 = arith.constant 0 : i32
        %dma_start3A_39 = tpu.memref_slice %arg5[%arg0, %mul3A_0, %dma_start3A_38] : memref<2x10000x128xf32, #tpu.memory_space<hbm>> -> memref<1x640x128xf32, #tpu.memory_space<hbm>>
        %dma_start3A_40 = tpu.memref_squeeze %dma_start3A_39 : memref<1x640x128xf32, #tpu.memory_space<hbm>> -> memref<640x128xf32, #tpu.memory_space<hbm>>
        %dma_start3A_41 = arith.constant 0 : i32
        %dma_start3A_42 = tpu.memref_slice %arg11[%mul3A_0, %dma_start3A_41] : memref<10128x128xf32, #tpu.memory_space<vmem_shared>> -> memref<640x128xf32, #tpu.memory_space<vmem_shared>>
        tpu.enqueue_dma source(%dma_start3A_42 : memref<640x128xf32, #tpu.memory_space<vmem_shared>>) target(%dma_start3A_40 : memref<640x128xf32, #tpu.memory_space<hbm>>) target_semaphore(%run_scoped3A : memref<!tpu.dma_semaphore, #tpu.memory_space<semaphore_mem>>)
        %dma_wait3A = arith.constant 0 : i32
        %dma_wait3A_43 = tpu.memref_slice %arg5[%arg0, %mul3A_0, %dma_wait3A] : memref<2x10000x128xf32, #tpu.memory_space<hbm>> -> memref<1x640x128xf32, #tpu.memory_space<hbm>>
        %dma_wait3A_44 = tpu.memref_squeeze %dma_wait3A_43 : memref<1x640x128xf32, #tpu.memory_space<hbm>> -> memref<640x128xf32, #tpu.memory_space<hbm>>
        %dma_wait3A_45 = arith.constant 0 : i32
        %dma_wait3A_46 = tpu.memref_slice %arg11[%mul3A_0, %dma_wait3A_45] : memref<10128x128xf32, #tpu.memory_space<vmem_shared>> -> memref<640x128xf32, #tpu.memory_space<vmem_shared>>
        tpu.wait_dma2 semaphore(%run_scoped3A : memref<!tpu.dma_semaphore, #tpu.memory_space<semaphore_mem>>) src(%dma_wait3A_46 : memref<640x128xf32, #tpu.memory_space<vmem_shared>>) dst(%dma_wait3A_44 : memref<640x128xf32, #tpu.memory_space<hbm>>)
        tpu.yield
      }) : () -> ()
    } else {
    }
    return
  }
}

module attributes {stable_mosaic.version = 14 : i64} {
  func.func @_mm_raw_body(%arg0: i32, %arg1: memref<1000x128xf32, #tpu.memory_space<vmem>>, %arg2: memref<128x128xf32, #tpu.memory_space<vmem>>, %arg3: memref<1000x128xf32, #tpu.memory_space<vmem>>) attributes {dimension_semantics = [#tpu.dimension_semantics<arbitrary>], iteration_bounds = array<i64: 10>, scalar_prefetch = 0 : i64, scratch_operands = 0 : i64, tpu.core_type = #tpu.core_type<tc>, window_params = [{transform_indices = @transform_0, window_bounds = array<i64: 1000, 128>}, {pipeline_mode = #tpu.pipeline_mode<synchronous>, transform_indices = @transform_1, window_bounds = array<i64: 128, 128>}, {transform_indices = @transform_2, window_bounds = array<i64: 1000, 128>}]} {
    %get3A = arith.constant 0 : index
    %get3A_0 = arith.constant 0 : index
    %get3A_1 = vector.load %arg1[%get3A, %get3A_0] : memref<1000x128xf32, #tpu.memory_space<vmem>>, vector<1000x128xf32>
    %get3A_2 = arith.constant 0 : index
    %get3A_3 = arith.constant 0 : index
    %get3A_4 = vector.load %arg2[%get3A_2, %get3A_3] : memref<128x128xf32, #tpu.memory_space<vmem>>, vector<128x128xf32>
    %dot_general3A = arith.constant dense<0.000000e+00> : vector<1000x128xf32>
    %dot_general3A_5 = tpu.matmul %get3A_1, %get3A_4, %dot_general3A {dimension_numbers = #tpu.dot_dimension_numbers<[1], [0], [0], [1], [0, 0, 1, 1], [], []>, transpose_lhs_hint = false} : vector<1000x128xf32>, vector<128x128xf32>, vector<1000x128xf32> -> vector<1000x128xf32>
    %swap3A = arith.constant 0 : index
    %swap3A_6 = arith.constant 0 : index
    %swap3A_7 = vector.load %arg3[%swap3A, %swap3A_6] : memref<1000x128xf32, #tpu.memory_space<vmem>>, vector<1000x128xf32>
    tpu.vector_store %arg3[%swap3A, %swap3A_6], %dot_general3A_5 {strides = array<i32>} : memref<1000x128xf32, #tpu.memory_space<vmem>>, vector<1000x128xf32>,
    return
  }
  func.func @transform_0(%arg0: i32) -> (i32, i32) {
    %c0_i32 = arith.constant 0 : i32
    %c0_i32_0 = arith.constant 0 : i32
    return %arg0, %c0_i32 : i32, i32
  }
  func.func @transform_1(%arg0: i32) -> (i32, i32) {
    %c0_i32 = arith.constant 0 : i32
    %c0_i32_0 = arith.constant 0 : i32
    %c0_i32_1 = arith.constant 0 : i32
    return %c0_i32, %c0_i32_0 : i32, i32
  }
  func.func @transform_2(%arg0: i32) -> (i32, i32) {
    %c0_i32 = arith.constant 0 : i32
    %c0_i32_0 = arith.constant 0 : i32
    return %arg0, %c0_i32 : i32, i32
  }
}

module attributes {stable_mosaic.version = 14 : i64} {
  func.func @_prep_body(%arg0: i32, %arg1: memref<1000x128xf32, #tpu.memory_space<vmem>>, %arg2: memref<1000x128xf32, #tpu.memory_space<vmem>>, %arg3: memref<1000x128xf32, #tpu.memory_space<vmem>>, %arg4: memref<1000x128xf32, #tpu.memory_space<vmem>>, %arg5: memref<1000x1xf32, #tpu.memory_space<vmem>>) attributes {dimension_semantics = [#tpu.dimension_semantics<arbitrary>], iteration_bounds = array<i64: 10>, scalar_prefetch = 0 : i64, scratch_operands = 0 : i64, tpu.core_type = #tpu.core_type<tc>, window_params = [{transform_indices = @transform_0, window_bounds = array<i64: 1000, 128>}, {transform_indices = @transform_1, window_bounds = array<i64: 1000, 128>}, {transform_indices = @transform_2, window_bounds = array<i64: 1000, 128>}, {transform_indices = @transform_3, window_bounds = array<i64: 1000, 128>}, {transform_indices = @transform_4, window_bounds = array<i64: 1000, 1>}]} {
    %get3A = arith.constant 0 : index
    %get3A_0 = arith.constant 0 : index
    %get3A_1 = vector.load %arg2[%get3A, %get3A_0] : memref<1000x128xf32, #tpu.memory_space<vmem>>, vector<1000x1xf32>
    %get3A_2 = arith.constant 0 : index
    %get3A_3 = arith.constant 0 : index
    %get3A_4 = vector.load %arg3[%get3A_2, %get3A_3] : memref<1000x128xf32, #tpu.memory_space<vmem>>, vector<1000x1xf32>
    %add3A = arith.addf %get3A_1, %get3A_4 : vector<1000x1xf32>
    %sub3A = arith.constant 1.000000e+00 : f32
    %sub3A_5 = vector.broadcast %sub3A : f32 to vector<1000x1xf32>
    %sub3A_6 = arith.subf %add3A, %sub3A_5 : vector<1000x1xf32>
    %rsqrt3A = math.rsqrt %sub3A_6 : vector<1000x1xf32>
    %swap3A = arith.constant 0 : index
    %swap3A_7 = arith.constant 0 : index
    %swap3A_8 = vector.load %arg5[%swap3A, %swap3A_7] : memref<1000x1xf32, #tpu.memory_space<vmem>>, vector<1000x1xf32>
    tpu.vector_store %arg5[%swap3A, %swap3A_7], %rsqrt3A {strides = array<i32>} : memref<1000x1xf32, #tpu.memory_space<vmem>>, vector<1000x1xf32>,
    %get3A_9 = arith.constant 0 : index
    %get3A_10 = arith.constant 0 : index
    %get3A_11 = vector.load %arg1[%get3A_9, %get3A_10] : memref<1000x128xf32, #tpu.memory_space<vmem>>, vector<1000x128xf32>
    %mul3A = vector.broadcast %rsqrt3A : vector<1000x1xf32> to vector<1000x128xf32>
    %mul3A_12 = arith.mulf %get3A_11, %mul3A : vector<1000x128xf32>
    %swap3A_13 = arith.constant 0 : index
    %swap3A_14 = arith.constant 0 : index
    %swap3A_15 = vector.load %arg4[%swap3A_13, %swap3A_14] : memref<1000x128xf32, #tpu.memory_space<vmem>>, vector<1000x128xf32>
    tpu.vector_store %arg4[%swap3A_13, %swap3A_14], %mul3A_12 {strides = array<i32>} : memref<1000x128xf32, #tpu.memory_space<vmem>>, vector<1000x128xf32>,
    return
  }
  func.func @transform_0(%arg0: i32) -> (i32, i32) {
    %c0_i32 = arith.constant 0 : i32
    %c0_i32_0 = arith.constant 0 : i32
    return %arg0, %c0_i32 : i32, i32
  }
  func.func @transform_1(%arg0: i32) -> (i32, i32) {
    %c0_i32 = arith.constant 0 : i32
    %c0_i32_0 = arith.constant 0 : i32
    return %arg0, %c0_i32 : i32, i32
  }
  func.func @transform_2(%arg0: i32) -> (i32, i32) {
    %c0_i32 = arith.constant 0 : i32
    %c0_i32_0 = arith.constant 0 : i32
    return %arg0, %c0_i32 : i32, i32
  }
  func.func @transform_3(%arg0: i32) -> (i32, i32) {
    %c0_i32 = arith.constant 0 : i32
    %c0_i32_0 = arith.constant 0 : i32
    return %arg0, %c0_i32 : i32, i32
  }
  func.func @transform_4(%arg0: i32) -> (i32, i32) {
    %c0_i32 = arith.constant 0 : i32
    %c0_i32_0 = arith.constant 0 : i32
    return %arg0, %c0_i32 : i32, i32
  }
}

module attributes {stable_mosaic.version = 14 : i64} {
  func.func @_stage_mid_body(%arg0: i32, %arg1: i32, %arg2: memref<1000x128xf32, #tpu.memory_space<vmem>>, %arg3: memref<1000x128xf32, #tpu.memory_space<vmem>>, %arg4: memref<1000x128xf32, #tpu.memory_space<vmem>>, %arg5: memref<1000x1xf32, #tpu.memory_space<vmem>>, %arg6: memref<1x128xf32, #tpu.memory_space<vmem>>, %arg7: memref<1x128xf32, #tpu.memory_space<vmem>>, %arg8: memref<1000x128xf32, #tpu.memory_space<vmem>>, %arg9: memref<128x128xf32, #tpu.memory_space<vmem>>, %arg10: memref<1000x128xf32, #tpu.memory_space<vmem>>, %arg11: memref<1000x128xf32, #tpu.memory_space<vmem>>, %arg12: memref<10000x128xf32, #tpu.memory_space<vmem>>, %arg13: memref<8x128xf32, #tpu.memory_space<vmem>>) attributes {dimension_semantics = [#tpu.dimension_semantics<arbitrary>, #tpu.dimension_semantics<arbitrary>], iteration_bounds = array<i64: 2, 10>, scalar_prefetch = 0 : i64, scratch_operands = 2 : i64, tpu.core_type = #tpu.core_type<tc>, window_params = [{transform_indices = @transform_0, window_bounds = array<i64: 1000, 128>}, {transform_indices = @transform_1, window_bounds = array<i64: 1000, 128>}, {transform_indices = @transform_2, window_bounds = array<i64: 1000, 128>}, {transform_indices = @transform_3, window_bounds = array<i64: 1000, 1>}, {pipeline_mode = #tpu.pipeline_mode<synchronous>, transform_indices = @transform_4, window_bounds = array<i64: 1, 128>}, {pipeline_mode = #tpu.pipeline_mode<synchronous>, transform_indices = @transform_5, window_bounds = array<i64: 1, 128>}, {transform_indices = @transform_6, window_bounds = array<i64: 1000, 128>}, {pipeline_mode = #tpu.pipeline_mode<synchronous>, transform_indices = @transform_7, window_bounds = array<i64: 128, 128>}, {transform_indices = @transform_8, window_bounds = array<i64: 1000, 128>}, {transform_indices = @transform_9, window_bounds = array<i64: 1000, 128>}]} {
    %eq3A = arith.constant 0 : i32
    %eq3A_0 = arith.cmpi eq, %arg0, %eq3A : i32
    %convert_element_type3A = arith.extui %eq3A_0 : i1 to i32
    %cond3A = arith.constant 0 : i32
    %cond3A_1 = arith.cmpi ne, %convert_element_type3A, %cond3A : i32
    scf.if %cond3A_1 {
      %eq3A_7 = arith.constant 0 : i32
      %eq3A_8 = arith.cmpi eq, %arg1, %eq3A_7 : i32
      %convert_element_type3A_9 = arith.extui %eq3A_8 : i1 to i32
      %cond3A_10 = arith.constant 0 : i32
      %cond3A_11 = arith.cmpi ne, %convert_element_type3A_9, %cond3A_10 : i32
      scf.if %cond3A_11 {
        %broadcast_in_dim3A_47 = arith.constant 0.000000e+00 : f32
        %broadcast_in_dim3A_48 = vector.broadcast %broadcast_in_dim3A_47 : f32 to vector<8x128xf32>
        %swap3A_49 = arith.constant 0 : index
        %swap3A_50 = arith.constant 0 : index
        %swap3A_51 = vector.load %arg13[%swap3A_49, %swap3A_50] : memref<8x128xf32, #tpu.memory_space<vmem>>, vector<8x128xf32>
        tpu.vector_store %arg13[%swap3A_49, %swap3A_50], %broadcast_in_dim3A_48 {strides = array<i32>} : memref<8x128xf32, #tpu.memory_space<vmem>>, vector<8x128xf32>,
      } else {
      }
      %get3A = arith.constant 0 : index
      %get3A_12 = arith.constant 0 : index
      %get3A_13 = vector.load %arg2[%get3A, %get3A_12] : memref<1000x128xf32, #tpu.memory_space<vmem>>, vector<1000x128xf32>
      %get3A_14 = arith.constant 0 : index
      %get3A_15 = arith.constant 0 : index
      %get3A_16 = vector.load %arg3[%get3A_14, %get3A_15] : memref<1000x128xf32, #tpu.memory_space<vmem>>, vector<1000x128xf32>
      %add3A = arith.addf %get3A_13, %get3A_16 : vector<1000x128xf32>
      %get3A_17 = arith.constant 0 : index
      %get3A_18 = arith.constant 0 : index
      %get3A_19 = vector.load %arg4[%get3A_17, %get3A_18] : memref<1000x128xf32, #tpu.memory_space<vmem>>, vector<1000x128xf32>
      %sub3A = arith.subf %add3A, %get3A_19 : vector<1000x128xf32>
      %get3A_20 = arith.constant 0 : index
      %get3A_21 = arith.constant 0 : index
      %get3A_22 = vector.load %arg5[%get3A_20, %get3A_21] : memref<1000x1xf32, #tpu.memory_space<vmem>>, vector<1000x1xf32>
      %mul3A = vector.broadcast %get3A_22 : vector<1000x1xf32> to vector<1000x128xf32>
      %mul3A_23 = arith.mulf %sub3A, %mul3A : vector<1000x128xf32>
      %mul3A_24 = arith.constant 1000 : i32
      %mul3A_25 = arith.muli %arg1, %mul3A_24 : i32
      %swap3A = arith.index_cast %mul3A_25 : i32 to index
      %swap3A_26 = arith.constant 0 : index
      %swap3A_27 = vector.load %arg12[%swap3A, %swap3A_26] : memref<10000x128xf32, #tpu.memory_space<vmem>>, vector<1000x128xf32>
      tpu.vector_store %arg12[%swap3A, %swap3A_26], %mul3A_23 {strides = array<i32>} : memref<10000x128xf32, #tpu.memory_space<vmem>>, vector<1000x128xf32>,
      %get3A_28 = arith.constant 0 : index
      %get3A_29 = arith.constant 0 : index
      %get3A_30 = vector.load %arg13[%get3A_28, %get3A_29] : memref<8x128xf32, #tpu.memory_space<vmem>>, vector<1x128xf32>
      %reduce_sum3A = arith.constant dense<0.000000e+00> : vector<128xf32>
      %reduce_sum3A_31 = vector.multi_reduction <add>, %mul3A_23, %reduce_sum3A [0] : vector<1000x128xf32> to vector<128xf32>
      %broadcast_in_dim3A = vector.shape_cast %reduce_sum3A_31 : vector<128xf32> to vector<1x128xf32>
      %add3A_32 = arith.addf %get3A_30, %broadcast_in_dim3A : vector<1x128xf32>
      %swap3A_33 = arith.constant 0 : index
      %swap3A_34 = arith.constant 0 : index
      %swap3A_35 = vector.load %arg13[%swap3A_33, %swap3A_34] : memref<8x128xf32, #tpu.memory_space<vmem>>, vector<1x128xf32>
      tpu.vector_store %arg13[%swap3A_33, %swap3A_34], %add3A_32 {strides = array<i32>} : memref<8x128xf32, #tpu.memory_space<vmem>>, vector<1x128xf32>,
      %get3A_36 = arith.constant 1 : index
      %get3A_37 = arith.constant 0 : index
      %get3A_38 = vector.load %arg13[%get3A_36, %get3A_37] : memref<8x128xf32, #tpu.memory_space<vmem>>, vector<1x128xf32>
      %mul3A_39 = arith.mulf %mul3A_23, %mul3A_23 : vector<1000x128xf32>
      %reduce_sum3A_40 = arith.constant dense<0.000000e+00> : vector<128xf32>
      %reduce_sum3A_41 = vector.multi_reduction <add>, %mul3A_39, %reduce_sum3A_40 [0] : vector<1000x128xf32> to vector<128xf32>
      %broadcast_in_dim3A_42 = vector.shape_cast %reduce_sum3A_41 : vector<128xf32> to vector<1x128xf32>
      %add3A_43 = arith.addf %get3A_38, %broadcast_in_dim3A_42 : vector<1x128xf32>
      %swap3A_44 = arith.constant 1 : index
      %swap3A_45 = arith.constant 0 : index
      %swap3A_46 = vector.load %arg13[%swap3A_44, %swap3A_45] : memref<8x128xf32, #tpu.memory_space<vmem>>, vector<1x128xf32>
      tpu.vector_store %arg13[%swap3A_44, %swap3A_45], %add3A_43 {strides = array<i32>} : memref<8x128xf32, #tpu.memory_space<vmem>>, vector<1x128xf32>,
    } else {
    }
    %eq3A_2 = arith.constant 1 : i32
    %eq3A_3 = arith.cmpi eq, %arg0, %eq3A_2 : i32
    %convert_element_type3A_4 = arith.extui %eq3A_3 : i1 to i32
    %cond3A_5 = arith.constant 0 : i32
    %cond3A_6 = arith.cmpi ne, %convert_element_type3A_4, %cond3A_5 : i32
    scf.if %cond3A_6 {
      %mul3A = arith.constant 1000 : i32
      %mul3A_7 = arith.muli %arg1, %mul3A : i32
      %get3A = arith.index_cast %mul3A_7 : i32 to index
      %get3A_8 = arith.constant 0 : index
      %get3A_9 = vector.load %arg12[%get3A, %get3A_8] : memref<10000x128xf32, #tpu.memory_space<vmem>>, vector<1000x128xf32>
      %get3A_10 = arith.constant 0 : index
      %get3A_11 = arith.constant 0 : index
      %get3A_12 = vector.load %arg13[%get3A_10, %get3A_11] : memref<8x128xf32, #tpu.memory_space<vmem>>, vector<1x128xf32>
      %mul3A_13 = arith.constant 9.99999974E-5 : f32
      %mul3A_14 = vector.broadcast %mul3A_13 : f32 to vector<1x128xf32>
      %mul3A_15 = arith.mulf %get3A_12, %mul3A_14 : vector<1x128xf32>
      %get3A_16 = arith.constant 1 : index
      %get3A_17 = arith.constant 0 : index
      %get3A_18 = vector.load %arg13[%get3A_16, %get3A_17] : memref<8x128xf32, #tpu.memory_space<vmem>>, vector<1x128xf32>
      %mul3A_19 = arith.constant 9.99999974E-5 : f32
      %mul3A_20 = vector.broadcast %mul3A_19 : f32 to vector<1x128xf32>
      %mul3A_21 = arith.mulf %get3A_18, %mul3A_20 : vector<1x128xf32>
      %mul3A_22 = arith.mulf %mul3A_15, %mul3A_15 : vector<1x128xf32>
      %sub3A = arith.subf %mul3A_21, %mul3A_22 : vector<1x128xf32>
      %add3A = arith.constant 9.99999974E-6 : f32
      %add3A_23 = vector.broadcast %add3A : f32 to vector<1x128xf32>
      %add3A_24 = arith.addf %sub3A, %add3A_23 : vector<1x128xf32>
      %rsqrt3A = math.rsqrt %add3A_24 : vector<1x128xf32>
      %sub3A_25 = vector.broadcast %mul3A_15 : vector<1x128xf32> to vector<1000x128xf32>
      %sub3A_26 = arith.subf %get3A_9, %sub3A_25 : vector<1000x128xf32>
      %get3A_27 = arith.constant 0 : index
      %get3A_28 = arith.constant 0 : index
      %get3A_29 = vector.load %arg6[%get3A_27, %get3A_28] : memref<1x128xf32, #tpu.memory_space<vmem>>, vector<1x128xf32>
      %mul3A_30 = arith.mulf %rsqrt3A, %get3A_29 : vector<1x128xf32>
      %mul3A_31 = vector.broadcast %mul3A_30 : vector<1x128xf32> to vector<1000x128xf32>
      %mul3A_32 = arith.mulf %sub3A_26, %mul3A_31 : vector<1000x128xf32>
      %get3A_33 = arith.constant 0 : index
      %get3A_34 = arith.constant 0 : index
      %get3A_35 = vector.load %arg7[%get3A_33, %get3A_34] : memref<1x128xf32, #tpu.memory_space<vmem>>, vector<1x128xf32>
      %add3A_36 = vector.broadcast %get3A_35 : vector<1x128xf32> to vector<1000x128xf32>
      %add3A_37 = arith.addf %mul3A_32, %add3A_36 : vector<1000x128xf32>
      %max3A = arith.constant 0.000000e+00 : f32
      %max3A_38 = vector.broadcast %max3A : f32 to vector<1000x128xf32>
      %max3A_39 = arith.maximumf %add3A_37, %max3A_38 : vector<1000x128xf32>
      %get3A_40 = arith.constant 0 : index
      %get3A_41 = arith.constant 0 : index
      %get3A_42 = vector.load %arg8[%get3A_40, %get3A_41] : memref<1000x128xf32, #tpu.memory_space<vmem>>, vector<1000x128xf32>
      %add3A_43 = arith.addf %max3A_39, %get3A_42 : vector<1000x128xf32>
      %swap3A = arith.constant 0 : index
      %swap3A_44 = arith.constant 0 : index
      %swap3A_45 = vector.load %arg10[%swap3A, %swap3A_44] : memref<1000x128xf32, #tpu.memory_space<vmem>>, vector<1000x128xf32>
      tpu.vector_store %arg10[%swap3A, %swap3A_44], %add3A_43 {strides = array<i32>} : memref<1000x128xf32, #tpu.memory_space<vmem>>, vector<1000x128xf32>,
      %get3A_46 = arith.constant 0 : index
      %get3A_47 = arith.constant 0 : index
      %get3A_48 = vector.load %arg9[%get3A_46, %get3A_47] : memref<128x128xf32, #tpu.memory_space<vmem>>, vector<128x128xf32>
      %dot_general3A = arith.constant dense<0.000000e+00> : vector<1000x128xf32>
      %dot_general3A_49 = tpu.matmul %add3A_43, %get3A_48, %dot_general3A {dimension_numbers = #tpu.dot_dimension_numbers<[1], [0], [0], [1], [0, 0, 1, 1], [], []>, transpose_lhs_hint = false} : vector<1000x128xf32>, vector<128x128xf32>, vector<1000x128xf32> -> vector<1000x128xf32>
      %get3A_50 = arith.constant 0 : index
      %get3A_51 = arith.constant 0 : index
      %get3A_52 = vector.load %arg5[%get3A_50, %get3A_51] : memref<1000x1xf32, #tpu.memory_space<vmem>>, vector<1000x1xf32>
      %mul3A_53 = vector.broadcast %get3A_52 : vector<1000x1xf32> to vector<1000x128xf32>
      %mul3A_54 = arith.mulf %dot_general3A_49, %mul3A_53 : vector<1000x128xf32>
      %swap3A_55 = arith.constant 0 : index
      %swap3A_56 = arith.constant 0 : index
      %swap3A_57 = vector.load %arg11[%swap3A_55, %swap3A_56] : memref<1000x128xf32, #tpu.memory_space<vmem>>, vector<1000x128xf32>
      tpu.vector_store %arg11[%swap3A_55, %swap3A_56], %mul3A_54 {strides = array<i32>} : memref<1000x128xf32, #tpu.memory_space<vmem>>, vector<1000x128xf32>,
    } else {
    }
    return
  }
  func.func @transform_0(%arg0: i32, %arg1: i32) -> (i32, i32) {
    %sub3A = arith.constant 1 : i32
    %sub3A_0 = arith.subi %sub3A, %arg0 : i32
    %mul3A = arith.muli %arg1, %sub3A_0 : i32
    %c0_i32 = arith.constant 0 : i32
    %c0_i32_1 = arith.constant 0 : i32
    return %mul3A, %c0_i32 : i32, i32
  }
  func.func @transform_1(%arg0: i32, %arg1: i32) -> (i32, i32) {
    %sub3A = arith.constant 1 : i32
    %sub3A_0 = arith.subi %sub3A, %arg0 : i32
    %mul3A = arith.muli %arg1, %sub3A_0 : i32
    %c0_i32 = arith.constant 0 : i32
    %c0_i32_1 = arith.constant 0 : i32
    return %mul3A, %c0_i32 : i32, i32
  }
  func.func @transform_2(%arg0: i32, %arg1: i32) -> (i32, i32) {
    %sub3A = arith.constant 1 : i32
    %sub3A_0 = arith.subi %sub3A, %arg0 : i32
    %mul3A = arith.muli %arg1, %sub3A_0 : i32
    %c0_i32 = arith.constant 0 : i32
    %c0_i32_1 = arith.constant 0 : i32
    return %mul3A, %c0_i32 : i32, i32
  }
  func.func @transform_3(%arg0: i32, %arg1: i32) -> (i32, i32) {
    %c0_i32 = arith.constant 0 : i32
    %c0_i32_0 = arith.constant 0 : i32
    return %arg1, %c0_i32 : i32, i32
  }
  func.func @transform_4(%arg0: i32, %arg1: i32) -> (i32, i32) {
    %c0_i32 = arith.constant 0 : i32
    %c0_i32_0 = arith.constant 0 : i32
    %c0_i32_1 = arith.constant 0 : i32
    return %c0_i32, %c0_i32_0 : i32, i32
  }
  func.func @transform_5(%arg0: i32, %arg1: i32) -> (i32, i32) {
    %c0_i32 = arith.constant 0 : i32
    %c0_i32_0 = arith.constant 0 : i32
    %c0_i32_1 = arith.constant 0 : i32
    return %c0_i32, %c0_i32_0 : i32, i32
  }
  func.func @transform_6(%arg0: i32, %arg1: i32) -> (i32, i32) {
    %mul3A = arith.muli %arg1, %arg0 : i32
    %c0_i32 = arith.constant 0 : i32
    %c0_i32_0 = arith.constant 0 : i32
    return %mul3A, %c0_i32 : i32, i32
  }
  func.func @transform_7(%arg0: i32, %arg1: i32) -> (i32, i32) {
    %c0_i32 = arith.constant 0 : i32
    %c0_i32_0 = arith.constant 0 : i32
    %c0_i32_1 = arith.constant 0 : i32
    return %c0_i32, %c0_i32_0 : i32, i32
  }
  func.func @transform_8(%arg0: i32, %arg1: i32) -> (i32, i32) {
    %mul3A = arith.muli %arg1, %arg0 : i32
    %c0_i32 = arith.constant 0 : i32
    %c0_i32_0 = arith.constant 0 : i32
    return %mul3A, %c0_i32 : i32, i32
  }
  func.func @transform_9(%arg0: i32, %arg1: i32) -> (i32, i32) {
    %mul3A = arith.muli %arg1, %arg0 : i32
    %c0_i32 = arith.constant 0 : i32
    %c0_i32_0 = arith.constant 0 : i32
    return %mul3A, %c0_i32 : i32, i32
  }
}

module attributes {stable_mosaic.version = 14 : i64} {
  func.func @_stage_fin_body(%arg0: i32, %arg1: i32, %arg2: memref<1000x128xf32, #tpu.memory_space<vmem>>, %arg3: memref<1000x128xf32, #tpu.memory_space<vmem>>, %arg4: memref<1000x128xf32, #tpu.memory_space<vmem>>, %arg5: memref<1000x1xf32, #tpu.memory_space<vmem>>, %arg6: memref<1x128xf32, #tpu.memory_space<vmem>>, %arg7: memref<1x128xf32, #tpu.memory_space<vmem>>, %arg8: memref<1000x128xf32, #tpu.memory_space<vmem>>, %arg9: memref<128x128xf32, #tpu.memory_space<vmem>>, %arg10: memref<1x128xf32, #tpu.memory_space<vmem>>, %arg11: memref<1000x128xf32, #tpu.memory_space<vmem>>, %arg12: memref<10000x128xf32, #tpu.memory_space<vmem>>, %arg13: memref<8x128xf32, #tpu.memory_space<vmem>>) attributes {dimension_semantics = [#tpu.dimension_semantics<arbitrary>, #tpu.dimension_semantics<arbitrary>], iteration_bounds = array<i64: 2, 10>, scalar_prefetch = 0 : i64, scratch_operands = 2 : i64, tpu.core_type = #tpu.core_type<tc>, window_params = [{transform_indices = @transform_0, window_bounds = array<i64: 1000, 128>}, {transform_indices = @transform_1, window_bounds = array<i64: 1000, 128>}, {transform_indices = @transform_2, window_bounds = array<i64: 1000, 128>}, {transform_indices = @transform_3, window_bounds = array<i64: 1000, 1>}, {pipeline_mode = #tpu.pipeline_mode<synchronous>, transform_indices = @transform_4, window_bounds = array<i64: 1, 128>}, {pipeline_mode = #tpu.pipeline_mode<synchronous>, transform_indices = @transform_5, window_bounds = array<i64: 1, 128>}, {transform_indices = @transform_6, window_bounds = array<i64: 1000, 128>}, {pipeline_mode = #tpu.pipeline_mode<synchronous>, transform_indices = @transform_7, window_bounds = array<i64: 128, 128>}, {pipeline_mode = #tpu.pipeline_mode<synchronous>, transform_indices = @transform_8, window_bounds = array<i64: 1, 128>}, {transform_indices = @transform_9, window_bounds = array<i64: 1000, 128>}]} {
    %eq3A = arith.constant 0 : i32
    %eq3A_0 = arith.cmpi eq, %arg0, %eq3A : i32
    %convert_element_type3A = arith.extui %eq3A_0 : i1 to i32
    %cond3A = arith.constant 0 : i32
    %cond3A_1 = arith.cmpi ne, %convert_element_type3A, %cond3A : i32
    scf.if %cond3A_1 {
      %eq3A_7 = arith.constant 0 : i32
      %eq3A_8 = arith.cmpi eq, %arg1, %eq3A_7 : i32
      %convert_element_type3A_9 = arith.extui %eq3A_8 : i1 to i32
      %cond3A_10 = arith.constant 0 : i32
      %cond3A_11 = arith.cmpi ne, %convert_element_type3A_9, %cond3A_10 : i32
      scf.if %cond3A_11 {
        %broadcast_in_dim3A_47 = arith.constant 0.000000e+00 : f32
        %broadcast_in_dim3A_48 = vector.broadcast %broadcast_in_dim3A_47 : f32 to vector<8x128xf32>
        %swap3A_49 = arith.constant 0 : index
        %swap3A_50 = arith.constant 0 : index
        %swap3A_51 = vector.load %arg13[%swap3A_49, %swap3A_50] : memref<8x128xf32, #tpu.memory_space<vmem>>, vector<8x128xf32>
        tpu.vector_store %arg13[%swap3A_49, %swap3A_50], %broadcast_in_dim3A_48 {strides = array<i32>} : memref<8x128xf32, #tpu.memory_space<vmem>>, vector<8x128xf32>,
      } else {
      }
      %get3A = arith.constant 0 : index
      %get3A_12 = arith.constant 0 : index
      %get3A_13 = vector.load %arg2[%get3A, %get3A_12] : memref<1000x128xf32, #tpu.memory_space<vmem>>, vector<1000x128xf32>
      %get3A_14 = arith.constant 0 : index
      %get3A_15 = arith.constant 0 : index
      %get3A_16 = vector.load %arg3[%get3A_14, %get3A_15] : memref<1000x128xf32, #tpu.memory_space<vmem>>, vector<1000x128xf32>
      %add3A = arith.addf %get3A_13, %get3A_16 : vector<1000x128xf32>
      %get3A_17 = arith.constant 0 : index
      %get3A_18 = arith.constant 0 : index
      %get3A_19 = vector.load %arg4[%get3A_17, %get3A_18] : memref<1000x128xf32, #tpu.memory_space<vmem>>, vector<1000x128xf32>
      %sub3A = arith.subf %add3A, %get3A_19 : vector<1000x128xf32>
      %get3A_20 = arith.constant 0 : index
      %get3A_21 = arith.constant 0 : index
      %get3A_22 = vector.load %arg5[%get3A_20, %get3A_21] : memref<1000x1xf32, #tpu.memory_space<vmem>>, vector<1000x1xf32>
      %mul3A = vector.broadcast %get3A_22 : vector<1000x1xf32> to vector<1000x128xf32>
      %mul3A_23 = arith.mulf %sub3A, %mul3A : vector<1000x128xf32>
      %mul3A_24 = arith.constant 1000 : i32
      %mul3A_25 = arith.muli %arg1, %mul3A_24 : i32
      %swap3A = arith.index_cast %mul3A_25 : i32 to index
      %swap3A_26 = arith.constant 0 : index
      %swap3A_27 = vector.load %arg12[%swap3A, %swap3A_26] : memref<10000x128xf32, #tpu.memory_space<vmem>>, vector<1000x128xf32>
      tpu.vector_store %arg12[%swap3A, %swap3A_26], %mul3A_23 {strides = array<i32>} : memref<10000x128xf32, #tpu.memory_space<vmem>>, vector<1000x128xf32>,
      %get3A_28 = arith.constant 0 : index
      %get3A_29 = arith.constant 0 : index
      %get3A_30 = vector.load %arg13[%get3A_28, %get3A_29] : memref<8x128xf32, #tpu.memory_space<vmem>>, vector<1x128xf32>
      %reduce_sum3A = arith.constant dense<0.000000e+00> : vector<128xf32>
      %reduce_sum3A_31 = vector.multi_reduction <add>, %mul3A_23, %reduce_sum3A [0] : vector<1000x128xf32> to vector<128xf32>
      %broadcast_in_dim3A = vector.shape_cast %reduce_sum3A_31 : vector<128xf32> to vector<1x128xf32>
      %add3A_32 = arith.addf %get3A_30, %broadcast_in_dim3A : vector<1x128xf32>
      %swap3A_33 = arith.constant 0 : index
      %swap3A_34 = arith.constant 0 : index
      %swap3A_35 = vector.load %arg13[%swap3A_33, %swap3A_34] : memref<8x128xf32, #tpu.memory_space<vmem>>, vector<1x128xf32>
      tpu.vector_store %arg13[%swap3A_33, %swap3A_34], %add3A_32 {strides = array<i32>} : memref<8x128xf32, #tpu.memory_space<vmem>>, vector<1x128xf32>,
      %get3A_36 = arith.constant 1 : index
      %get3A_37 = arith.constant 0 : index
      %get3A_38 = vector.load %arg13[%get3A_36, %get3A_37] : memref<8x128xf32, #tpu.memory_space<vmem>>, vector<1x128xf32>
      %mul3A_39 = arith.mulf %mul3A_23, %mul3A_23 : vector<1000x128xf32>
      %reduce_sum3A_40 = arith.constant dense<0.000000e+00> : vector<128xf32>
      %reduce_sum3A_41 = vector.multi_reduction <add>, %mul3A_39, %reduce_sum3A_40 [0] : vector<1000x128xf32> to vector<128xf32>
      %broadcast_in_dim3A_42 = vector.shape_cast %reduce_sum3A_41 : vector<128xf32> to vector<1x128xf32>
      %add3A_43 = arith.addf %get3A_38, %broadcast_in_dim3A_42 : vector<1x128xf32>
      %swap3A_44 = arith.constant 1 : index
      %swap3A_45 = arith.constant 0 : index
      %swap3A_46 = vector.load %arg13[%swap3A_44, %swap3A_45] : memref<8x128xf32, #tpu.memory_space<vmem>>, vector<1x128xf32>
      tpu.vector_store %arg13[%swap3A_44, %swap3A_45], %add3A_43 {strides = array<i32>} : memref<8x128xf32, #tpu.memory_space<vmem>>, vector<1x128xf32>,
    } else {
    }
    %eq3A_2 = arith.constant 1 : i32
    %eq3A_3 = arith.cmpi eq, %arg0, %eq3A_2 : i32
    %convert_element_type3A_4 = arith.extui %eq3A_3 : i1 to i32
    %cond3A_5 = arith.constant 0 : i32
    %cond3A_6 = arith.cmpi ne, %convert_element_type3A_4, %cond3A_5 : i32
    scf.if %cond3A_6 {
      %mul3A = arith.constant 1000 : i32
      %mul3A_7 = arith.muli %arg1, %mul3A : i32
      %get3A = arith.index_cast %mul3A_7 : i32 to index
      %get3A_8 = arith.constant 0 : index
      %get3A_9 = vector.load %arg12[%get3A, %get3A_8] : memref<10000x128xf32, #tpu.memory_space<vmem>>, vector<1000x128xf32>
      %get3A_10 = arith.constant 0 : index
      %get3A_11 = arith.constant 0 : index
      %get3A_12 = vector.load %arg13[%get3A_10, %get3A_11] : memref<8x128xf32, #tpu.memory_space<vmem>>, vector<1x128xf32>
      %mul3A_13 = arith.constant 9.99999974E-5 : f32
      %mul3A_14 = vector.broadcast %mul3A_13 : f32 to vector<1x128xf32>
      %mul3A_15 = arith.mulf %get3A_12, %mul3A_14 : vector<1x128xf32>
      %get3A_16 = arith.constant 1 : index
      %get3A_17 = arith.constant 0 : index
      %get3A_18 = vector.load %arg13[%get3A_16, %get3A_17] : memref<8x128xf32, #tpu.memory_space<vmem>>, vector<1x128xf32>
      %mul3A_19 = arith.constant 9.99999974E-5 : f32
      %mul3A_20 = vector.broadcast %mul3A_19 : f32 to vector<1x128xf32>
      %mul3A_21 = arith.mulf %get3A_18, %mul3A_20 : vector<1x128xf32>
      %mul3A_22 = arith.mulf %mul3A_15, %mul3A_15 : vector<1x128xf32>
      %sub3A = arith.subf %mul3A_21, %mul3A_22 : vector<1x128xf32>
      %add3A = arith.constant 9.99999974E-6 : f32
      %add3A_23 = vector.broadcast %add3A : f32 to vector<1x128xf32>
      %add3A_24 = arith.addf %sub3A, %add3A_23 : vector<1x128xf32>
      %rsqrt3A = math.rsqrt %add3A_24 : vector<1x128xf32>
      %sub3A_25 = vector.broadcast %mul3A_15 : vector<1x128xf32> to vector<1000x128xf32>
      %sub3A_26 = arith.subf %get3A_9, %sub3A_25 : vector<1000x128xf32>
      %get3A_27 = arith.constant 0 : index
      %get3A_28 = arith.constant 0 : index
      %get3A_29 = vector.load %arg6[%get3A_27, %get3A_28] : memref<1x128xf32, #tpu.memory_space<vmem>>, vector<1x128xf32>
      %mul3A_30 = arith.mulf %rsqrt3A, %get3A_29 : vector<1x128xf32>
      %mul3A_31 = vector.broadcast %mul3A_30 : vector<1x128xf32> to vector<1000x128xf32>
      %mul3A_32 = arith.mulf %sub3A_26, %mul3A_31 : vector<1000x128xf32>
      %get3A_33 = arith.constant 0 : index
      %get3A_34 = arith.constant 0 : index
      %get3A_35 = vector.load %arg7[%get3A_33, %get3A_34] : memref<1x128xf32, #tpu.memory_space<vmem>>, vector<1x128xf32>
      %add3A_36 = vector.broadcast %get3A_35 : vector<1x128xf32> to vector<1000x128xf32>
      %add3A_37 = arith.addf %mul3A_32, %add3A_36 : vector<1000x128xf32>
      %max3A = arith.constant 0.000000e+00 : f32
      %max3A_38 = vector.broadcast %max3A : f32 to vector<1000x128xf32>
      %max3A_39 = arith.maximumf %add3A_37, %max3A_38 : vector<1000x128xf32>
      %get3A_40 = arith.constant 0 : index
      %get3A_41 = arith.constant 0 : index
      %get3A_42 = vector.load %arg8[%get3A_40, %get3A_41] : memref<1000x128xf32, #tpu.memory_space<vmem>>, vector<1000x128xf32>
      %add3A_43 = arith.addf %max3A_39, %get3A_42 : vector<1000x128xf32>
      %get3A_44 = arith.constant 0 : index
      %get3A_45 = arith.constant 0 : index
      %get3A_46 = vector.load %arg9[%get3A_44, %get3A_45] : memref<128x128xf32, #tpu.memory_space<vmem>>, vector<128x128xf32>
      %dot_general3A = arith.constant dense<0.000000e+00> : vector<1000x128xf32>
      %dot_general3A_47 = tpu.matmul %add3A_43, %get3A_46, %dot_general3A {dimension_numbers = #tpu.dot_dimension_numbers<[1], [0], [0], [1], [0, 0, 1, 1], [], []>, transpose_lhs_hint = false} : vector<1000x128xf32>, vector<128x128xf32>, vector<1000x128xf32> -> vector<1000x128xf32>
      %get3A_48 = arith.constant 0 : index
      %get3A_49 = arith.constant 0 : index
      %get3A_50 = vector.load %arg10[%get3A_48, %get3A_49] : memref<1x128xf32, #tpu.memory_space<vmem>>, vector<1x128xf32>
      %add3A_51 = vector.broadcast %get3A_50 : vector<1x128xf32> to vector<1000x128xf32>
      %add3A_52 = arith.addf %dot_general3A_47, %add3A_51 : vector<1000x128xf32>
      %swap3A = arith.constant 0 : index
      %swap3A_53 = arith.constant 0 : index
      %swap3A_54 = vector.load %arg11[%swap3A, %swap3A_53] : memref<1000x128xf32, #tpu.memory_space<vmem>>, vector<1000x128xf32>
      tpu.vector_store %arg11[%swap3A, %swap3A_53], %add3A_52 {strides = array<i32>} : memref<1000x128xf32, #tpu.memory_space<vmem>>, vector<1000x128xf32>,
    } else {
    }
    return
  }
  func.func @transform_0(%arg0: i32, %arg1: i32) -> (i32, i32) {
    %sub3A = arith.constant 1 : i32
    %sub3A_0 = arith.subi %sub3A, %arg0 : i32
    %mul3A = arith.muli %arg1, %sub3A_0 : i32
    %c0_i32 = arith.constant 0 : i32
    %c0_i32_1 = arith.constant 0 : i32
    return %mul3A, %c0_i32 : i32, i32
  }
  func.func @transform_1(%arg0: i32, %arg1: i32) -> (i32, i32) {
    %sub3A = arith.constant 1 : i32
    %sub3A_0 = arith.subi %sub3A, %arg0 : i32
    %mul3A = arith.muli %arg1, %sub3A_0 : i32
    %c0_i32 = arith.constant 0 : i32
    %c0_i32_1 = arith.constant 0 : i32
    return %mul3A, %c0_i32 : i32, i32
  }
  func.func @transform_2(%arg0: i32, %arg1: i32) -> (i32, i32) {
    %sub3A = arith.constant 1 : i32
    %sub3A_0 = arith.subi %sub3A, %arg0 : i32
    %mul3A = arith.muli %arg1, %sub3A_0 : i32
    %c0_i32 = arith.constant 0 : i32
    %c0_i32_1 = arith.constant 0 : i32
    return %mul3A, %c0_i32 : i32, i32
  }
  func.func @transform_3(%arg0: i32, %arg1: i32) -> (i32, i32) {
    %c0_i32 = arith.constant 0 : i32
    %c0_i32_0 = arith.constant 0 : i32
    return %arg1, %c0_i32 : i32, i32
  }
  func.func @transform_4(%arg0: i32, %arg1: i32) -> (i32, i32) {
    %c0_i32 = arith.constant 0 : i32
    %c0_i32_0 = arith.constant 0 : i32
    %c0_i32_1 = arith.constant 0 : i32
    return %c0_i32, %c0_i32_0 : i32, i32
  }
  func.func @transform_5(%arg0: i32, %arg1: i32) -> (i32, i32) {
    %c0_i32 = arith.constant 0 : i32
    %c0_i32_0 = arith.constant 0 : i32
    %c0_i32_1 = arith.constant 0 : i32
    return %c0_i32, %c0_i32_0 : i32, i32
  }
  func.func @transform_6(%arg0: i32, %arg1: i32) -> (i32, i32) {
    %mul3A = arith.muli %arg1, %arg0 : i32
    %c0_i32 = arith.constant 0 : i32
    %c0_i32_0 = arith.constant 0 : i32
    return %mul3A, %c0_i32 : i32, i32
  }
  func.func @transform_7(%arg0: i32, %arg1: i32) -> (i32, i32) {
    %c0_i32 = arith.constant 0 : i32
    %c0_i32_0 = arith.constant 0 : i32
    %c0_i32_1 = arith.constant 0 : i32
    return %c0_i32, %c0_i32_0 : i32, i32
  }
  func.func @transform_8(%arg0: i32, %arg1: i32) -> (i32, i32) {
    %c0_i32 = arith.constant 0 : i32
    %c0_i32_0 = arith.constant 0 : i32
    %c0_i32_1 = arith.constant 0 : i32
    return %c0_i32, %c0_i32_0 : i32, i32
  }
  func.func @transform_9(%arg0: i32, %arg1: i32) -> (i32, i32) {
    %mul3A = arith.muli %arg1, %arg0 : i32
    %c0_i32 = arith.constant 0 : i32
    %c0_i32_0 = arith.constant 0 : i32
    return %mul3A, %c0_i32 : i32, i32
  }
}

</mosaic_0001>

<sc_bundles>
// kernel: kernel.11.cloned.1.call-start
scs
__scs_entry_jumppad:
0x0: {  	(pc) =	sbr.rel $0x88, $3  }
0x1: {  	(tag) =	ssettag $0x0;
	lr =	simm.s32 $0x1  }
0x2: {  	[smem:$0x3F9A] =	sst lr;
	_ =	strace $0xD0000000  }
0x3: {  	_ = 	snop  }
0x4: {  	_ = 	snop  }
0x5: {  	_ = 	snop  }
0x6: {  	_ = 	snop  }
0x7: {  	_ = 	snop  }
__scs_overlays_trampoline_lowered:
0x8: {  	[smem:$0x3FA9] =	sst s0  }
0x9: {  	[smem:$0x3FAA] =	sst s1  }
0xa: {  	[smem:$0x3FAB] =	sst s2  }
0xb: {  	[smem:$0x3FAC] =	sst s3  }
0xc: {  	[smem:$0x3FAD] =	sst s4  }
0xd: {  	[smem:$0x3FAE] =	sst s5  }
0xe: {  	[smem:$0x3FAF] =	sst s6  }
0xf: {  	[smem:$0x3FB0] =	sst s7  }
0x10: {  	[smem:$0x3FB1] =	sst s8  }
0x11: {  	[smem:$0x3FB2] =	sst s9;
	s0 =	simm.s32 @!p0 $0x0  }
0x12: {  	s1 =	sld [smem:$0x3F98];
	s0 =	simm.s32 @p0 $0x1  }
0x13: {  	[smem:$0x3FB3] =	sst s0;
	s0 =	simm.s32 @!p1 $0x0  }
0x14: {  	s2 =	sld [smem:$0x3F97];
	s0 =	simm.s32 @p1 $0x1  }
0x15: {  	[smem:$0x3FB4] =	sst s0;
	s0 =	simm.s32 @!p2 $0x0  }
0x16: {  	s3 =	sld [smem:$0x3FDB];
	s0 =	simm.s32 @p2 $0x1  }
0x17: {  	s4 =	simm.s32 $0x1BF5;
	[smem:$0x3FB6] =	sst s0  }
0x18: {  	s0 =	sld [smem:$0x3F99];
	_ =	swait.ge [sflag:s4], $0x0  }
0x19: {  	s7 =	sld [smem:$0x3F9A]  }
0x1a: {  	s8 =	sadd.s32 $0xFFFFE003, lr  }
0x1b: {  	s9 =	sadd.s32 $0xFFFFFEF7, lr;
	s5 =	simm.s32 $0xFFFFFFFF;
	p2 =	slt.u32 s8, $0xFFFFF086  }
0x1c: {  	p1 =	slt.u32 s9, $0xF7A;
	s5 =	simm.s32 @!p2 $0x0  }
0x1d: {  	s5 =	simm.s32 @p1 $0x1;
	p0 =	seq.s32 s7, s2  }
0x1e: {  	s7 =	smul.u32 @!p0 $0xF7A, s2;
	p2 =	seq.s32 @!p0 s5, $0x0  }
0x1f: {  	s9 =	smul.u32 $0xF7A, s1;
	s8 =	simm.s32 @!p0 $0x1BF5;
	p2 =	por !p2, p0  }
0x20: {  	[sflag:s8] =	ssyncset.s32 @!p0 $0xFFFFF086;
	s6 =	sadd.s32 @!p0 s3, s7;
	s7 =	simm.s32 @!p0 $0x108  }
0x21: {  	s3 =	sadd.s32 s3, s9;
	s6 =	sadd.s32 @!p0 $0x88, s6;
	s7 =	simm.s32 @p2 $0x1082  }
0x22: {  	[simem:s7], [sflag:s8] =	dma.local @!p0 [hbm:s6], $0xF7A  }
0x23: {  	s9 =	sor.u32 $0xD0000000, s2;
	s6 =	simm.s32 $0x108;
	_ =	swait.ge @!p0 [sflag:s8], $0x0  }
0x24: {  	s3 =	sadd.s32 $0x88, s3;
	s6 =	simm.s32 @!p1 $0x1082;
	[sflag:s4] =	ssyncset.s32 $0xFFFFF086  }
0x25: {  	[simem:s6], [sflag:s4] =	dma.local [hbm:s3], $0xF7A  }
0x26: {  	[smem:$0x3F9A] =	sst s1;
	(tag) =	ssettag s2;
	_ =	strace s9  }
0x27: {  	s1 =	sld [smem:$0x3FAA]  }
0x28: {  	s2 =	sld [smem:$0x3FAB]  }
0x29: {  	s4 =	sld [smem:$0x3FAD]  }
0x2a: {  	p0 =	seq.s32 s5, $0x0;
	s5 =	sld [smem:$0x3FAE]  }
0x2b: {  	s6 =	sld [smem:$0x3FAF]  }
0x2c: {  	s7 =	sld [smem:$0x3FB0]  }
0x2d: {  	s3 =	simm.s32 $0x108;
	s8 =	sld [smem:$0x3FB1]  }
0x2e: {  	s3 =	simm.s32 @!p0 $0x1082;
	s9 =	sld [smem:$0x3FB2]  }
0x2f: {  	lr =	sadd.s32 s0, s3;
	s0 =	sld [smem:$0x3FA9]  }
0x30: {  	s3 =	sld [smem:$0x3FAC]  }
0x31: {  	[smem:$0x3FB5] =	sst s10  }
0x32: {  	s10 =	sld [smem:$0x3FB3];
	_ =	sdelay $0x3  }
0x33: {  	p0 =	seq.s32 s10, $0x1;
	s10 =	sld [smem:$0x3FB5];
	_ =	sdelay $0x3  }
0x34: {  	[smem:$0x3FB5] =	sst s10  }
0x35: {  	s10 =	sld [smem:$0x3FB4];
	_ =	sdelay $0x3  }
0x36: {  	p1 =	seq.s32 s10, $0x1;
	s10 =	sld [smem:$0x3FB5];
	_ =	sdelay $0x3  }
0x37: {  	[smem:$0x3FB5] =	sst s10  }
0x38: {  	s10 =	sld [smem:$0x3FB6]  }
0x39: {  	_ = 	snop;
	(pc) =	sbr.ind lr, $3  }
0x3a: {  	_ = 	snop  }
0x3b: {  	_ = 	snop  }
0x3c: {  	p2 =	seq.s32 s10, $0x1;
	s10 =	sld [smem:$0x3FB5]  }
0x3d: {  	_ =	shalt  }
0x3e: {  	_ =	shalt  }
0x3f: {  	_ =	shalt  }
0x40: {  	_ =	shalt  }
0x41: {  	_ =	shalt  }
0x42: {  	_ =	shalt  }
0x43: {  	_ =	shalt  }
0x44: {  	_ =	shalt  }
0x45: {  	_ =	shalt  }
0x46: {  	_ =	shalt  }
0x47: {  	_ =	shalt  }
0x48: {  	_ =	shalt  }
0x49: {  	_ =	shalt  }
0x4a: {  	_ =	shalt  }
0x4b: {  	_ =	shalt  }
0x4c: {  	_ =	shalt  }
0x4d: {  	_ =	shalt  }
0x4e: {  	_ =	shalt  }
0x4f: {  	_ =	shalt  }
0x50: {  	_ =	shalt  }
0x51: {  	_ =	shalt  }
0x52: {  	_ =	shalt  }
0x53: {  	_ =	shalt  }
0x54: {  	_ =	shalt  }
0x55: {  	_ =	shalt  }
0x56: {  	_ =	shalt  }
0x57: {  	_ =	shalt  }
0x58: {  	_ =	shalt  }
0x59: {  	_ =	shalt  }
0x5a: {  	_ =	shalt  }
0x5b: {  	_ =	shalt  }
0x5c: {  	_ =	shalt  }
0x5d: {  	_ =	shalt  }
0x5e: {  	_ =	shalt  }
0x5f: {  	_ =	shalt  }
0x60: {  	_ =	shalt  }
0x61: {  	_ =	shalt  }
0x62: {  	_ =	shalt  }
0x63: {  	_ =	shalt  }
0x64: {  	_ =	shalt  }
0x65: {  	_ =	shalt  }
0x66: {  	_ =	shalt  }
0x67: {  	_ =	shalt  }
0x68: {  	_ =	shalt  }
0x69: {  	_ =	shalt  }
0x6a: {  	_ =	shalt  }
0x6b: {  	_ =	shalt  }
0x6c: {  	_ =	shalt  }
0x6d: {  	_ =	shalt  }
0x6e: {  	_ =	shalt  }
0x6f: {  	_ =	shalt  }
0x70: {  	_ =	shalt  }
0x71: {  	_ =	shalt  }
0x72: {  	_ =	shalt  }
0x73: {  	_ =	shalt  }
0x74: {  	_ =	shalt  }
0x75: {  	_ =	shalt  }
0x76: {  	_ =	shalt  }
0x77: {  	_ =	shalt  }
0x78: {  	_ =	shalt  }
0x79: {  	_ =	shalt  }
0x7a: {  	_ =	shalt  }
0x7b: {  	_ =	shalt  }
0x7c: {  	_ =	shalt  }
0x7d: {  	_ =	shalt  }
0x7e: {  	_ =	shalt  }
0x7f: {  	_ =	shalt  }
0x80: {  	_ =	shalt  }
0x81: {  	_ =	shalt  }
0x82: {  	_ =	shalt  }
0x83: {  	_ =	shalt  }
0x84: {  	_ =	shalt  }
0x85: {  	_ =	shalt  }
0x86: {  	_ =	shalt  }
0x87: {  	_ =	shalt  }
.Lfunc_end0:
.L_simem_size_0:
called_computation_lowered:
.L_overlay_start_0:
0x88: {  	s2 =	sld [smem:$0x3FD9]  }
0x89: {  	s3 =	sld [smem:$0x3FFE];
	_ =	sdelay $0x1  }
0x8a: {  	s1 =	srdreg.scid  }
0x8b: {  	s0 =	sand.u32 $0x1, s1  }
0x8c: {  	s17 =	sshll.u32 s0, $0xA;
	s2 =	sadd.s32 s3, s2  }
0x8d: {  	s2 =	sadd.s32 s2, s17  }
0x8e: {  	[smem:$0x3FC1] =	sst s2  }
0x8f: {  	_ = 	snop  }
0x90: {  	s2 =	sld [smem:$0x3FD0];
	(tm) =	ssettm $0x1  }
0x91: {  	s18 =	sld [smem:$0x3FFB];
	_ =	sdelay $0x3  }
0x92: {  	_ =	strace s18  }
0x93: {  	s3 =	sld [smem:$0x3FFC];
	_ =	sdelay $0x3  }
0x94: {  	_ =	strace s3  }
0x95: {  	s3 =	sld [smem:$0x3FFD];
	_ =	sdelay $0x3  }
0x96: {  	_ =	strace s3  }
0x97: {  	_ =	strace $0x8FFFFFFF  }
0x98: {  	s19 =	sld [smem:$0x3FDB];
	_ =	sdelay $0x1  }
0x99: {  	s4 =	simm.s32 $_scs_section_size  }
0x9a: {  	s5 =	simm.s32 $_size__tile_overlayer_lowered;
	s6 =	simm.s32 $_tile_overlayer_lowered  }
0x9b: {  	s22 =	simm.s32 $0x1BFF;
	s21 =	sshll.u32 s6, $0x1;
	s3 =	sadd.s32 s4, s19  }
0x9c: {  	s7 =	simm.s32 $0x0;
	s20 =	sshll.u32 s5, $0x1;
	s5 =	sadd.s32 s21, s3  }
0x9d: {  	[timem:s7], [sflag:s22] =	dma.local [hbm:s5], s20  }
0x9e: {  	_ =	swait.ge [sflag:s22], s20  }
0x9f: {  	s4 =	ssub.s32 $0x0, s20;
	[sflag:s22] =	ssyncset.done $0x0  }
0xa0: {  	[sflag:s22] =	ssyncadd.s32 s4;
	_ =	sdelay $0x1  }
0xa1: {  	s23 =	simm.s32 $0x1B8B  }
0xa2: {  	_ =	swait.ge [sflag:s23], $0x1  }
0xa3: {  	[sflag:s23] =	ssyncset.done $0x0  }
0xa4: {  	s25 =	simm.s32 $0x1B8E;
	s24 =	sld [smem:$0x3FFE];
	[sflag:s23] =	ssyncadd.s32 $0xFFFFFFFF  }
0xa5: {  	s26 =	simm.s32 $execute0_lowered;
	[smem:$0x3FD2] =	sst s25  }
0xa6: {  	s5 =	sshll.u32 s26, $0x1;
	_ =	strace $0x80000046;
	[dreg:$0x1] =	wrdreg $0xFFFFFFFF  }
0xa7: {  	s28 =	simm.s32 $_size_execute0_lowered;
	s3 =	sadd.s32 s3, s5;
	[dreg:$0x0] =	wrdreg $0x0  }
0xa8: {  	s5 =	sshll.u32 s28, $0x1;
	[dreg:$0x2] =	wrdreg s3  }
0xa9: {  	[dreg:$0x3] =	wrdreg s5  }
0xaa: {  	[dreg:$0x4] =	wrdreg $0xC0  }
0xab: {  	_ =	task [dreg:s7], $0x5FFFF  }
0xac: {  	[dreg:$0x1] =	wrdreg $0xFFFFFFFF  }
0xad: {  	[dreg:$0x0] =	wrdreg $0x60  }
0xae: {  	[dreg:$0x2] =	wrdreg s2  }
0xaf: {  	[dreg:$0x3] =	wrdreg s24  }
0xb0: {  	[dreg:$0x4] =	wrdreg $0xA9000  }
0xb1: {  	[dreg:$0x5] =	wrdreg $0x9  }
0xb2: {  	_ =	task.clear_ibuf [dreg:s7], $0x6FFFF;
	_ =	strace $0x90000046  }
0xb3: {  	s29 =	simm.s32 $0x9;
	_ =	strace $0x80000048  }
0xb4: {  	_ =	swait.ge [sflag:s29], $0x1  }
0xb5: {  	[sflag:s29] =	ssyncadd.s32 $0xFFFFFFFF  }
0xb6: {  	_ =	strace $0x90000048  }
0xb7: {  	_ =	sfence  }
0xb8: {  	s30 =	sld [smem:$0x0];
	_ =	sdelay $0x2  }
0xb9: {  	s31 =	sshll.u32 s1, $0xD;
	s1 =	sshrl.u32 s1, $0x2  }
0xba: {  	s3 =	sand.u32 $0x4000, s31;
	s1 =	sadd.s32 s1, s30  }
0xbb: {  	s0 =	sor.u32 s3, s0;
	s1 =	sshll.u32 s1, $0x11  }
0xbc: {  	s0 =	sor.u32 s1, s0  }
0xbd: {  	s0 =	sadd.s32 $0x8F2B, s0  }
0xbe: {  	[sflag:s0] =	ssyncadd.remote.s32 $0x1  }
0xbf: {  	_ =	sfence.sel $0xFFFF  }
0xc0: {  	[dreg:$0x0] =	wrdreg $0xFFFFFFFF;
	(pc) =	sbr.abs _section_cstart, $3  }
0xc1: {  	[dreg:$0x1] =	wrdreg $0xFFFFFFFF  }
0xc2: {  	_ =	task.clear_ibuf [dreg:s7], $0x2FFFF;
	_ =	strace $0x9FFFFFFF  }
0xc3: {  	(tm) =	ssettm $0x7FFFFFFF  }
tec
execute0_lowered:
.L_overlay_start_1:
0x0: {  	(tag) =	ssettag $0x1  }
0x1: {  	s1 =	rddreg [dreg:$0x0]  }
0x2: {  	s0 =	srdreg.scid;
	s7 =	rddreg [dreg:$0x1]  }
0x3: {  	s16 =	stileid.u32;
	s3 =	rddreg [dreg:$0x2];
	s4 =	simm.s32 $0x0  }
0x4: {  	s19 =	simm.s32 $0x5;
	s20 =	simm.s32 $0x80;
	s5 =	smul.u32 $0x50, s16  }
0x5: {  	s21 =	simm.s32 $0x2900;
	s28 =	simm.s32 $0x2;
	s8 =	smul.u32 $0x4E000, s16  }
0x6: {  	s29 =	simm.s32 $0x4;
	s31 =	simm.s32 $0x0;
	s11 =	smul.u32 $0x2700, s16  }
0x7: {  	s0 =	sand.u32 $0x1, s0;
	[smem:$0x7FF] =	sst s4;
	s13 =	smul.u32 $0x13800, s16  }
0x8: {  	s6 =	sadd.s32 $0xE400, s7;
	s23 =	sadd.s32 $0x24900, s1;
	s14 =	smul.u32 $0x500, s16  }
0x9: {  	p0 =	seq.s32 s16, $0xF;
	s2 =	smul.u32 $0x500, s0;
	_ =	strace $0x80000047  }
0xa: {  	s9 =	ssub.s32 $0x2, s0;
	s12 =	smul.u32 $0x138800, s0;
	[dreg:$0x5] =	wrdreg s23  }
0xb: {  	s0 =	smul.u32 $0x5000, s0;
	s23 =	simm.s32 $0x6900;
	s10 =	sshrl.u32 s9, $0x1  }
0xc: {  	s8 =	sshrl.u32 s8, $0x2;
	s22 =	sadd.s32 s1, s11;
	s11 =	sadd.s32 $0x124800, s3  }
0xd: {  	s2 =	sadd.s32 s5, s2;
	s9 =	ssub.s32 s9, s10;
	s8 =	sadd.s32 s8, s3  }
0xe: {  	[dreg:$0x4] =	wrdreg s22;
	s25 =	sadd.s32 s13, s12;
	s12 =	sshrl.u32 s12, $0x3  }
0xf: {  	s0 =	sadd.s32 s0, s6;
	s22 =	simm.s32 $0x2800;
	s5 =	sshll.u32 s2, $0x4  }
0x10: {  	s30 =	smax.u32 s9, $0x1;
	s0 =	sadd.s32 s14, s0;
	s18 =	sshrl.u32 @!p0 s8, $0x3  }
0x11: {  	s2 =	sadd.s32 s5, s7;
	s7 =	sadd.s32 $0x22400, s7;
	s24 =	sadd.s32 s6, s5  }
0x12: {  	[dreg:$0x9] =	wrdreg s30;
	s15 =	sadd.s32 $0x20, s0;
	s0 =	sshll.u32 @!p0 s16, $0x6  }
0x13: {  	s16 =	sshrl.u32 @p0 s11, $0x3;
	s2 =	sadd.s32 $0x4400, s2;
	s12 =	sadd.s32 s7, s12  }
0x14: {  	s13 =	smov.u32 s24;
	s14 =	sadd.s32 $0x4F0, s24;
	s17 =	sor.u32 @!p0 $0x1C05, s0  }
0x15: {  	[dreg:$0x6] =	wrdreg s2;
	s2 =	sshrl.u32 s25, $0x3;
	s26 =	sadd.s32 $0x24900, s12  }
0x16: {  	s24 =	simm.s32 $0x2880;
	s2 =	sadd.s32 s7, s2;
	[dreg:$0x8] =	wrdreg s26  }
0x17: {  	s25 =	simm.s32 $0x1;
	s26 =	simm.s32 $0x3;
	[dreg:$0x7] =	wrdreg s2  }
.LBB2_1:
0x18: {  	s0 =	simm.s32 @p0 $0x1FC5;
	s2 =	rddreg [dreg:$0x5]  }
0x19: {  	[spmem:s16], [sflag:s0] =	dma.local @p0 [hbm:s2], $0x2800  }
0x1a: {  	s0 =	simm.s32 @p0 $0x5  }
0x1b: {  	_ =	swait.ge @p0 [sflag:s0], $0x2800  }
0x1c: {  	[sflag:s0] =	ssyncset.done @p0 $0x0  }
0x1d: {  	[sflag:s0] =	ssyncadd.s32 @p0 $0xFFFFD800;
	s0 =	rddreg [dreg:$0x4]  }
0x1e: {  	[spmem:s18], [sflag:s17] =	dma.local @!p0 [hbm:s0], $0x2700  }
0x1f: {  	s0 =	simm.s32 @!p0 $0x5  }
0x20: {  	_ =	swait.ge @!p0 [sflag:s0], $0x2700  }
0x21: {  	[sflag:s0] =	ssyncset.done @!p0 $0x0  }
0x22: {  	s8 =	rddreg [dreg:$0x6];
	[sflag:s0] =	ssyncadd.s32 @!p0 $0xFFFFD900  }
0x23: {  	[tilespmem:s4], [sflag:$0x5] =	stream.linear.gather [hbm4b:s8+s4], $0x2800, $0x38;
	[tilespmem:$0x1E580] =	vst v63  }
0x24: {  	_ =	swait.ge [sflag:s19], $0x2800  }
0x25: {  	[sflag:s19] =	ssyncset.done $0x0  }
0x26: {  	s9 =	sadd.s32 $0x0, s5;
	s10 =	sand.u32 $0x60, s4;
	[sflag:s19] =	ssyncadd.s32 $0xFFFFD800  }
0x27: {  	[tilespmem:s21], [sflag:$0x1] =	stream.indirect.gather [hbm4b:s1+s20], $0x80, s4, s20, $0xb8;
	[tilespmem:$0x1E580] =	vst v63  }
0x28: {  	s2 =	sadd.s32 s10, s6;
	s0 =	sand.u32 $0x1FF80, s9  }
0x29: {  	[tilespmem:s22], [sflag:$0x3] =	stream.linear.gather [hbm4b:s13+s4], $0x80, $0x38;
	[tilespmem:$0x1E580] =	vst v63  }
0x2a: {  	s7 =	simm.s32 $0x80;
	s0 =	sadd.s32 s0, s2;
	[bflag:$0x0] =	sbarrier.arrive $0xFFFF  }
0x2b: {  	[tilespmem:s23], [sflag:$0x2] =	stream.indirect.gather [hbm4b:s1+s20], $0x80, s7, s20, $0xb8;
	[tilespmem:$0x1E580] =	vst v63  }
0x2c: {  	s0 =	sadd.s32 $0x10, s0  }
0x2d: {  	[tilespmem:s24], [sflag:$0x4] =	stream.linear.gather [hbm4b:s0+s4], $0x80, $0x38;
	[tilespmem:$0x1E580] =	vst v63  }
0x2e: {  	_ =	swait.ge [sflag:s25], $0x4000  }
0x2f: {  	[sflag:s25] =	ssyncset.done $0x0  }
0x30: {  	[sflag:s25] =	ssyncadd.s32 $0xFFFFC000  }
0x31: {  	_ =	swait.ge [sflag:s26], $0x80  }
0x32: {  	[sflag:s26] =	ssyncset.done $0x0  }
0x33: {  	[sflag:s26] =	ssyncadd.s32 $0xFFFFFF80  }
0x34: {  	[spmem:s3] =	stream.indirect.scatter.add.f32 [tilespmem:s21], [sflag:$0x5], $0x80, s22, s20, $0xb8;
	[tilespmem:$0x1E580] =	vst v63  }
0x35: {  	_ =	swait.ge [sflag:s19], $0x4000  }
0x36: {  	[sflag:s19] =	ssyncset.done $0x0  }
0x37: {  	s11 =	simm.s32 $0x100;
	[sflag:s19] =	ssyncadd.s32 $0xFFFFC000  }
0x38: {  	[tilespmem:s21], [sflag:$0x1] =	stream.indirect.gather [hbm4b:s1+s20], $0x80, s11, s20, $0xb8;
	[tilespmem:$0x1E580] =	vst v63  }
0x39: {  	s12 =	sadd.s32 $0x0, s15  }
0x3a: {  	[tilespmem:s22], [sflag:$0x3] =	stream.linear.gather [hbm4b:s12+s4], $0x80, $0x38;
	[tilespmem:$0x1E580] =	vst v63  }
0x3b: {  	_ =	swait.ge [sflag:s28], $0x4000  }
0x3c: {  	[sflag:s28] =	ssyncset.done $0x0  }
0x3d: {  	[sflag:s28] =	ssyncadd.s32 $0xFFFFC000  }
0x3e: {  	s30 =	simm.s32 $0x40;
	_ =	swait.ge [sflag:s29], $0x80  }
0x3f: {  	s9 =	sadd.s32 $0x20, s5;
	s2 =	simm.s32 $0x20;
	[sflag:s29] =	ssyncset.done $0x0  }
0x40: {  	s8 =	simm.s32 $0x180;
	s7 =	simm.s32 $0x300;
	[sflag:s29] =	ssyncadd.s32 $0xFFFFFF80  }
0x41: {  	[spmem:s3] =	stream.indirect.scatter.add.f32 [tilespmem:s23], [sflag:$0x5], $0x80, s24, s20, $0xb8;
	[tilespmem:$0x1E580] =	vst v63  }
0x42: {  	s0 =	simm.s32 $0x200;
	s11 =	sand.u32 $0x60, s2;
	_ =	swait.ge [sflag:s19], $0x4000  }
.LBB2_2:
0x43: {  	s9 =	sand.u32 $0x1FF80, s9  }
0x44: {  	s11 =	sadd.s32 s11, s6;
	[sflag:s19] =	ssyncset.done $0x0;
	s10 =	smov.u32 s30  }
0x45: {  	s12 =	sadd.s32 $0xFFFFFF80, s7;
	s9 =	sadd.s32 s9, s11;
	[sflag:s19] =	ssyncadd.s32 $0xFFFFC000  }
0x46: {  	[tilespmem:s23], [sflag:$0x2] =	stream.indirect.gather [hbm4b:s1+s20], $0x80, s8, s20, $0xb8;
	[tilespmem:$0x1E580] =	vst v63  }
0x47: {  	p1 =	sne.s32 s30, $0x4C0;
	s30 =	sadd.s32 $0x20, s30;
	s8 =	sadd.s32 $0x10, s9  }
0x48: {  	[tilespmem:s24], [sflag:$0x4] =	stream.linear.gather [hbm4b:s8+s4], $0x80, $0x38;
	[tilespmem:$0x1E580] =	vst v63  }
0x49: {  	s8 =	smov.u32 s12;
	_ =	swait.ge [sflag:s25], $0x4000  }
0x4a: {  	[sflag:s25] =	ssyncset.done $0x0  }
0x4b: {  	[sflag:s25] =	ssyncadd.s32 $0xFFFFC000  }
0x4c: {  	_ =	swait.ge [sflag:s26], $0x80  }
0x4d: {  	[sflag:s26] =	ssyncset.done $0x0  }
0x4e: {  	[sflag:s26] =	ssyncadd.s32 $0xFFFFFF80  }
0x4f: {  	[spmem:s3] =	stream.indirect.scatter.add.f32 [tilespmem:s21], [sflag:$0x5], $0x80, s22, s20, $0xb8;
	[tilespmem:$0x1E580] =	vst v63  }
0x50: {  	_ =	swait.ge [sflag:s19], $0x4000  }
0x51: {  	[sflag:s19] =	ssyncset.done $0x0  }
0x52: {  	s9 =	sadd.s32 s2, s15;
	s2 =	smov.u32 s10;
	[sflag:s19] =	ssyncadd.s32 $0xFFFFC000  }
0x53: {  	[tilespmem:s21], [sflag:$0x1] =	stream.indirect.gather [hbm4b:s1+s20], $0x80, s0, s20, $0xb8;
	[tilespmem:$0x1E580] =	vst v63  }
0x54: {  	s0 =	smov.u32 s7  }
0x55: {  	[tilespmem:s22], [sflag:$0x3] =	stream.linear.gather [hbm4b:s9+s4], $0x80, $0x38;
	[tilespmem:$0x1E580] =	vst v63  }
0x56: {  	_ =	swait.ge [sflag:s28], $0x4000  }
0x57: {  	[sflag:s28] =	ssyncset.done $0x0  }
0x58: {  	[sflag:s28] =	ssyncadd.s32 $0xFFFFC000  }
.Ltmp0:
0x59: {  	_ =	swait.ge [sflag:s29], $0x80;
	(pc) =	sbr.rel @p1 .LBB2_2-.Ltmp0, $4  }
0x5a: {  	[sflag:s29] =	ssyncset.done $0x0  }
0x5b: {  	s7 =	sadd.s32 $0x100, s7;
	[sflag:s29] =	ssyncadd.s32 $0xFFFFFF80  }
0x5c: {  	[spmem:s3] =	stream.indirect.scatter.add.f32 [tilespmem:s23], [sflag:$0x5], $0x80, s24, s20, $0xb8;
	[tilespmem:$0x1E580] =	vst v63  }
0x5d: {  	s11 =	sand.u32 $0x60, s2;
	s9 =	sadd.s32 s2, s5;
	_ =	swait.ge [sflag:s19], $0x4000  }
0x5e: {  	s7 =	sand.u32 $0x1FF80, s9;
	s10 =	sadd.s32 s11, s6;
	[sflag:s19] =	ssyncset.done $0x0  }
0x5f: {  	s7 =	sadd.s32 s7, s10;
	[sflag:s19] =	ssyncadd.s32 $0xFFFFC000  }
0x60: {  	[tilespmem:s23], [sflag:$0x2] =	stream.indirect.gather [hbm4b:s1+s20], $0x80, s8, s20, $0xb8;
	[tilespmem:$0x1E580] =	vst v63  }
0x61: {  	s7 =	sadd.s32 $0x10, s7  }
0x62: {  	[tilespmem:s24], [sflag:$0x4] =	stream.linear.gather [hbm4b:s7+s4], $0x80, $0x38;
	[tilespmem:$0x1E580] =	vst v63  }
0x63: {  	_ =	swait.ge [sflag:s25], $0x4000  }
0x64: {  	[sflag:s25] =	ssyncset.done $0x0  }
0x65: {  	[sflag:s25] =	ssyncadd.s32 $0xFFFFC000  }
0x66: {  	_ =	swait.ge [sflag:s26], $0x80  }
0x67: {  	[sflag:s26] =	ssyncset.done $0x0  }
0x68: {  	[sflag:s26] =	ssyncadd.s32 $0xFFFFFF80  }
0x69: {  	[spmem:s3] =	stream.indirect.scatter.add.f32 [tilespmem:s21], [sflag:$0x5], $0x80, s22, s20, $0xb8;
	[tilespmem:$0x1E580] =	vst v63  }
0x6a: {  	_ =	swait.ge [sflag:s19], $0x4000  }
0x6b: {  	[sflag:s19] =	ssyncset.done $0x0  }
0x6c: {  	[sflag:s19] =	ssyncadd.s32 $0xFFFFC000  }
0x6d: {  	[tilespmem:s21], [sflag:$0x1] =	stream.indirect.gather [hbm4b:s1+s20], $0x80, s0, s20, $0xb8;
	[tilespmem:$0x1E580] =	vst v63  }
0x6e: {  	s11 =	sadd.s32 s2, s15  }
0x6f: {  	[tilespmem:s22], [sflag:$0x3] =	stream.linear.gather [hbm4b:s11+s4], $0x80, $0x38;
	[tilespmem:$0x1E580] =	vst v63  }
0x70: {  	_ =	swait.ge [sflag:s28], $0x4000  }
0x71: {  	[sflag:s28] =	ssyncset.done $0x0  }
0x72: {  	[sflag:s28] =	ssyncadd.s32 $0xFFFFC000  }
0x73: {  	_ =	swait.ge [sflag:s29], $0x80  }
0x74: {  	[sflag:s29] =	ssyncset.done $0x0  }
0x75: {  	[sflag:s29] =	ssyncadd.s32 $0xFFFFFF80  }
0x76: {  	[spmem:s3] =	stream.indirect.scatter.add.f32 [tilespmem:s23], [sflag:$0x5], $0x80, s24, s20, $0xb8;
	[tilespmem:$0x1E580] =	vst v63  }
0x77: {  	_ =	swait.ge [sflag:s19], $0x4000  }
0x78: {  	[sflag:s19] =	ssyncset.done $0x0  }
0x79: {  	s12 =	simm.s32 $0x2780;
	[sflag:s19] =	ssyncadd.s32 $0xFFFFC000  }
0x7a: {  	[tilespmem:s23], [sflag:$0x2] =	stream.indirect.gather [hbm4b:s1+s20], $0x80, s12, s20, $0xb8;
	[tilespmem:$0x1E580] =	vst v63  }
0x7b: {  	_ = 	snop  }
0x7c: {  	[tilespmem:s24], [sflag:$0x4] =	stream.linear.gather [hbm4b:s14+s4], $0x80, $0x38;
	[tilespmem:$0x1E580] =	vst v63  }
0x7d: {  	_ =	swait.ge [sflag:s25], $0x4000  }
0x7e: {  	[sflag:s25] =	ssyncset.done $0x0  }
0x7f: {  	[sflag:s25] =	ssyncadd.s32 $0xFFFFC000  }
0x80: {  	_ =	swait.ge [sflag:s26], $0x80  }
0x81: {  	[sflag:s26] =	ssyncset.done $0x0  }
0x82: {  	[sflag:s26] =	ssyncadd.s32 $0xFFFFFF80  }
0x83: {  	[spmem:s3] =	stream.indirect.scatter.add.f32 [tilespmem:s21], [sflag:$0x5], $0x80, s22, s20, $0xb8;
	[tilespmem:$0x1E580] =	vst v63  }
0x84: {  	_ =	swait.ge [sflag:s19], $0x4000  }
0x85: {  	[sflag:s19] =	ssyncset.done $0x0  }
0x86: {  	[sflag:s19] =	ssyncadd.s32 $0xFFFFC000  }
0x87: {  	_ =	swait.ge [sflag:s28], $0x4000  }
0x88: {  	[sflag:s28] =	ssyncset.done $0x0  }
0x89: {  	[sflag:s28] =	ssyncadd.s32 $0xFFFFC000  }
0x8a: {  	_ =	swait.ge [sflag:s29], $0x80  }
0x8b: {  	[sflag:s29] =	ssyncset.done $0x0  }
0x8c: {  	[sflag:s29] =	ssyncadd.s32 $0xFFFFFF80  }
0x8d: {  	[spmem:s3] =	stream.indirect.scatter.add.f32 [tilespmem:s23], [sflag:$0x5], $0x80, s24, s20, $0xb8;
	[tilespmem:$0x1E580] =	vst v63  }
0x8e: {  	_ =	swait.ge [sflag:s19], $0x4000  }
0x8f: {  	[sflag:s19] =	ssyncset.done $0x0  }
0x90: {  	[sflag:s19] =	ssyncadd.s32 $0xFFFFC000  }
0x91: {  	[bflag:$0x0] =	sbarrier.arrive $0xFFFF  }
0x92: {  	s0 =	simm.s32 @p0 $0x1FC5;
	s2 =	rddreg [dreg:$0x8]  }
0x93: {  	[hbm:s2], [sflag:s0] =	dma.local @p0 [spmem:s16], $0x2800  }
0x94: {  	s0 =	simm.s32 @p0 $0x5  }
0x95: {  	_ =	swait.ge @p0 [sflag:s0], $0x2800  }
0x96: {  	[sflag:s0] =	ssyncset.done @p0 $0x0  }
0x97: {  	[sflag:s0] =	ssyncadd.s32 @p0 $0xFFFFD800;
	s0 =	rddreg [dreg:$0x7]  }
0x98: {  	[hbm:s0], [sflag:s17] =	dma.local @!p0 [spmem:s18], $0x2700  }
0x99: {  	s0 =	simm.s32 @!p0 $0x5  }
0x9a: {  	_ =	swait.ge @!p0 [sflag:s0], $0x2700  }
0x9b: {  	s31 =	sadd.s32 $0x1, s31;
	s30 =	rddreg [dreg:$0x9]  }
0x9c: {  	p1 =	sne.s32 s31, s30  }
.Ltmp1:
0x9d: {  	_ = 	snop;
	(pc) =	sbr.rel @p1 .LBB2_1-.Ltmp1, $3  }
0x9e: {  	_ =	sdelay $0x1  }
0x9f: {  	[sflag:s0] =	ssyncset.done @!p0 $0x0  }
0xa0: {  	[sflag:s0] =	ssyncadd.s32 @!p0 $0xFFFFD900  }
0xa1: {  	_ =	sfence.sel $0x180000  }
0xa2: {  	[bflag:$0x0] =	sbarrier.arrive $0xFFFF  }
0xa3: {  	_ =	strace $0x90000047  }
0xa4: {  	s0 =	stileid.u32;
	[bflag:$0x2] =	sbarrier.arrive $0xFFFF  }
0xa5: {  	p0 =	sne.s32 s0, $0x0;
	s0 =	rddreg [dreg:$0x3]  }
0xa6: {  	s0 =	sadd.s32 @!p0 $0x100000, s0  }
0xa7: {  	[sflag:s0] =	ssyncadd.tile.s32 @!p0 $0x1;
	_ =	shalt  }
.Lfunc_end2:
_tile_overlayer_lowered:
.L_overlay_start_2:
0xa8: {  	(tag) =	ssettag $0x2  }
0xa9: {  	s0 =	rddreg [dreg:$0x0];
	s2 =	stileid.u32  }
0xaa: {  	s1 =	rddreg [dreg:$0x1];
	p0 =	sne.s32 s2, $0x0  }
0xab: {  	s3 =	rddreg [dreg:$0x2];
	[bflag:$0x3] =	sbarrier.arrive $0xFFFF;
	s2 =	simm.s32 @!p0 $0x1C05  }
0xac: {  	[timem:s3], [sflag:s2] =	dma.local @!p0 [hbm:s0], s1  }
0xad: {  	s0 =	simm.s32 @!p0 $0x5  }
0xae: {  	_ =	swait.ge @!p0 [sflag:s0], s1  }
0xaf: {  	s1 =	ssub.s32 @!p0 $0x0, s1;
	[sflag:s0] =	ssyncset.done @!p0 $0x0  }
0xb0: {  	[sflag:s0] =	ssyncadd.s32 @!p0 s1  }
0xb1: {  	[bflag:$0x3] =	sbarrier.arrive $0xFFFF  }
0xb2: {  	_ =	shalt  }

// kernel: kernel.14.cloned.1.call-start
scs
__scs_entry_jumppad:
0x0: {  	(pc) =	sbr.rel $0x88, $3  }
0x1: {  	(tag) =	ssettag $0x0;
	lr =	simm.s32 $0x1  }
0x2: {  	[smem:$0x3F9A] =	sst lr;
	_ =	strace $0xD0000000  }
0x3: {  	_ = 	snop  }
0x4: {  	_ = 	snop  }
0x5: {  	_ = 	snop  }
0x6: {  	_ = 	snop  }
0x7: {  	_ = 	snop  }
__scs_overlays_trampoline_lowered:
0x8: {  	[smem:$0x3FA9] =	sst s0  }
0x9: {  	[smem:$0x3FAA] =	sst s1  }
0xa: {  	[smem:$0x3FAB] =	sst s2  }
0xb: {  	[smem:$0x3FAC] =	sst s3  }
0xc: {  	[smem:$0x3FAD] =	sst s4  }
0xd: {  	[smem:$0x3FAE] =	sst s5  }
0xe: {  	[smem:$0x3FAF] =	sst s6  }
0xf: {  	[smem:$0x3FB0] =	sst s7  }
0x10: {  	[smem:$0x3FB1] =	sst s8  }
0x11: {  	[smem:$0x3FB2] =	sst s9;
	s0 =	simm.s32 @!p0 $0x0  }
0x12: {  	s1 =	sld [smem:$0x3F98];
	s0 =	simm.s32 @p0 $0x1  }
0x13: {  	[smem:$0x3FB3] =	sst s0;
	s0 =	simm.s32 @!p1 $0x0  }
0x14: {  	s2 =	sld [smem:$0x3F97];
	s0 =	simm.s32 @p1 $0x1  }
0x15: {  	[smem:$0x3FB4] =	sst s0;
	s0 =	simm.s32 @!p2 $0x0  }
0x16: {  	s3 =	sld [smem:$0x3FDB];
	s0 =	simm.s32 @p2 $0x1  }
0x17: {  	s4 =	simm.s32 $0x1BF5;
	[smem:$0x3FB6] =	sst s0  }
0x18: {  	s0 =	sld [smem:$0x3F99];
	_ =	swait.ge [sflag:s4], $0x0  }
0x19: {  	s7 =	sld [smem:$0x3F9A]  }
0x1a: {  	s8 =	sadd.s32 $0xFFFFE003, lr  }
0x1b: {  	s9 =	sadd.s32 $0xFFFFFEF7, lr;
	s5 =	simm.s32 $0xFFFFFFFF;
	p2 =	slt.u32 s8, $0xFFFFF086  }
0x1c: {  	p1 =	slt.u32 s9, $0xF7A;
	s5 =	simm.s32 @!p2 $0x0  }
0x1d: {  	s5 =	simm.s32 @p1 $0x1;
	p0 =	seq.s32 s7, s2  }
0x1e: {  	s7 =	smul.u32 @!p0 $0xF7A, s2;
	p2 =	seq.s32 @!p0 s5, $0x0  }
0x1f: {  	s9 =	smul.u32 $0xF7A, s1;
	s8 =	simm.s32 @!p0 $0x1BF5;
	p2 =	por !p2, p0  }
0x20: {  	[sflag:s8] =	ssyncset.s32 @!p0 $0xFFFFF086;
	s6 =	sadd.s32 @!p0 s3, s7;
	s7 =	simm.s32 @!p0 $0x108  }
0x21: {  	s3 =	sadd.s32 s3, s9;
	s6 =	sadd.s32 @!p0 $0x88, s6;
	s7 =	simm.s32 @p2 $0x1082  }
0x22: {  	[simem:s7], [sflag:s8] =	dma.local @!p0 [hbm:s6], $0xF7A  }
0x23: {  	s9 =	sor.u32 $0xD0000000, s2;
	s6 =	simm.s32 $0x108;
	_ =	swait.ge @!p0 [sflag:s8], $0x0  }
0x24: {  	s3 =	sadd.s32 $0x88, s3;
	s6 =	simm.s32 @!p1 $0x1082;
	[sflag:s4] =	ssyncset.s32 $0xFFFFF086  }
0x25: {  	[simem:s6], [sflag:s4] =	dma.local [hbm:s3], $0xF7A  }
0x26: {  	[smem:$0x3F9A] =	sst s1;
	(tag) =	ssettag s2;
	_ =	strace s9  }
0x27: {  	s1 =	sld [smem:$0x3FAA]  }
0x28: {  	s2 =	sld [smem:$0x3FAB]  }
0x29: {  	s4 =	sld [smem:$0x3FAD]  }
0x2a: {  	p0 =	seq.s32 s5, $0x0;
	s5 =	sld [smem:$0x3FAE]  }
0x2b: {  	s6 =	sld [smem:$0x3FAF]  }
0x2c: {  	s7 =	sld [smem:$0x3FB0]  }
0x2d: {  	s3 =	simm.s32 $0x108;
	s8 =	sld [smem:$0x3FB1]  }
0x2e: {  	s3 =	simm.s32 @!p0 $0x1082;
	s9 =	sld [smem:$0x3FB2]  }
0x2f: {  	lr =	sadd.s32 s0, s3;
	s0 =	sld [smem:$0x3FA9]  }
0x30: {  	s3 =	sld [smem:$0x3FAC]  }
0x31: {  	[smem:$0x3FB5] =	sst s10  }
0x32: {  	s10 =	sld [smem:$0x3FB3];
	_ =	sdelay $0x3  }
0x33: {  	p0 =	seq.s32 s10, $0x1;
	s10 =	sld [smem:$0x3FB5];
	_ =	sdelay $0x3  }
0x34: {  	[smem:$0x3FB5] =	sst s10  }
0x35: {  	s10 =	sld [smem:$0x3FB4];
	_ =	sdelay $0x3  }
0x36: {  	p1 =	seq.s32 s10, $0x1;
	s10 =	sld [smem:$0x3FB5];
	_ =	sdelay $0x3  }
0x37: {  	[smem:$0x3FB5] =	sst s10  }
0x38: {  	s10 =	sld [smem:$0x3FB6]  }
0x39: {  	_ = 	snop;
	(pc) =	sbr.ind lr, $3  }
0x3a: {  	_ = 	snop  }
0x3b: {  	_ = 	snop  }
0x3c: {  	p2 =	seq.s32 s10, $0x1;
	s10 =	sld [smem:$0x3FB5]  }
0x3d: {  	_ =	shalt  }
0x3e: {  	_ =	shalt  }
0x3f: {  	_ =	shalt  }
0x40: {  	_ =	shalt  }
0x41: {  	_ =	shalt  }
0x42: {  	_ =	shalt  }
0x43: {  	_ =	shalt  }
0x44: {  	_ =	shalt  }
0x45: {  	_ =	shalt  }
0x46: {  	_ =	shalt  }
0x47: {  	_ =	shalt  }
0x48: {  	_ =	shalt  }
0x49: {  	_ =	shalt  }
0x4a: {  	_ =	shalt  }
0x4b: {  	_ =	shalt  }
0x4c: {  	_ =	shalt  }
0x4d: {  	_ =	shalt  }
0x4e: {  	_ =	shalt  }
0x4f: {  	_ =	shalt  }
0x50: {  	_ =	shalt  }
0x51: {  	_ =	shalt  }
0x52: {  	_ =	shalt  }
0x53: {  	_ =	shalt  }
0x54: {  	_ =	shalt  }
0x55: {  	_ =	shalt  }
0x56: {  	_ =	shalt  }
0x57: {  	_ =	shalt  }
0x58: {  	_ =	shalt  }
0x59: {  	_ =	shalt  }
0x5a: {  	_ =	shalt  }
0x5b: {  	_ =	shalt  }
0x5c: {  	_ =	shalt  }
0x5d: {  	_ =	shalt  }
0x5e: {  	_ =	shalt  }
0x5f: {  	_ =	shalt  }
0x60: {  	_ =	shalt  }
0x61: {  	_ =	shalt  }
0x62: {  	_ =	shalt  }
0x63: {  	_ =	shalt  }
0x64: {  	_ =	shalt  }
0x65: {  	_ =	shalt  }
0x66: {  	_ =	shalt  }
0x67: {  	_ =	shalt  }
0x68: {  	_ =	shalt  }
0x69: {  	_ =	shalt  }
0x6a: {  	_ =	shalt  }
0x6b: {  	_ =	shalt  }
0x6c: {  	_ =	shalt  }
0x6d: {  	_ =	shalt  }
0x6e: {  	_ =	shalt  }
0x6f: {  	_ =	shalt  }
0x70: {  	_ =	shalt  }
0x71: {  	_ =	shalt  }
0x72: {  	_ =	shalt  }
0x73: {  	_ =	shalt  }
0x74: {  	_ =	shalt  }
0x75: {  	_ =	shalt  }
0x76: {  	_ =	shalt  }
0x77: {  	_ =	shalt  }
0x78: {  	_ =	shalt  }
0x79: {  	_ =	shalt  }
0x7a: {  	_ =	shalt  }
0x7b: {  	_ =	shalt  }
0x7c: {  	_ =	shalt  }
0x7d: {  	_ =	shalt  }
0x7e: {  	_ =	shalt  }
0x7f: {  	_ =	shalt  }
0x80: {  	_ =	shalt  }
0x81: {  	_ =	shalt  }
0x82: {  	_ =	shalt  }
0x83: {  	_ =	shalt  }
0x84: {  	_ =	shalt  }
0x85: {  	_ =	shalt  }
0x86: {  	_ =	shalt  }
0x87: {  	_ =	shalt  }
.Lfunc_end0:
.L_simem_size_0:
called_computation.1_lowered:
.L_overlay_start_0:
0x88: {  	s2 =	sld [smem:$0x3FD9]  }
0x89: {  	s3 =	sld [smem:$0x3FFE];
	_ =	sdelay $0x1  }
0x8a: {  	s1 =	srdreg.scid  }
0x8b: {  	s0 =	sand.u32 $0x1, s1  }
0x8c: {  	s17 =	sshll.u32 s0, $0xA;
	s2 =	sadd.s32 s3, s2  }
0x8d: {  	s2 =	sadd.s32 s2, s17  }
0x8e: {  	[smem:$0x3FC1] =	sst s2  }
0x8f: {  	_ = 	snop  }
0x90: {  	s2 =	sld [smem:$0x3FD0];
	(tm) =	ssettm $0x1  }
0x91: {  	s18 =	sld [smem:$0x3FFB];
	_ =	sdelay $0x3  }
0x92: {  	_ =	strace s18  }
0x93: {  	s3 =	sld [smem:$0x3FFC];
	_ =	sdelay $0x3  }
0x94: {  	_ =	strace s3  }
0x95: {  	s3 =	sld [smem:$0x3FFD];
	_ =	sdelay $0x3  }
0x96: {  	_ =	strace s3  }
0x97: {  	_ =	strace $0x8FFFFFFF  }
0x98: {  	s19 =	sld [smem:$0x3FDB];
	_ =	sdelay $0x1  }
0x99: {  	s4 =	simm.s32 $_scs_section_size  }
0x9a: {  	s5 =	simm.s32 $_size__tile_overlayer_lowered;
	s6 =	simm.s32 $_tile_overlayer_lowered  }
0x9b: {  	s22 =	simm.s32 $0x1BFF;
	s21 =	sshll.u32 s6, $0x1;
	s3 =	sadd.s32 s4, s19  }
0x9c: {  	s7 =	simm.s32 $0x0;
	s20 =	sshll.u32 s5, $0x1;
	s5 =	sadd.s32 s21, s3  }
0x9d: {  	[timem:s7], [sflag:s22] =	dma.local [hbm:s5], s20  }
0x9e: {  	_ =	swait.ge [sflag:s22], s20  }
0x9f: {  	s4 =	ssub.s32 $0x0, s20;
	[sflag:s22] =	ssyncset.done $0x0  }
0xa0: {  	[sflag:s22] =	ssyncadd.s32 s4;
	_ =	sdelay $0x1  }
0xa1: {  	s23 =	simm.s32 $0x1B8B  }
0xa2: {  	_ =	swait.ge [sflag:s23], $0x1  }
0xa3: {  	[sflag:s23] =	ssyncset.done $0x0  }
0xa4: {  	s25 =	simm.s32 $0x1B8E;
	s24 =	sld [smem:$0x3FFE];
	[sflag:s23] =	ssyncadd.s32 $0xFFFFFFFF  }
0xa5: {  	s26 =	simm.s32 $execute0_lowered;
	[smem:$0x3FD2] =	sst s25  }
0xa6: {  	s5 =	sshll.u32 s26, $0x1;
	_ =	strace $0x80000049;
	[dreg:$0x1] =	wrdreg $0xFFFFFFFF  }
0xa7: {  	s28 =	simm.s32 $_size_execute0_lowered;
	s3 =	sadd.s32 s3, s5;
	[dreg:$0x0] =	wrdreg $0x0  }
0xa8: {  	s5 =	sshll.u32 s28, $0x1;
	[dreg:$0x2] =	wrdreg s3  }
0xa9: {  	[dreg:$0x3] =	wrdreg s5  }
0xaa: {  	[dreg:$0x4] =	wrdreg $0xC0  }
0xab: {  	_ =	task [dreg:s7], $0x5FFFF  }
0xac: {  	[dreg:$0x1] =	wrdreg $0xFFFFFFFF  }
0xad: {  	[dreg:$0x0] =	wrdreg $0x60  }
0xae: {  	[dreg:$0x2] =	wrdreg s2  }
0xaf: {  	[dreg:$0x3] =	wrdreg s24  }
0xb0: {  	[dreg:$0x4] =	wrdreg $0xA9000  }
0xb1: {  	[dreg:$0x5] =	wrdreg $0x9  }
0xb2: {  	_ =	task.clear_ibuf [dreg:s7], $0x6FFFF;
	_ =	strace $0x90000049  }
0xb3: {  	s29 =	simm.s32 $0x9;
	_ =	strace $0x8000004B  }
0xb4: {  	_ =	swait.ge [sflag:s29], $0x1  }
0xb5: {  	[sflag:s29] =	ssyncadd.s32 $0xFFFFFFFF  }
0xb6: {  	_ =	strace $0x9000004B  }
0xb7: {  	_ =	sfence  }
0xb8: {  	s30 =	sld [smem:$0x0];
	_ =	sdelay $0x2  }
0xb9: {  	s31 =	sshll.u32 s1, $0xD;
	s1 =	sshrl.u32 s1, $0x2  }
0xba: {  	s3 =	sand.u32 $0x4000, s31;
	s1 =	sadd.s32 s1, s30  }
0xbb: {  	s0 =	sor.u32 s3, s0;
	s1 =	sshll.u32 s1, $0x11  }
0xbc: {  	s0 =	sor.u32 s1, s0  }
0xbd: {  	s0 =	sadd.s32 $0x8F2B, s0  }
0xbe: {  	[sflag:s0] =	ssyncadd.remote.s32 $0x1  }
0xbf: {  	_ =	sfence.sel $0xFFFF  }
0xc0: {  	[dreg:$0x0] =	wrdreg $0xFFFFFFFF;
	(pc) =	sbr.abs _section_cstart, $3  }
0xc1: {  	[dreg:$0x1] =	wrdreg $0xFFFFFFFF  }
0xc2: {  	_ =	task.clear_ibuf [dreg:s7], $0x2FFFF;
	_ =	strace $0x9FFFFFFF  }
0xc3: {  	(tm) =	ssettm $0x7FFFFFFF  }
tec
execute0_lowered:
.L_overlay_start_1:
0x0: {  	(tag) =	ssettag $0x1  }
0x1: {  	s1 =	rddreg [dreg:$0x0]  }
0x2: {  	s0 =	srdreg.scid;
	s7 =	rddreg [dreg:$0x1]  }
0x3: {  	s16 =	stileid.u32;
	s3 =	rddreg [dreg:$0x2];
	s4 =	simm.s32 $0x0  }
0x4: {  	s19 =	simm.s32 $0x5;
	s20 =	simm.s32 $0x80;
	s5 =	smul.u32 $0x50, s16  }
0x5: {  	s21 =	simm.s32 $0x2900;
	s28 =	simm.s32 $0x2;
	s8 =	smul.u32 $0x4E000, s16  }
0x6: {  	s29 =	simm.s32 $0x4;
	s31 =	simm.s32 $0x0;
	s11 =	smul.u32 $0x2700, s16  }
0x7: {  	s0 =	sand.u32 $0x1, s0;
	[smem:$0x7FF] =	sst s4;
	s13 =	smul.u32 $0x13800, s16  }
0x8: {  	s6 =	sadd.s32 $0xE400, s7;
	s23 =	sadd.s32 $0x24900, s1;
	s14 =	smul.u32 $0x500, s16  }
0x9: {  	p0 =	seq.s32 s16, $0xF;
	s2 =	smul.u32 $0x500, s0;
	_ =	strace $0x8000004A  }
0xa: {  	s9 =	ssub.s32 $0x2, s0;
	s12 =	smul.u32 $0x138800, s0;
	[dreg:$0x5] =	wrdreg s23  }
0xb: {  	s0 =	smul.u32 $0x5000, s0;
	s23 =	simm.s32 $0x6900;
	s10 =	sshrl.u32 s9, $0x1  }
0xc: {  	s8 =	sshrl.u32 s8, $0x2;
	s22 =	sadd.s32 s1, s11;
	s11 =	sadd.s32 $0x124800, s3  }
0xd: {  	s2 =	sadd.s32 s5, s2;
	s9 =	ssub.s32 s9, s10;
	s8 =	sadd.s32 s8, s3  }
0xe: {  	[dreg:$0x4] =	wrdreg s22;
	s25 =	sadd.s32 s13, s12;
	s12 =	sshrl.u32 s12, $0x3  }
0xf: {  	s0 =	sadd.s32 s0, s6;
	s22 =	simm.s32 $0x2800;
	s5 =	sshll.u32 s2, $0x4  }
0x10: {  	s30 =	smax.u32 s9, $0x1;
	s0 =	sadd.s32 s14, s0;
	s18 =	sshrl.u32 @!p0 s8, $0x3  }
0x11: {  	s2 =	sadd.s32 s5, s7;
	s7 =	sadd.s32 $0x49600, s7;
	s24 =	sadd.s32 s6, s5  }
0x12: {  	[dreg:$0x9] =	wrdreg s30;
	s15 =	sadd.s32 $0x20, s0;
	s0 =	sshll.u32 @!p0 s16, $0x6  }
0x13: {  	s16 =	sshrl.u32 @p0 s11, $0x3;
	s2 =	sadd.s32 $0x18400, s2;
	s12 =	sadd.s32 s7, s12  }
0x14: {  	s13 =	smov.u32 s24;
	s14 =	sadd.s32 $0x4F0, s24;
	s17 =	sor.u32 @!p0 $0x1C05, s0  }
0x15: {  	[dreg:$0x6] =	wrdreg s2;
	s2 =	sshrl.u32 s25, $0x3;
	s26 =	sadd.s32 $0x24900, s12  }
0x16: {  	s24 =	simm.s32 $0x2880;
	s2 =	sadd.s32 s7, s2;
	[dreg:$0x8] =	wrdreg s26  }
0x17: {  	s25 =	simm.s32 $0x1;
	s26 =	simm.s32 $0x3;
	[dreg:$0x7] =	wrdreg s2  }
.LBB2_1:
0x18: {  	s0 =	simm.s32 @p0 $0x1FC5;
	s2 =	rddreg [dreg:$0x5]  }
0x19: {  	[spmem:s16], [sflag:s0] =	dma.local @p0 [hbm:s2], $0x2800  }
0x1a: {  	s0 =	simm.s32 @p0 $0x5  }
0x1b: {  	_ =	swait.ge @p0 [sflag:s0], $0x2800  }
0x1c: {  	[sflag:s0] =	ssyncset.done @p0 $0x0  }
0x1d: {  	[sflag:s0] =	ssyncadd.s32 @p0 $0xFFFFD800;
	s0 =	rddreg [dreg:$0x4]  }
0x1e: {  	[spmem:s18], [sflag:s17] =	dma.local @!p0 [hbm:s0], $0x2700  }
0x1f: {  	s0 =	simm.s32 @!p0 $0x5  }
0x20: {  	_ =	swait.ge @!p0 [sflag:s0], $0x2700  }
0x21: {  	[sflag:s0] =	ssyncset.done @!p0 $0x0  }
0x22: {  	s8 =	rddreg [dreg:$0x6];
	[sflag:s0] =	ssyncadd.s32 @!p0 $0xFFFFD900  }
0x23: {  	[tilespmem:s4], [sflag:$0x5] =	stream.linear.gather [hbm4b:s8+s4], $0x2800, $0x38;
	[tilespmem:$0x1E580] =	vst v63  }
0x24: {  	_ =	swait.ge [sflag:s19], $0x2800  }
0x25: {  	[sflag:s19] =	ssyncset.done $0x0  }
0x26: {  	s9 =	sadd.s32 $0x0, s5;
	s10 =	sand.u32 $0x60, s4;
	[sflag:s19] =	ssyncadd.s32 $0xFFFFD800  }
0x27: {  	[tilespmem:s21], [sflag:$0x1] =	stream.indirect.gather [hbm4b:s1+s20], $0x80, s4, s20, $0xb8;
	[tilespmem:$0x1E580] =	vst v63  }
0x28: {  	s2 =	sadd.s32 s10, s6;
	s0 =	sand.u32 $0x1FF80, s9  }
0x29: {  	[tilespmem:s22], [sflag:$0x3] =	stream.linear.gather [hbm4b:s13+s4], $0x80, $0x38;
	[tilespmem:$0x1E580] =	vst v63  }
0x2a: {  	s7 =	simm.s32 $0x80;
	s0 =	sadd.s32 s0, s2;
	[bflag:$0x0] =	sbarrier.arrive $0xFFFF  }
0x2b: {  	[tilespmem:s23], [sflag:$0x2] =	stream.indirect.gather [hbm4b:s1+s20], $0x80, s7, s20, $0xb8;
	[tilespmem:$0x1E580] =	vst v63  }
0x2c: {  	s0 =	sadd.s32 $0x10, s0  }
0x2d: {  	[tilespmem:s24], [sflag:$0x4] =	stream.linear.gather [hbm4b:s0+s4], $0x80, $0x38;
	[tilespmem:$0x1E580] =	vst v63  }
0x2e: {  	_ =	swait.ge [sflag:s25], $0x4000  }
0x2f: {  	[sflag:s25] =	ssyncset.done $0x0  }
0x30: {  	[sflag:s25] =	ssyncadd.s32 $0xFFFFC000  }
0x31: {  	_ =	swait.ge [sflag:s26], $0x80  }
0x32: {  	[sflag:s26] =	ssyncset.done $0x0  }
0x33: {  	[sflag:s26] =	ssyncadd.s32 $0xFFFFFF80  }
0x34: {  	[spmem:s3] =	stream.indirect.scatter.add.f32 [tilespmem:s21], [sflag:$0x5], $0x80, s22, s20, $0xb8;
	[tilespmem:$0x1E580] =	vst v63  }
0x35: {  	_ =	swait.ge [sflag:s19], $0x4000  }
0x36: {  	[sflag:s19] =	ssyncset.done $0x0  }
0x37: {  	s11 =	simm.s32 $0x100;
	[sflag:s19] =	ssyncadd.s32 $0xFFFFC000  }
0x38: {  	[tilespmem:s21], [sflag:$0x1] =	stream.indirect.gather [hbm4b:s1+s20], $0x80, s11, s20, $0xb8;
	[tilespmem:$0x1E580] =	vst v63  }
0x39: {  	s12 =	sadd.s32 $0x0, s15  }
0x3a: {  	[tilespmem:s22], [sflag:$0x3] =	stream.linear.gather [hbm4b:s12+s4], $0x80, $0x38;
	[tilespmem:$0x1E580] =	vst v63  }
0x3b: {  	_ =	swait.ge [sflag:s28], $0x4000  }
0x3c: {  	[sflag:s28] =	ssyncset.done $0x0  }
0x3d: {  	[sflag:s28] =	ssyncadd.s32 $0xFFFFC000  }
0x3e: {  	s30 =	simm.s32 $0x40;
	_ =	swait.ge [sflag:s29], $0x80  }
0x3f: {  	s9 =	sadd.s32 $0x20, s5;
	s2 =	simm.s32 $0x20;
	[sflag:s29] =	ssyncset.done $0x0  }
0x40: {  	s8 =	simm.s32 $0x180;
	s7 =	simm.s32 $0x300;
	[sflag:s29] =	ssyncadd.s32 $0xFFFFFF80  }
0x41: {  	[spmem:s3] =	stream.indirect.scatter.add.f32 [tilespmem:s23], [sflag:$0x5], $0x80, s24, s20, $0xb8;
	[tilespmem:$0x1E580] =	vst v63  }
0x42: {  	s0 =	simm.s32 $0x200;
	s11 =	sand.u32 $0x60, s2;
	_ =	swait.ge [sflag:s19], $0x4000  }
.LBB2_2:
0x43: {  	s9 =	sand.u32 $0x1FF80, s9  }
0x44: {  	s11 =	sadd.s32 s11, s6;
	[sflag:s19] =	ssyncset.done $0x0;
	s10 =	smov.u32 s30  }
0x45: {  	s12 =	sadd.s32 $0xFFFFFF80, s7;
	s9 =	sadd.s32 s9, s11;
	[sflag:s19] =	ssyncadd.s32 $0xFFFFC000  }
0x46: {  	[tilespmem:s23], [sflag:$0x2] =	stream.indirect.gather [hbm4b:s1+s20], $0x80, s8, s20, $0xb8;
	[tilespmem:$0x1E580] =	vst v63  }
0x47: {  	p1 =	sne.s32 s30, $0x4C0;
	s30 =	sadd.s32 $0x20, s30;
	s8 =	sadd.s32 $0x10, s9  }
0x48: {  	[tilespmem:s24], [sflag:$0x4] =	stream.linear.gather [hbm4b:s8+s4], $0x80, $0x38;
	[tilespmem:$0x1E580] =	vst v63  }
0x49: {  	s8 =	smov.u32 s12;
	_ =	swait.ge [sflag:s25], $0x4000  }
0x4a: {  	[sflag:s25] =	ssyncset.done $0x0  }
0x4b: {  	[sflag:s25] =	ssyncadd.s32 $0xFFFFC000  }
0x4c: {  	_ =	swait.ge [sflag:s26], $0x80  }
0x4d: {  	[sflag:s26] =	ssyncset.done $0x0  }
0x4e: {  	[sflag:s26] =	ssyncadd.s32 $0xFFFFFF80  }
0x4f: {  	[spmem:s3] =	stream.indirect.scatter.add.f32 [tilespmem:s21], [sflag:$0x5], $0x80, s22, s20, $0xb8;
	[tilespmem:$0x1E580] =	vst v63  }
0x50: {  	_ =	swait.ge [sflag:s19], $0x4000  }
0x51: {  	[sflag:s19] =	ssyncset.done $0x0  }
0x52: {  	s9 =	sadd.s32 s2, s15;
	s2 =	smov.u32 s10;
	[sflag:s19] =	ssyncadd.s32 $0xFFFFC000  }
0x53: {  	[tilespmem:s21], [sflag:$0x1] =	stream.indirect.gather [hbm4b:s1+s20], $0x80, s0, s20, $0xb8;
	[tilespmem:$0x1E580] =	vst v63  }
0x54: {  	s0 =	smov.u32 s7  }
0x55: {  	[tilespmem:s22], [sflag:$0x3] =	stream.linear.gather [hbm4b:s9+s4], $0x80, $0x38;
	[tilespmem:$0x1E580] =	vst v63  }
0x56: {  	_ =	swait.ge [sflag:s28], $0x4000  }
0x57: {  	[sflag:s28] =	ssyncset.done $0x0  }
0x58: {  	[sflag:s28] =	ssyncadd.s32 $0xFFFFC000  }
.Ltmp0:
0x59: {  	_ =	swait.ge [sflag:s29], $0x80;
	(pc) =	sbr.rel @p1 .LBB2_2-.Ltmp0, $4  }
0x5a: {  	[sflag:s29] =	ssyncset.done $0x0  }
0x5b: {  	s7 =	sadd.s32 $0x100, s7;
	[sflag:s29] =	ssyncadd.s32 $0xFFFFFF80  }
0x5c: {  	[spmem:s3] =	stream.indirect.scatter.add.f32 [tilespmem:s23], [sflag:$0x5], $0x80, s24, s20, $0xb8;
	[tilespmem:$0x1E580] =	vst v63  }
0x5d: {  	s11 =	sand.u32 $0x60, s2;
	s9 =	sadd.s32 s2, s5;
	_ =	swait.ge [sflag:s19], $0x4000  }
0x5e: {  	s7 =	sand.u32 $0x1FF80, s9;
	s10 =	sadd.s32 s11, s6;
	[sflag:s19] =	ssyncset.done $0x0  }
0x5f: {  	s7 =	sadd.s32 s7, s10;
	[sflag:s19] =	ssyncadd.s32 $0xFFFFC000  }
0x60: {  	[tilespmem:s23], [sflag:$0x2] =	stream.indirect.gather [hbm4b:s1+s20], $0x80, s8, s20, $0xb8;
	[tilespmem:$0x1E580] =	vst v63  }
0x61: {  	s7 =	sadd.s32 $0x10, s7  }
0x62: {  	[tilespmem:s24], [sflag:$0x4] =	stream.linear.gather [hbm4b:s7+s4], $0x80, $0x38;
	[tilespmem:$0x1E580] =	vst v63  }
0x63: {  	_ =	swait.ge [sflag:s25], $0x4000  }
0x64: {  	[sflag:s25] =	ssyncset.done $0x0  }
0x65: {  	[sflag:s25] =	ssyncadd.s32 $0xFFFFC000  }
0x66: {  	_ =	swait.ge [sflag:s26], $0x80  }
0x67: {  	[sflag:s26] =	ssyncset.done $0x0  }
0x68: {  	[sflag:s26] =	ssyncadd.s32 $0xFFFFFF80  }
0x69: {  	[spmem:s3] =	stream.indirect.scatter.add.f32 [tilespmem:s21], [sflag:$0x5], $0x80, s22, s20, $0xb8;
	[tilespmem:$0x1E580] =	vst v63  }
0x6a: {  	_ =	swait.ge [sflag:s19], $0x4000  }
0x6b: {  	[sflag:s19] =	ssyncset.done $0x0  }
0x6c: {  	[sflag:s19] =	ssyncadd.s32 $0xFFFFC000  }
0x6d: {  	[tilespmem:s21], [sflag:$0x1] =	stream.indirect.gather [hbm4b:s1+s20], $0x80, s0, s20, $0xb8;
	[tilespmem:$0x1E580] =	vst v63  }
0x6e: {  	s11 =	sadd.s32 s2, s15  }
0x6f: {  	[tilespmem:s22], [sflag:$0x3] =	stream.linear.gather [hbm4b:s11+s4], $0x80, $0x38;
	[tilespmem:$0x1E580] =	vst v63  }
0x70: {  	_ =	swait.ge [sflag:s28], $0x4000  }
0x71: {  	[sflag:s28] =	ssyncset.done $0x0  }
0x72: {  	[sflag:s28] =	ssyncadd.s32 $0xFFFFC000  }
0x73: {  	_ =	swait.ge [sflag:s29], $0x80  }
0x74: {  	[sflag:s29] =	ssyncset.done $0x0  }
0x75: {  	[sflag:s29] =	ssyncadd.s32 $0xFFFFFF80  }
0x76: {  	[spmem:s3] =	stream.indirect.scatter.add.f32 [tilespmem:s23], [sflag:$0x5], $0x80, s24, s20, $0xb8;
	[tilespmem:$0x1E580] =	vst v63  }
0x77: {  	_ =	swait.ge [sflag:s19], $0x4000  }
0x78: {  	[sflag:s19] =	ssyncset.done $0x0  }
0x79: {  	s12 =	simm.s32 $0x2780;
	[sflag:s19] =	ssyncadd.s32 $0xFFFFC000  }
0x7a: {  	[tilespmem:s23], [sflag:$0x2] =	stream.indirect.gather [hbm4b:s1+s20], $0x80, s12, s20, $0xb8;
	[tilespmem:$0x1E580] =	vst v63  }
0x7b: {  	_ = 	snop  }
0x7c: {  	[tilespmem:s24], [sflag:$0x4] =	stream.linear.gather [hbm4b:s14+s4], $0x80, $0x38;
	[tilespmem:$0x1E580] =	vst v63  }
0x7d: {  	_ =	swait.ge [sflag:s25], $0x4000  }
0x7e: {  	[sflag:s25] =	ssyncset.done $0x0  }
0x7f: {  	[sflag:s25] =	ssyncadd.s32 $0xFFFFC000  }
0x80: {  	_ =	swait.ge [sflag:s26], $0x80  }
0x81: {  	[sflag:s26] =	ssyncset.done $0x0  }
0x82: {  	[sflag:s26] =	ssyncadd.s32 $0xFFFFFF80  }
0x83: {  	[spmem:s3] =	stream.indirect.scatter.add.f32 [tilespmem:s21], [sflag:$0x5], $0x80, s22, s20, $0xb8;
	[tilespmem:$0x1E580] =	vst v63  }
0x84: {  	_ =	swait.ge [sflag:s19], $0x4000  }
0x85: {  	[sflag:s19] =	ssyncset.done $0x0  }
0x86: {  	[sflag:s19] =	ssyncadd.s32 $0xFFFFC000  }
0x87: {  	_ =	swait.ge [sflag:s28], $0x4000  }
0x88: {  	[sflag:s28] =	ssyncset.done $0x0  }
0x89: {  	[sflag:s28] =	ssyncadd.s32 $0xFFFFC000  }
0x8a: {  	_ =	swait.ge [sflag:s29], $0x80  }
0x8b: {  	[sflag:s29] =	ssyncset.done $0x0  }
0x8c: {  	[sflag:s29] =	ssyncadd.s32 $0xFFFFFF80  }
0x8d: {  	[spmem:s3] =	stream.indirect.scatter.add.f32 [tilespmem:s23], [sflag:$0x5], $0x80, s24, s20, $0xb8;
	[tilespmem:$0x1E580] =	vst v63  }
0x8e: {  	_ =	swait.ge [sflag:s19], $0x4000  }
0x8f: {  	[sflag:s19] =	ssyncset.done $0x0  }
0x90: {  	[sflag:s19] =	ssyncadd.s32 $0xFFFFC000  }
0x91: {  	[bflag:$0x0] =	sbarrier.arrive $0xFFFF  }
0x92: {  	s0 =	simm.s32 @p0 $0x1FC5;
	s2 =	rddreg [dreg:$0x8]  }
0x93: {  	[hbm:s2], [sflag:s0] =	dma.local @p0 [spmem:s16], $0x2800  }
0x94: {  	s0 =	simm.s32 @p0 $0x5  }
0x95: {  	_ =	swait.ge @p0 [sflag:s0], $0x2800  }
0x96: {  	[sflag:s0] =	ssyncset.done @p0 $0x0  }
0x97: {  	[sflag:s0] =	ssyncadd.s32 @p0 $0xFFFFD800;
	s0 =	rddreg [dreg:$0x7]  }
0x98: {  	[hbm:s0], [sflag:s17] =	dma.local @!p0 [spmem:s18], $0x2700  }
0x99: {  	s0 =	simm.s32 @!p0 $0x5  }
0x9a: {  	_ =	swait.ge @!p0 [sflag:s0], $0x2700  }
0x9b: {  	s31 =	sadd.s32 $0x1, s31;
	s30 =	rddreg [dreg:$0x9]  }
0x9c: {  	p1 =	sne.s32 s31, s30  }
.Ltmp1:
0x9d: {  	_ = 	snop;
	(pc) =	sbr.rel @p1 .LBB2_1-.Ltmp1, $3  }
0x9e: {  	_ =	sdelay $0x1  }
0x9f: {  	[sflag:s0] =	ssyncset.done @!p0 $0x0  }
0xa0: {  	[sflag:s0] =	ssyncadd.s32 @!p0 $0xFFFFD900  }
0xa1: {  	_ =	sfence.sel $0x180000  }
0xa2: {  	[bflag:$0x0] =	sbarrier.arrive $0xFFFF  }
0xa3: {  	_ =	strace $0x9000004A  }
0xa4: {  	s0 =	stileid.u32;
	[bflag:$0x2] =	sbarrier.arrive $0xFFFF  }
0xa5: {  	p0 =	sne.s32 s0, $0x0;
	s0 =	rddreg [dreg:$0x3]  }
0xa6: {  	s0 =	sadd.s32 @!p0 $0x100000, s0  }
0xa7: {  	[sflag:s0] =	ssyncadd.tile.s32 @!p0 $0x1;
	_ =	shalt  }
.Lfunc_end2:
_tile_overlayer_lowered:
.L_overlay_start_2:
0xa8: {  	(tag) =	ssettag $0x2  }
0xa9: {  	s0 =	rddreg [dreg:$0x0];
	s2 =	stileid.u32  }
0xaa: {  	s1 =	rddreg [dreg:$0x1];
	p0 =	sne.s32 s2, $0x0  }
0xab: {  	s3 =	rddreg [dreg:$0x2];
	[bflag:$0x3] =	sbarrier.arrive $0xFFFF;
	s2 =	simm.s32 @!p0 $0x1C05  }
0xac: {  	[timem:s3], [sflag:s2] =	dma.local @!p0 [hbm:s0], s1  }
0xad: {  	s0 =	simm.s32 @!p0 $0x5  }
0xae: {  	_ =	swait.ge @!p0 [sflag:s0], s1  }
0xaf: {  	s1 =	ssub.s32 @!p0 $0x0, s1;
	[sflag:s0] =	ssyncset.done @!p0 $0x0  }
0xb0: {  	[sflag:s0] =	ssyncadd.s32 @!p0 s1  }
0xb1: {  	[bflag:$0x3] =	sbarrier.arrive $0xFFFF  }
0xb2: {  	_ =	shalt  }

// kernel: kernel.17.cloned.1.call-start
scs
__scs_entry_jumppad:
0x0: {  	(pc) =	sbr.rel $0x88, $3  }
0x1: {  	(tag) =	ssettag $0x0;
	lr =	simm.s32 $0x1  }
0x2: {  	[smem:$0x3F9A] =	sst lr;
	_ =	strace $0xD0000000  }
0x3: {  	_ = 	snop  }
0x4: {  	_ = 	snop  }
0x5: {  	_ = 	snop  }
0x6: {  	_ = 	snop  }
0x7: {  	_ = 	snop  }
__scs_overlays_trampoline_lowered:
0x8: {  	[smem:$0x3FA9] =	sst s0  }
0x9: {  	[smem:$0x3FAA] =	sst s1  }
0xa: {  	[smem:$0x3FAB] =	sst s2  }
0xb: {  	[smem:$0x3FAC] =	sst s3  }
0xc: {  	[smem:$0x3FAD] =	sst s4  }
0xd: {  	[smem:$0x3FAE] =	sst s5  }
0xe: {  	[smem:$0x3FAF] =	sst s6  }
0xf: {  	[smem:$0x3FB0] =	sst s7  }
0x10: {  	[smem:$0x3FB1] =	sst s8  }
0x11: {  	[smem:$0x3FB2] =	sst s9;
	s0 =	simm.s32 @!p0 $0x0  }
0x12: {  	s1 =	sld [smem:$0x3F98];
	s0 =	simm.s32 @p0 $0x1  }
0x13: {  	[smem:$0x3FB3] =	sst s0;
	s0 =	simm.s32 @!p1 $0x0  }
0x14: {  	s2 =	sld [smem:$0x3F97];
	s0 =	simm.s32 @p1 $0x1  }
0x15: {  	[smem:$0x3FB4] =	sst s0;
	s0 =	simm.s32 @!p2 $0x0  }
0x16: {  	s3 =	sld [smem:$0x3FDB];
	s0 =	simm.s32 @p2 $0x1  }
0x17: {  	s4 =	simm.s32 $0x1BF5;
	[smem:$0x3FB6] =	sst s0  }
0x18: {  	s0 =	sld [smem:$0x3F99];
	_ =	swait.ge [sflag:s4], $0x0  }
0x19: {  	s7 =	sld [smem:$0x3F9A]  }
0x1a: {  	s8 =	sadd.s32 $0xFFFFE003, lr  }
0x1b: {  	s9 =	sadd.s32 $0xFFFFFEF7, lr;
	s5 =	simm.s32 $0xFFFFFFFF;
	p2 =	slt.u32 s8, $0xFFFFF086  }
0x1c: {  	p1 =	slt.u32 s9, $0xF7A;
	s5 =	simm.s32 @!p2 $0x0  }
0x1d: {  	s5 =	simm.s32 @p1 $0x1;
	p0 =	seq.s32 s7, s2  }
0x1e: {  	s7 =	smul.u32 @!p0 $0xF7A, s2;
	p2 =	seq.s32 @!p0 s5, $0x0  }
0x1f: {  	s9 =	smul.u32 $0xF7A, s1;
	s8 =	simm.s32 @!p0 $0x1BF5;
	p2 =	por !p2, p0  }
0x20: {  	[sflag:s8] =	ssyncset.s32 @!p0 $0xFFFFF086;
	s6 =	sadd.s32 @!p0 s3, s7;
	s7 =	simm.s32 @!p0 $0x108  }
0x21: {  	s3 =	sadd.s32 s3, s9;
	s6 =	sadd.s32 @!p0 $0x88, s6;
	s7 =	simm.s32 @p2 $0x1082  }
0x22: {  	[simem:s7], [sflag:s8] =	dma.local @!p0 [hbm:s6], $0xF7A  }
0x23: {  	s9 =	sor.u32 $0xD0000000, s2;
	s6 =	simm.s32 $0x108;
	_ =	swait.ge @!p0 [sflag:s8], $0x0  }
0x24: {  	s3 =	sadd.s32 $0x88, s3;
	s6 =	simm.s32 @!p1 $0x1082;
	[sflag:s4] =	ssyncset.s32 $0xFFFFF086  }
0x25: {  	[simem:s6], [sflag:s4] =	dma.local [hbm:s3], $0xF7A  }
0x26: {  	[smem:$0x3F9A] =	sst s1;
	(tag) =	ssettag s2;
	_ =	strace s9  }
0x27: {  	s1 =	sld [smem:$0x3FAA]  }
0x28: {  	s2 =	sld [smem:$0x3FAB]  }
0x29: {  	s4 =	sld [smem:$0x3FAD]  }
0x2a: {  	p0 =	seq.s32 s5, $0x0;
	s5 =	sld [smem:$0x3FAE]  }
0x2b: {  	s6 =	sld [smem:$0x3FAF]  }
0x2c: {  	s7 =	sld [smem:$0x3FB0]  }
0x2d: {  	s3 =	simm.s32 $0x108;
	s8 =	sld [smem:$0x3FB1]  }
0x2e: {  	s3 =	simm.s32 @!p0 $0x1082;
	s9 =	sld [smem:$0x3FB2]  }
0x2f: {  	lr =	sadd.s32 s0, s3;
	s0 =	sld [smem:$0x3FA9]  }
0x30: {  	s3 =	sld [smem:$0x3FAC]  }
0x31: {  	[smem:$0x3FB5] =	sst s10  }
0x32: {  	s10 =	sld [smem:$0x3FB3];
	_ =	sdelay $0x3  }
0x33: {  	p0 =	seq.s32 s10, $0x1;
	s10 =	sld [smem:$0x3FB5];
	_ =	sdelay $0x3  }
0x34: {  	[smem:$0x3FB5] =	sst s10  }
0x35: {  	s10 =	sld [smem:$0x3FB4];
	_ =	sdelay $0x3  }
0x36: {  	p1 =	seq.s32 s10, $0x1;
	s10 =	sld [smem:$0x3FB5];
	_ =	sdelay $0x3  }
0x37: {  	[smem:$0x3FB5] =	sst s10  }
0x38: {  	s10 =	sld [smem:$0x3FB6]  }
0x39: {  	_ = 	snop;
	(pc) =	sbr.ind lr, $3  }
0x3a: {  	_ = 	snop  }
0x3b: {  	_ = 	snop  }
0x3c: {  	p2 =	seq.s32 s10, $0x1;
	s10 =	sld [smem:$0x3FB5]  }
0x3d: {  	_ =	shalt  }
0x3e: {  	_ =	shalt  }
0x3f: {  	_ =	shalt  }
0x40: {  	_ =	shalt  }
0x41: {  	_ =	shalt  }
0x42: {  	_ =	shalt  }
0x43: {  	_ =	shalt  }
0x44: {  	_ =	shalt  }
0x45: {  	_ =	shalt  }
0x46: {  	_ =	shalt  }
0x47: {  	_ =	shalt  }
0x48: {  	_ =	shalt  }
0x49: {  	_ =	shalt  }
0x4a: {  	_ =	shalt  }
0x4b: {  	_ =	shalt  }
0x4c: {  	_ =	shalt  }
0x4d: {  	_ =	shalt  }
0x4e: {  	_ =	shalt  }
0x4f: {  	_ =	shalt  }
0x50: {  	_ =	shalt  }
0x51: {  	_ =	shalt  }
0x52: {  	_ =	shalt  }
0x53: {  	_ =	shalt  }
0x54: {  	_ =	shalt  }
0x55: {  	_ =	shalt  }
0x56: {  	_ =	shalt  }
0x57: {  	_ =	shalt  }
0x58: {  	_ =	shalt  }
0x59: {  	_ =	shalt  }
0x5a: {  	_ =	shalt  }
0x5b: {  	_ =	shalt  }
0x5c: {  	_ =	shalt  }
0x5d: {  	_ =	shalt  }
0x5e: {  	_ =	shalt  }
0x5f: {  	_ =	shalt  }
0x60: {  	_ =	shalt  }
0x61: {  	_ =	shalt  }
0x62: {  	_ =	shalt  }
0x63: {  	_ =	shalt  }
0x64: {  	_ =	shalt  }
0x65: {  	_ =	shalt  }
0x66: {  	_ =	shalt  }
0x67: {  	_ =	shalt  }
0x68: {  	_ =	shalt  }
0x69: {  	_ =	shalt  }
0x6a: {  	_ =	shalt  }
0x6b: {  	_ =	shalt  }
0x6c: {  	_ =	shalt  }
0x6d: {  	_ =	shalt  }
0x6e: {  	_ =	shalt  }
0x6f: {  	_ =	shalt  }
0x70: {  	_ =	shalt  }
0x71: {  	_ =	shalt  }
0x72: {  	_ =	shalt  }
0x73: {  	_ =	shalt  }
0x74: {  	_ =	shalt  }
0x75: {  	_ =	shalt  }
0x76: {  	_ =	shalt  }
0x77: {  	_ =	shalt  }
0x78: {  	_ =	shalt  }
0x79: {  	_ =	shalt  }
0x7a: {  	_ =	shalt  }
0x7b: {  	_ =	shalt  }
0x7c: {  	_ =	shalt  }
0x7d: {  	_ =	shalt  }
0x7e: {  	_ =	shalt  }
0x7f: {  	_ =	shalt  }
0x80: {  	_ =	shalt  }
0x81: {  	_ =	shalt  }
0x82: {  	_ =	shalt  }
0x83: {  	_ =	shalt  }
0x84: {  	_ =	shalt  }
0x85: {  	_ =	shalt  }
0x86: {  	_ =	shalt  }
0x87: {  	_ =	shalt  }
.Lfunc_end0:
.L_simem_size_0:
called_computation.2_lowered:
.L_overlay_start_0:
0x88: {  	s2 =	sld [smem:$0x3FD9]  }
0x89: {  	s3 =	sld [smem:$0x3FFE];
	_ =	sdelay $0x1  }
0x8a: {  	s1 =	srdreg.scid  }
0x8b: {  	s0 =	sand.u32 $0x1, s1  }
0x8c: {  	s17 =	sshll.u32 s0, $0xA;
	s2 =	sadd.s32 s3, s2  }
0x8d: {  	s2 =	sadd.s32 s2, s17  }
0x8e: {  	[smem:$0x3FC1] =	sst s2  }
0x8f: {  	_ = 	snop  }
0x90: {  	s2 =	sld [smem:$0x3FD0];
	(tm) =	ssettm $0x1  }
0x91: {  	s18 =	sld [smem:$0x3FFB];
	_ =	sdelay $0x3  }
0x92: {  	_ =	strace s18  }
0x93: {  	s3 =	sld [smem:$0x3FFC];
	_ =	sdelay $0x3  }
0x94: {  	_ =	strace s3  }
0x95: {  	s3 =	sld [smem:$0x3FFD];
	_ =	sdelay $0x3  }
0x96: {  	_ =	strace s3  }
0x97: {  	_ =	strace $0x8FFFFFFF  }
0x98: {  	s19 =	sld [smem:$0x3FDB];
	_ =	sdelay $0x1  }
0x99: {  	s4 =	simm.s32 $_scs_section_size  }
0x9a: {  	s5 =	simm.s32 $_size__tile_overlayer_lowered;
	s6 =	simm.s32 $_tile_overlayer_lowered  }
0x9b: {  	s22 =	simm.s32 $0x1BFF;
	s21 =	sshll.u32 s6, $0x1;
	s3 =	sadd.s32 s4, s19  }
0x9c: {  	s7 =	simm.s32 $0x0;
	s20 =	sshll.u32 s5, $0x1;
	s5 =	sadd.s32 s21, s3  }
0x9d: {  	[timem:s7], [sflag:s22] =	dma.local [hbm:s5], s20  }
0x9e: {  	_ =	swait.ge [sflag:s22], s20  }
0x9f: {  	s4 =	ssub.s32 $0x0, s20;
	[sflag:s22] =	ssyncset.done $0x0  }
0xa0: {  	[sflag:s22] =	ssyncadd.s32 s4;
	_ =	sdelay $0x1  }
0xa1: {  	s23 =	simm.s32 $0x1B8B  }
0xa2: {  	_ =	swait.ge [sflag:s23], $0x1  }
0xa3: {  	[sflag:s23] =	ssyncset.done $0x0  }
0xa4: {  	s25 =	simm.s32 $0x1B8E;
	s24 =	sld [smem:$0x3FFE];
	[sflag:s23] =	ssyncadd.s32 $0xFFFFFFFF  }
0xa5: {  	s26 =	simm.s32 $execute0_lowered;
	[smem:$0x3FD2] =	sst s25  }
0xa6: {  	s5 =	sshll.u32 s26, $0x1;
	_ =	strace $0x8000004C;
	[dreg:$0x1] =	wrdreg $0xFFFFFFFF  }
0xa7: {  	s28 =	simm.s32 $_size_execute0_lowered;
	s3 =	sadd.s32 s3, s5;
	[dreg:$0x0] =	wrdreg $0x0  }
0xa8: {  	s5 =	sshll.u32 s28, $0x1;
	[dreg:$0x2] =	wrdreg s3  }
0xa9: {  	[dreg:$0x3] =	wrdreg s5  }
0xaa: {  	[dreg:$0x4] =	wrdreg $0xC0  }
0xab: {  	_ =	task [dreg:s7], $0x5FFFF  }
0xac: {  	[dreg:$0x1] =	wrdreg $0xFFFFFFFF  }
0xad: {  	[dreg:$0x0] =	wrdreg $0x60  }
0xae: {  	[dreg:$0x2] =	wrdreg s2  }
0xaf: {  	[dreg:$0x3] =	wrdreg s24  }
0xb0: {  	[dreg:$0x4] =	wrdreg $0xA9000  }
0xb1: {  	[dreg:$0x5] =	wrdreg $0x9  }
0xb2: {  	_ =	task.clear_ibuf [dreg:s7], $0x6FFFF;
	_ =	strace $0x9000004C  }
0xb3: {  	s29 =	simm.s32 $0x9;
	_ =	strace $0x8000004E  }
0xb4: {  	_ =	swait.ge [sflag:s29], $0x1  }
0xb5: {  	[sflag:s29] =	ssyncadd.s32 $0xFFFFFFFF  }
0xb6: {  	_ =	strace $0x9000004E  }
0xb7: {  	_ =	sfence  }
0xb8: {  	s30 =	sld [smem:$0x0];
	_ =	sdelay $0x2  }
0xb9: {  	s31 =	sshll.u32 s1, $0xD;
	s1 =	sshrl.u32 s1, $0x2  }
0xba: {  	s3 =	sand.u32 $0x4000, s31;
	s1 =	sadd.s32 s1, s30  }
0xbb: {  	s0 =	sor.u32 s3, s0;
	s1 =	sshll.u32 s1, $0x11  }
0xbc: {  	s0 =	sor.u32 s1, s0  }
0xbd: {  	s0 =	sadd.s32 $0x8F2B, s0  }
0xbe: {  	[sflag:s0] =	ssyncadd.remote.s32 $0x1  }
0xbf: {  	_ =	sfence.sel $0xFFFF  }
0xc0: {  	[dreg:$0x0] =	wrdreg $0xFFFFFFFF;
	(pc) =	sbr.abs _section_cstart, $3  }
0xc1: {  	[dreg:$0x1] =	wrdreg $0xFFFFFFFF  }
0xc2: {  	_ =	task.clear_ibuf [dreg:s7], $0x2FFFF;
	_ =	strace $0x9FFFFFFF  }
0xc3: {  	(tm) =	ssettm $0x7FFFFFFF  }
tec
execute0_lowered:
.L_overlay_start_1:
0x0: {  	(tag) =	ssettag $0x1  }
0x1: {  	s1 =	rddreg [dreg:$0x0]  }
0x2: {  	s0 =	srdreg.scid;
	s7 =	rddreg [dreg:$0x1]  }
0x3: {  	s16 =	stileid.u32;
	s3 =	rddreg [dreg:$0x2];
	s4 =	simm.s32 $0x0  }
0x4: {  	s19 =	simm.s32 $0x5;
	s20 =	simm.s32 $0x80;
	s5 =	smul.u32 $0x50, s16  }
0x5: {  	s21 =	simm.s32 $0x2900;
	s28 =	simm.s32 $0x2;
	s8 =	smul.u32 $0x4E000, s16  }
0x6: {  	s29 =	simm.s32 $0x4;
	s31 =	simm.s32 $0x0;
	s11 =	smul.u32 $0x2700, s16  }
0x7: {  	s0 =	sand.u32 $0x1, s0;
	[smem:$0x7FF] =	sst s4;
	s13 =	smul.u32 $0x13800, s16  }
0x8: {  	s6 =	sadd.s32 $0xE400, s7;
	s23 =	sadd.s32 $0x24900, s1;
	s14 =	smul.u32 $0x500, s16  }
0x9: {  	p0 =	seq.s32 s16, $0xF;
	s2 =	smul.u32 $0x500, s0;
	_ =	strace $0x8000004D  }
0xa: {  	s9 =	ssub.s32 $0x2, s0;
	s12 =	smul.u32 $0x138800, s0;
	[dreg:$0x5] =	wrdreg s23  }
0xb: {  	s0 =	smul.u32 $0x5000, s0;
	s23 =	simm.s32 $0x6900;
	s10 =	sshrl.u32 s9, $0x1  }
0xc: {  	s8 =	sshrl.u32 s8, $0x2;
	s22 =	sadd.s32 s1, s11;
	s11 =	sadd.s32 $0x124800, s3  }
0xd: {  	s2 =	sadd.s32 s5, s2;
	s9 =	ssub.s32 s9, s10;
	s8 =	sadd.s32 s8, s3  }
0xe: {  	[dreg:$0x4] =	wrdreg s22;
	s25 =	sadd.s32 s13, s12;
	s12 =	sshrl.u32 s12, $0x3  }
0xf: {  	s0 =	sadd.s32 s0, s6;
	s22 =	simm.s32 $0x2800;
	s5 =	sshll.u32 s2, $0x4  }
0x10: {  	s30 =	smax.u32 s9, $0x1;
	s0 =	sadd.s32 s14, s0;
	s18 =	sshrl.u32 @!p0 s8, $0x3  }
0x11: {  	s2 =	sadd.s32 s5, s7;
	s7 =	sadd.s32 $0x70800, s7;
	s24 =	sadd.s32 s6, s5  }
0x12: {  	[dreg:$0x9] =	wrdreg s30;
	s15 =	sadd.s32 $0x20, s0;
	s0 =	sshll.u32 @!p0 s16, $0x6  }
0x13: {  	s16 =	sshrl.u32 @p0 s11, $0x3;
	s2 =	sadd.s32 $0x18400, s2;
	s12 =	sadd.s32 s7, s12  }
0x14: {  	s13 =	smov.u32 s24;
	s14 =	sadd.s32 $0x4F0, s24;
	s17 =	sor.u32 @!p0 $0x1C05, s0  }
0x15: {  	[dreg:$0x6] =	wrdreg s2;
	s2 =	sshrl.u32 s25, $0x3;
	s26 =	sadd.s32 $0x24900, s12  }
0x16: {  	s24 =	simm.s32 $0x2880;
	s2 =	sadd.s32 s7, s2;
	[dreg:$0x8] =	wrdreg s26  }
0x17: {  	s25 =	simm.s32 $0x1;
	s26 =	simm.s32 $0x3;
	[dreg:$0x7] =	wrdreg s2  }
.LBB2_1:
0x18: {  	s0 =	simm.s32 @p0 $0x1FC5;
	s2 =	rddreg [dreg:$0x5]  }
0x19: {  	[spmem:s16], [sflag:s0] =	dma.local @p0 [hbm:s2], $0x2800  }
0x1a: {  	s0 =	simm.s32 @p0 $0x5  }
0x1b: {  	_ =	swait.ge @p0 [sflag:s0], $0x2800  }
0x1c: {  	[sflag:s0] =	ssyncset.done @p0 $0x0  }
0x1d: {  	[sflag:s0] =	ssyncadd.s32 @p0 $0xFFFFD800;
	s0 =	rddreg [dreg:$0x4]  }
0x1e: {  	[spmem:s18], [sflag:s17] =	dma.local @!p0 [hbm:s0], $0x2700  }
0x1f: {  	s0 =	simm.s32 @!p0 $0x5  }
0x20: {  	_ =	swait.ge @!p0 [sflag:s0], $0x2700  }
0x21: {  	[sflag:s0] =	ssyncset.done @!p0 $0x0  }
0x22: {  	s8 =	rddreg [dreg:$0x6];
	[sflag:s0] =	ssyncadd.s32 @!p0 $0xFFFFD900  }
0x23: {  	[tilespmem:s4], [sflag:$0x5] =	stream.linear.gather [hbm4b:s8+s4], $0x2800, $0x38;
	[tilespmem:$0x1E580] =	vst v63  }
0x24: {  	_ =	swait.ge [sflag:s19], $0x2800  }
0x25: {  	[sflag:s19] =	ssyncset.done $0x0  }
0x26: {  	s9 =	sadd.s32 $0x0, s5;
	s10 =	sand.u32 $0x60, s4;
	[sflag:s19] =	ssyncadd.s32 $0xFFFFD800  }
0x27: {  	[tilespmem:s21], [sflag:$0x1] =	stream.indirect.gather [hbm4b:s1+s20], $0x80, s4, s20, $0xb8;
	[tilespmem:$0x1E580] =	vst v63  }
0x28: {  	s2 =	sadd.s32 s10, s6;
	s0 =	sand.u32 $0x1FF80, s9  }
0x29: {  	[tilespmem:s22], [sflag:$0x3] =	stream.linear.gather [hbm4b:s13+s4], $0x80, $0x38;
	[tilespmem:$0x1E580] =	vst v63  }
0x2a: {  	s7 =	simm.s32 $0x80;
	s0 =	sadd.s32 s0, s2;
	[bflag:$0x0] =	sbarrier.arrive $0xFFFF  }
0x2b: {  	[tilespmem:s23], [sflag:$0x2] =	stream.indirect.gather [hbm4b:s1+s20], $0x80, s7, s20, $0xb8;
	[tilespmem:$0x1E580] =	vst v63  }
0x2c: {  	s0 =	sadd.s32 $0x10, s0  }
0x2d: {  	[tilespmem:s24], [sflag:$0x4] =	stream.linear.gather [hbm4b:s0+s4], $0x80, $0x38;
	[tilespmem:$0x1E580] =	vst v63  }
0x2e: {  	_ =	swait.ge [sflag:s25], $0x4000  }
0x2f: {  	[sflag:s25] =	ssyncset.done $0x0  }
0x30: {  	[sflag:s25] =	ssyncadd.s32 $0xFFFFC000  }
0x31: {  	_ =	swait.ge [sflag:s26], $0x80  }
0x32: {  	[sflag:s26] =	ssyncset.done $0x0  }
0x33: {  	[sflag:s26] =	ssyncadd.s32 $0xFFFFFF80  }
0x34: {  	[spmem:s3] =	stream.indirect.scatter.add.f32 [tilespmem:s21], [sflag:$0x5], $0x80, s22, s20, $0xb8;
	[tilespmem:$0x1E580] =	vst v63  }
0x35: {  	_ =	swait.ge [sflag:s19], $0x4000  }
0x36: {  	[sflag:s19] =	ssyncset.done $0x0  }
0x37: {  	s11 =	simm.s32 $0x100;
	[sflag:s19] =	ssyncadd.s32 $0xFFFFC000  }
0x38: {  	[tilespmem:s21], [sflag:$0x1] =	stream.indirect.gather [hbm4b:s1+s20], $0x80, s11, s20, $0xb8;
	[tilespmem:$0x1E580] =	vst v63  }
0x39: {  	s12 =	sadd.s32 $0x0, s15  }
0x3a: {  	[tilespmem:s22], [sflag:$0x3] =	stream.linear.gather [hbm4b:s12+s4], $0x80, $0x38;
	[tilespmem:$0x1E580] =	vst v63  }
0x3b: {  	_ =	swait.ge [sflag:s28], $0x4000  }
0x3c: {  	[sflag:s28] =	ssyncset.done $0x0  }
0x3d: {  	[sflag:s28] =	ssyncadd.s32 $0xFFFFC000  }
0x3e: {  	s30 =	simm.s32 $0x40;
	_ =	swait.ge [sflag:s29], $0x80  }
0x3f: {  	s9 =	sadd.s32 $0x20, s5;
	s2 =	simm.s32 $0x20;
	[sflag:s29] =	ssyncset.done $0x0  }
0x40: {  	s8 =	simm.s32 $0x180;
	s7 =	simm.s32 $0x300;
	[sflag:s29] =	ssyncadd.s32 $0xFFFFFF80  }
0x41: {  	[spmem:s3] =	stream.indirect.scatter.add.f32 [tilespmem:s23], [sflag:$0x5], $0x80, s24, s20, $0xb8;
	[tilespmem:$0x1E580] =	vst v63  }
0x42: {  	s0 =	simm.s32 $0x200;
	s11 =	sand.u32 $0x60, s2;
	_ =	swait.ge [sflag:s19], $0x4000  }
.LBB2_2:
0x43: {  	s9 =	sand.u32 $0x1FF80, s9  }
0x44: {  	s11 =	sadd.s32 s11, s6;
	[sflag:s19] =	ssyncset.done $0x0;
	s10 =	smov.u32 s30  }
0x45: {  	s12 =	sadd.s32 $0xFFFFFF80, s7;
	s9 =	sadd.s32 s9, s11;
	[sflag:s19] =	ssyncadd.s32 $0xFFFFC000  }
0x46: {  	[tilespmem:s23], [sflag:$0x2] =	stream.indirect.gather [hbm4b:s1+s20], $0x80, s8, s20, $0xb8;
	[tilespmem:$0x1E580] =	vst v63  }
0x47: {  	p1 =	sne.s32 s30, $0x4C0;
	s30 =	sadd.s32 $0x20, s30;
	s8 =	sadd.s32 $0x10, s9  }
0x48: {  	[tilespmem:s24], [sflag:$0x4] =	stream.linear.gather [hbm4b:s8+s4], $0x80, $0x38;
	[tilespmem:$0x1E580] =	vst v63  }
0x49: {  	s8 =	smov.u32 s12;
	_ =	swait.ge [sflag:s25], $0x4000  }
0x4a: {  	[sflag:s25] =	ssyncset.done $0x0  }
0x4b: {  	[sflag:s25] =	ssyncadd.s32 $0xFFFFC000  }
0x4c: {  	_ =	swait.ge [sflag:s26], $0x80  }
0x4d: {  	[sflag:s26] =	ssyncset.done $0x0  }
0x4e: {  	[sflag:s26] =	ssyncadd.s32 $0xFFFFFF80  }
0x4f: {  	[spmem:s3] =	stream.indirect.scatter.add.f32 [tilespmem:s21], [sflag:$0x5], $0x80, s22, s20, $0xb8;
	[tilespmem:$0x1E580] =	vst v63  }
0x50: {  	_ =	swait.ge [sflag:s19], $0x4000  }
0x51: {  	[sflag:s19] =	ssyncset.done $0x0  }
0x52: {  	s9 =	sadd.s32 s2, s15;
	s2 =	smov.u32 s10;
	[sflag:s19] =	ssyncadd.s32 $0xFFFFC000  }
0x53: {  	[tilespmem:s21], [sflag:$0x1] =	stream.indirect.gather [hbm4b:s1+s20], $0x80, s0, s20, $0xb8;
	[tilespmem:$0x1E580] =	vst v63  }
0x54: {  	s0 =	smov.u32 s7  }
0x55: {  	[tilespmem:s22], [sflag:$0x3] =	stream.linear.gather [hbm4b:s9+s4], $0x80, $0x38;
	[tilespmem:$0x1E580] =	vst v63  }
0x56: {  	_ =	swait.ge [sflag:s28], $0x4000  }
0x57: {  	[sflag:s28] =	ssyncset.done $0x0  }
0x58: {  	[sflag:s28] =	ssyncadd.s32 $0xFFFFC000  }
.Ltmp0:
0x59: {  	_ =	swait.ge [sflag:s29], $0x80;
	(pc) =	sbr.rel @p1 .LBB2_2-.Ltmp0, $4  }
0x5a: {  	[sflag:s29] =	ssyncset.done $0x0  }
0x5b: {  	s7 =	sadd.s32 $0x100, s7;
	[sflag:s29] =	ssyncadd.s32 $0xFFFFFF80  }
0x5c: {  	[spmem:s3] =	stream.indirect.scatter.add.f32 [tilespmem:s23], [sflag:$0x5], $0x80, s24, s20, $0xb8;
	[tilespmem:$0x1E580] =	vst v63  }
0x5d: {  	s11 =	sand.u32 $0x60, s2;
	s9 =	sadd.s32 s2, s5;
	_ =	swait.ge [sflag:s19], $0x4000  }
0x5e: {  	s7 =	sand.u32 $0x1FF80, s9;
	s10 =	sadd.s32 s11, s6;
	[sflag:s19] =	ssyncset.done $0x0  }
0x5f: {  	s7 =	sadd.s32 s7, s10;
	[sflag:s19] =	ssyncadd.s32 $0xFFFFC000  }
0x60: {  	[tilespmem:s23], [sflag:$0x2] =	stream.indirect.gather [hbm4b:s1+s20], $0x80, s8, s20, $0xb8;
	[tilespmem:$0x1E580] =	vst v63  }
0x61: {  	s7 =	sadd.s32 $0x10, s7  }
0x62: {  	[tilespmem:s24], [sflag:$0x4] =	stream.linear.gather [hbm4b:s7+s4], $0x80, $0x38;
	[tilespmem:$0x1E580] =	vst v63  }
0x63: {  	_ =	swait.ge [sflag:s25], $0x4000  }
0x64: {  	[sflag:s25] =	ssyncset.done $0x0  }
0x65: {  	[sflag:s25] =	ssyncadd.s32 $0xFFFFC000  }
0x66: {  	_ =	swait.ge [sflag:s26], $0x80  }
0x67: {  	[sflag:s26] =	ssyncset.done $0x0  }
0x68: {  	[sflag:s26] =	ssyncadd.s32 $0xFFFFFF80  }
0x69: {  	[spmem:s3] =	stream.indirect.scatter.add.f32 [tilespmem:s21], [sflag:$0x5], $0x80, s22, s20, $0xb8;
	[tilespmem:$0x1E580] =	vst v63  }
0x6a: {  	_ =	swait.ge [sflag:s19], $0x4000  }
0x6b: {  	[sflag:s19] =	ssyncset.done $0x0  }
0x6c: {  	[sflag:s19] =	ssyncadd.s32 $0xFFFFC000  }
0x6d: {  	[tilespmem:s21], [sflag:$0x1] =	stream.indirect.gather [hbm4b:s1+s20], $0x80, s0, s20, $0xb8;
	[tilespmem:$0x1E580] =	vst v63  }
0x6e: {  	s11 =	sadd.s32 s2, s15  }
0x6f: {  	[tilespmem:s22], [sflag:$0x3] =	stream.linear.gather [hbm4b:s11+s4], $0x80, $0x38;
	[tilespmem:$0x1E580] =	vst v63  }
0x70: {  	_ =	swait.ge [sflag:s28], $0x4000  }
0x71: {  	[sflag:s28] =	ssyncset.done $0x0  }
0x72: {  	[sflag:s28] =	ssyncadd.s32 $0xFFFFC000  }
0x73: {  	_ =	swait.ge [sflag:s29], $0x80  }
0x74: {  	[sflag:s29] =	ssyncset.done $0x0  }
0x75: {  	[sflag:s29] =	ssyncadd.s32 $0xFFFFFF80  }
0x76: {  	[spmem:s3] =	stream.indirect.scatter.add.f32 [tilespmem:s23], [sflag:$0x5], $0x80, s24, s20, $0xb8;
	[tilespmem:$0x1E580] =	vst v63  }
0x77: {  	_ =	swait.ge [sflag:s19], $0x4000  }
0x78: {  	[sflag:s19] =	ssyncset.done $0x0  }
0x79: {  	s12 =	simm.s32 $0x2780;
	[sflag:s19] =	ssyncadd.s32 $0xFFFFC000  }
0x7a: {  	[tilespmem:s23], [sflag:$0x2] =	stream.indirect.gather [hbm4b:s1+s20], $0x80, s12, s20, $0xb8;
	[tilespmem:$0x1E580] =	vst v63  }
0x7b: {  	_ = 	snop  }
0x7c: {  	[tilespmem:s24], [sflag:$0x4] =	stream.linear.gather [hbm4b:s14+s4], $0x80, $0x38;
	[tilespmem:$0x1E580] =	vst v63  }
0x7d: {  	_ =	swait.ge [sflag:s25], $0x4000  }
0x7e: {  	[sflag:s25] =	ssyncset.done $0x0  }
0x7f: {  	[sflag:s25] =	ssyncadd.s32 $0xFFFFC000  }
0x80: {  	_ =	swait.ge [sflag:s26], $0x80  }
0x81: {  	[sflag:s26] =	ssyncset.done $0x0  }
0x82: {  	[sflag:s26] =	ssyncadd.s32 $0xFFFFFF80  }
0x83: {  	[spmem:s3] =	stream.indirect.scatter.add.f32 [tilespmem:s21], [sflag:$0x5], $0x80, s22, s20, $0xb8;
	[tilespmem:$0x1E580] =	vst v63  }
0x84: {  	_ =	swait.ge [sflag:s19], $0x4000  }
0x85: {  	[sflag:s19] =	ssyncset.done $0x0  }
0x86: {  	[sflag:s19] =	ssyncadd.s32 $0xFFFFC000  }
0x87: {  	_ =	swait.ge [sflag:s28], $0x4000  }
0x88: {  	[sflag:s28] =	ssyncset.done $0x0  }
0x89: {  	[sflag:s28] =	ssyncadd.s32 $0xFFFFC000  }
0x8a: {  	_ =	swait.ge [sflag:s29], $0x80  }
0x8b: {  	[sflag:s29] =	ssyncset.done $0x0  }
0x8c: {  	[sflag:s29] =	ssyncadd.s32 $0xFFFFFF80  }
0x8d: {  	[spmem:s3] =	stream.indirect.scatter.add.f32 [tilespmem:s23], [sflag:$0x5], $0x80, s24, s20, $0xb8;
	[tilespmem:$0x1E580] =	vst v63  }
0x8e: {  	_ =	swait.ge [sflag:s19], $0x4000  }
0x8f: {  	[sflag:s19] =	ssyncset.done $0x0  }
0x90: {  	[sflag:s19] =	ssyncadd.s32 $0xFFFFC000  }
0x91: {  	[bflag:$0x0] =	sbarrier.arrive $0xFFFF  }
0x92: {  	s0 =	simm.s32 @p0 $0x1FC5;
	s2 =	rddreg [dreg:$0x8]  }
0x93: {  	[hbm:s2], [sflag:s0] =	dma.local @p0 [spmem:s16], $0x2800  }
0x94: {  	s0 =	simm.s32 @p0 $0x5  }
0x95: {  	_ =	swait.ge @p0 [sflag:s0], $0x2800  }
0x96: {  	[sflag:s0] =	ssyncset.done @p0 $0x0  }
0x97: {  	[sflag:s0] =	ssyncadd.s32 @p0 $0xFFFFD800;
	s0 =	rddreg [dreg:$0x7]  }
0x98: {  	[hbm:s0], [sflag:s17] =	dma.local @!p0 [spmem:s18], $0x2700  }
0x99: {  	s0 =	simm.s32 @!p0 $0x5  }
0x9a: {  	_ =	swait.ge @!p0 [sflag:s0], $0x2700  }
0x9b: {  	s31 =	sadd.s32 $0x1, s31;
	s30 =	rddreg [dreg:$0x9]  }
0x9c: {  	p1 =	sne.s32 s31, s30  }
.Ltmp1:
0x9d: {  	_ = 	snop;
	(pc) =	sbr.rel @p1 .LBB2_1-.Ltmp1, $3  }
0x9e: {  	_ =	sdelay $0x1  }
0x9f: {  	[sflag:s0] =	ssyncset.done @!p0 $0x0  }
0xa0: {  	[sflag:s0] =	ssyncadd.s32 @!p0 $0xFFFFD900  }
0xa1: {  	_ =	sfence.sel $0x180000  }
0xa2: {  	[bflag:$0x0] =	sbarrier.arrive $0xFFFF  }
0xa3: {  	_ =	strace $0x9000004D  }
0xa4: {  	s0 =	stileid.u32;
	[bflag:$0x2] =	sbarrier.arrive $0xFFFF  }
0xa5: {  	p0 =	sne.s32 s0, $0x0;
	s0 =	rddreg [dreg:$0x3]  }
0xa6: {  	s0 =	sadd.s32 @!p0 $0x100000, s0  }
0xa7: {  	[sflag:s0] =	ssyncadd.tile.s32 @!p0 $0x1;
	_ =	shalt  }
.Lfunc_end2:
_tile_overlayer_lowered:
.L_overlay_start_2:
0xa8: {  	(tag) =	ssettag $0x2  }
0xa9: {  	s0 =	rddreg [dreg:$0x0];
	s2 =	stileid.u32  }
0xaa: {  	s1 =	rddreg [dreg:$0x1];
	p0 =	sne.s32 s2, $0x0  }
0xab: {  	s3 =	rddreg [dreg:$0x2];
	[bflag:$0x3] =	sbarrier.arrive $0xFFFF;
	s2 =	simm.s32 @!p0 $0x1C05  }
0xac: {  	[timem:s3], [sflag:s2] =	dma.local @!p0 [hbm:s0], s1  }
0xad: {  	s0 =	simm.s32 @!p0 $0x5  }
0xae: {  	_ =	swait.ge @!p0 [sflag:s0], s1  }
0xaf: {  	s1 =	ssub.s32 @!p0 $0x0, s1;
	[sflag:s0] =	ssyncset.done @!p0 $0x0  }
0xb0: {  	[sflag:s0] =	ssyncadd.s32 @!p0 s1  }
0xb1: {  	[bflag:$0x3] =	sbarrier.arrive $0xFFFF  }
0xb2: {  	_ =	shalt  }

// kernel: kernel.20.cloned.1.call-start
scs
__scs_entry_jumppad:
0x0: {  	(pc) =	sbr.rel $0x88, $3  }
0x1: {  	(tag) =	ssettag $0x0;
	lr =	simm.s32 $0x1  }
0x2: {  	[smem:$0x3F9A] =	sst lr;
	_ =	strace $0xD0000000  }
0x3: {  	_ = 	snop  }
0x4: {  	_ = 	snop  }
0x5: {  	_ = 	snop  }
0x6: {  	_ = 	snop  }
0x7: {  	_ = 	snop  }
__scs_overlays_trampoline_lowered:
0x8: {  	[smem:$0x3FA9] =	sst s0  }
0x9: {  	[smem:$0x3FAA] =	sst s1  }
0xa: {  	[smem:$0x3FAB] =	sst s2  }
0xb: {  	[smem:$0x3FAC] =	sst s3  }
0xc: {  	[smem:$0x3FAD] =	sst s4  }
0xd: {  	[smem:$0x3FAE] =	sst s5  }
0xe: {  	[smem:$0x3FAF] =	sst s6  }
0xf: {  	[smem:$0x3FB0] =	sst s7  }
0x10: {  	[smem:$0x3FB1] =	sst s8  }
0x11: {  	[smem:$0x3FB2] =	sst s9;
	s0 =	simm.s32 @!p0 $0x0  }
0x12: {  	s1 =	sld [smem:$0x3F98];
	s0 =	simm.s32 @p0 $0x1  }
0x13: {  	[smem:$0x3FB3] =	sst s0;
	s0 =	simm.s32 @!p1 $0x0  }
0x14: {  	s2 =	sld [smem:$0x3F97];
	s0 =	simm.s32 @p1 $0x1  }
0x15: {  	[smem:$0x3FB4] =	sst s0;
	s0 =	simm.s32 @!p2 $0x0  }
0x16: {  	s3 =	sld [smem:$0x3FDB];
	s0 =	simm.s32 @p2 $0x1  }
0x17: {  	s4 =	simm.s32 $0x1BF5;
	[smem:$0x3FB6] =	sst s0  }
0x18: {  	s0 =	sld [smem:$0x3F99];
	_ =	swait.ge [sflag:s4], $0x0  }
0x19: {  	s7 =	sld [smem:$0x3F9A]  }
0x1a: {  	s8 =	sadd.s32 $0xFFFFE003, lr  }
0x1b: {  	s9 =	sadd.s32 $0xFFFFFEF7, lr;
	s5 =	simm.s32 $0xFFFFFFFF;
	p2 =	slt.u32 s8, $0xFFFFF086  }
0x1c: {  	p1 =	slt.u32 s9, $0xF7A;
	s5 =	simm.s32 @!p2 $0x0  }
0x1d: {  	s5 =	simm.s32 @p1 $0x1;
	p0 =	seq.s32 s7, s2  }
0x1e: {  	s7 =	smul.u32 @!p0 $0xF7A, s2;
	p2 =	seq.s32 @!p0 s5, $0x0  }
0x1f: {  	s9 =	smul.u32 $0xF7A, s1;
	s8 =	simm.s32 @!p0 $0x1BF5;
	p2 =	por !p2, p0  }
0x20: {  	[sflag:s8] =	ssyncset.s32 @!p0 $0xFFFFF086;
	s6 =	sadd.s32 @!p0 s3, s7;
	s7 =	simm.s32 @!p0 $0x108  }
0x21: {  	s3 =	sadd.s32 s3, s9;
	s6 =	sadd.s32 @!p0 $0x88, s6;
	s7 =	simm.s32 @p2 $0x1082  }
0x22: {  	[simem:s7], [sflag:s8] =	dma.local @!p0 [hbm:s6], $0xF7A  }
0x23: {  	s9 =	sor.u32 $0xD0000000, s2;
	s6 =	simm.s32 $0x108;
	_ =	swait.ge @!p0 [sflag:s8], $0x0  }
0x24: {  	s3 =	sadd.s32 $0x88, s3;
	s6 =	simm.s32 @!p1 $0x1082;
	[sflag:s4] =	ssyncset.s32 $0xFFFFF086  }
0x25: {  	[simem:s6], [sflag:s4] =	dma.local [hbm:s3], $0xF7A  }
0x26: {  	[smem:$0x3F9A] =	sst s1;
	(tag) =	ssettag s2;
	_ =	strace s9  }
0x27: {  	s1 =	sld [smem:$0x3FAA]  }
0x28: {  	s2 =	sld [smem:$0x3FAB]  }
0x29: {  	s4 =	sld [smem:$0x3FAD]  }
0x2a: {  	p0 =	seq.s32 s5, $0x0;
	s5 =	sld [smem:$0x3FAE]  }
0x2b: {  	s6 =	sld [smem:$0x3FAF]  }
0x2c: {  	s7 =	sld [smem:$0x3FB0]  }
0x2d: {  	s3 =	simm.s32 $0x108;
	s8 =	sld [smem:$0x3FB1]  }
0x2e: {  	s3 =	simm.s32 @!p0 $0x1082;
	s9 =	sld [smem:$0x3FB2]  }
0x2f: {  	lr =	sadd.s32 s0, s3;
	s0 =	sld [smem:$0x3FA9]  }
0x30: {  	s3 =	sld [smem:$0x3FAC]  }
0x31: {  	[smem:$0x3FB5] =	sst s10  }
0x32: {  	s10 =	sld [smem:$0x3FB3];
	_ =	sdelay $0x3  }
0x33: {  	p0 =	seq.s32 s10, $0x1;
	s10 =	sld [smem:$0x3FB5];
	_ =	sdelay $0x3  }
0x34: {  	[smem:$0x3FB5] =	sst s10  }
0x35: {  	s10 =	sld [smem:$0x3FB4];
	_ =	sdelay $0x3  }
0x36: {  	p1 =	seq.s32 s10, $0x1;
	s10 =	sld [smem:$0x3FB5];
	_ =	sdelay $0x3  }
0x37: {  	[smem:$0x3FB5] =	sst s10  }
0x38: {  	s10 =	sld [smem:$0x3FB6]  }
0x39: {  	_ = 	snop;
	(pc) =	sbr.ind lr, $3  }
0x3a: {  	_ = 	snop  }
0x3b: {  	_ = 	snop  }
0x3c: {  	p2 =	seq.s32 s10, $0x1;
	s10 =	sld [smem:$0x3FB5]  }
0x3d: {  	_ =	shalt  }
0x3e: {  	_ =	shalt  }
0x3f: {  	_ =	shalt  }
0x40: {  	_ =	shalt  }
0x41: {  	_ =	shalt  }
0x42: {  	_ =	shalt  }
0x43: {  	_ =	shalt  }
0x44: {  	_ =	shalt  }
0x45: {  	_ =	shalt  }
0x46: {  	_ =	shalt  }
0x47: {  	_ =	shalt  }
0x48: {  	_ =	shalt  }
0x49: {  	_ =	shalt  }
0x4a: {  	_ =	shalt  }
0x4b: {  	_ =	shalt  }
0x4c: {  	_ =	shalt  }
0x4d: {  	_ =	shalt  }
0x4e: {  	_ =	shalt  }
0x4f: {  	_ =	shalt  }
0x50: {  	_ =	shalt  }
0x51: {  	_ =	shalt  }
0x52: {  	_ =	shalt  }
0x53: {  	_ =	shalt  }
0x54: {  	_ =	shalt  }
0x55: {  	_ =	shalt  }
0x56: {  	_ =	shalt  }
0x57: {  	_ =	shalt  }
0x58: {  	_ =	shalt  }
0x59: {  	_ =	shalt  }
0x5a: {  	_ =	shalt  }
0x5b: {  	_ =	shalt  }
0x5c: {  	_ =	shalt  }
0x5d: {  	_ =	shalt  }
0x5e: {  	_ =	shalt  }
0x5f: {  	_ =	shalt  }
0x60: {  	_ =	shalt  }
0x61: {  	_ =	shalt  }
0x62: {  	_ =	shalt  }
0x63: {  	_ =	shalt  }
0x64: {  	_ =	shalt  }
0x65: {  	_ =	shalt  }
0x66: {  	_ =	shalt  }
0x67: {  	_ =	shalt  }
0x68: {  	_ =	shalt  }
0x69: {  	_ =	shalt  }
0x6a: {  	_ =	shalt  }
0x6b: {  	_ =	shalt  }
0x6c: {  	_ =	shalt  }
0x6d: {  	_ =	shalt  }
0x6e: {  	_ =	shalt  }
0x6f: {  	_ =	shalt  }
0x70: {  	_ =	shalt  }
0x71: {  	_ =	shalt  }
0x72: {  	_ =	shalt  }
0x73: {  	_ =	shalt  }
0x74: {  	_ =	shalt  }
0x75: {  	_ =	shalt  }
0x76: {  	_ =	shalt  }
0x77: {  	_ =	shalt  }
0x78: {  	_ =	shalt  }
0x79: {  	_ =	shalt  }
0x7a: {  	_ =	shalt  }
0x7b: {  	_ =	shalt  }
0x7c: {  	_ =	shalt  }
0x7d: {  	_ =	shalt  }
0x7e: {  	_ =	shalt  }
0x7f: {  	_ =	shalt  }
0x80: {  	_ =	shalt  }
0x81: {  	_ =	shalt  }
0x82: {  	_ =	shalt  }
0x83: {  	_ =	shalt  }
0x84: {  	_ =	shalt  }
0x85: {  	_ =	shalt  }
0x86: {  	_ =	shalt  }
0x87: {  	_ =	shalt  }
.Lfunc_end0:
.L_simem_size_0:
called_computation.3_lowered:
.L_overlay_start_0:
0x88: {  	s2 =	sld [smem:$0x3FD9]  }
0x89: {  	s3 =	sld [smem:$0x3FFE];
	_ =	sdelay $0x1  }
0x8a: {  	s1 =	srdreg.scid  }
0x8b: {  	s0 =	sand.u32 $0x1, s1  }
0x8c: {  	s17 =	sshll.u32 s0, $0xA;
	s2 =	sadd.s32 s3, s2  }
0x8d: {  	s2 =	sadd.s32 s2, s17  }
0x8e: {  	[smem:$0x3FC1] =	sst s2  }
0x8f: {  	_ = 	snop  }
0x90: {  	s2 =	sld [smem:$0x3FD0];
	(tm) =	ssettm $0x1  }
0x91: {  	s18 =	sld [smem:$0x3FFB];
	_ =	sdelay $0x3  }
0x92: {  	_ =	strace s18  }
0x93: {  	s3 =	sld [smem:$0x3FFC];
	_ =	sdelay $0x3  }
0x94: {  	_ =	strace s3  }
0x95: {  	s3 =	sld [smem:$0x3FFD];
	_ =	sdelay $0x3  }
0x96: {  	_ =	strace s3  }
0x97: {  	_ =	strace $0x8FFFFFFF  }
0x98: {  	s19 =	sld [smem:$0x3FDB];
	_ =	sdelay $0x1  }
0x99: {  	s4 =	simm.s32 $_scs_section_size  }
0x9a: {  	s5 =	simm.s32 $_size__tile_overlayer_lowered;
	s6 =	simm.s32 $_tile_overlayer_lowered  }
0x9b: {  	s22 =	simm.s32 $0x1BFF;
	s21 =	sshll.u32 s6, $0x1;
	s3 =	sadd.s32 s4, s19  }
0x9c: {  	s7 =	simm.s32 $0x0;
	s20 =	sshll.u32 s5, $0x1;
	s5 =	sadd.s32 s21, s3  }
0x9d: {  	[timem:s7], [sflag:s22] =	dma.local [hbm:s5], s20  }
0x9e: {  	_ =	swait.ge [sflag:s22], s20  }
0x9f: {  	s4 =	ssub.s32 $0x0, s20;
	[sflag:s22] =	ssyncset.done $0x0  }
0xa0: {  	[sflag:s22] =	ssyncadd.s32 s4;
	_ =	sdelay $0x1  }
0xa1: {  	s23 =	simm.s32 $0x1B8B  }
0xa2: {  	_ =	swait.ge [sflag:s23], $0x1  }
0xa3: {  	[sflag:s23] =	ssyncset.done $0x0  }
0xa4: {  	s25 =	simm.s32 $0x1B8E;
	s24 =	sld [smem:$0x3FFE];
	[sflag:s23] =	ssyncadd.s32 $0xFFFFFFFF  }
0xa5: {  	s26 =	simm.s32 $execute0_lowered;
	[smem:$0x3FD2] =	sst s25  }
0xa6: {  	s5 =	sshll.u32 s26, $0x1;
	_ =	strace $0x8000004F;
	[dreg:$0x1] =	wrdreg $0xFFFFFFFF  }
0xa7: {  	s28 =	simm.s32 $_size_execute0_lowered;
	s3 =	sadd.s32 s3, s5;
	[dreg:$0x0] =	wrdreg $0x0  }
0xa8: {  	s5 =	sshll.u32 s28, $0x1;
	[dreg:$0x2] =	wrdreg s3  }
0xa9: {  	[dreg:$0x3] =	wrdreg s5  }
0xaa: {  	[dreg:$0x4] =	wrdreg $0xC0  }
0xab: {  	_ =	task [dreg:s7], $0x5FFFF  }
0xac: {  	[dreg:$0x1] =	wrdreg $0xFFFFFFFF  }
0xad: {  	[dreg:$0x0] =	wrdreg $0x60  }
0xae: {  	[dreg:$0x2] =	wrdreg s2  }
0xaf: {  	[dreg:$0x3] =	wrdreg s24  }
0xb0: {  	[dreg:$0x4] =	wrdreg $0xA9000  }
0xb1: {  	[dreg:$0x5] =	wrdreg $0x9  }
0xb2: {  	_ =	task.clear_ibuf [dreg:s7], $0x6FFFF;
	_ =	strace $0x9000004F  }
0xb3: {  	s29 =	simm.s32 $0x9;
	_ =	strace $0x80000051  }
0xb4: {  	_ =	swait.ge [sflag:s29], $0x1  }
0xb5: {  	[sflag:s29] =	ssyncadd.s32 $0xFFFFFFFF  }
0xb6: {  	_ =	strace $0x90000051  }
0xb7: {  	_ =	sfence  }
0xb8: {  	s30 =	sld [smem:$0x0];
	_ =	sdelay $0x2  }
0xb9: {  	s31 =	sshll.u32 s1, $0xD;
	s1 =	sshrl.u32 s1, $0x2  }
0xba: {  	s3 =	sand.u32 $0x4000, s31;
	s1 =	sadd.s32 s1, s30  }
0xbb: {  	s0 =	sor.u32 s3, s0;
	s1 =	sshll.u32 s1, $0x11  }
0xbc: {  	s0 =	sor.u32 s1, s0  }
0xbd: {  	s0 =	sadd.s32 $0x8F2B, s0  }
0xbe: {  	[sflag:s0] =	ssyncadd.remote.s32 $0x1  }
0xbf: {  	_ =	sfence.sel $0xFFFF  }
0xc0: {  	[dreg:$0x0] =	wrdreg $0xFFFFFFFF;
	(pc) =	sbr.abs _section_cstart, $3  }
0xc1: {  	[dreg:$0x1] =	wrdreg $0xFFFFFFFF  }
0xc2: {  	_ =	task.clear_ibuf [dreg:s7], $0x2FFFF;
	_ =	strace $0x9FFFFFFF  }
0xc3: {  	(tm) =	ssettm $0x7FFFFFFF  }
tec
execute0_lowered:
.L_overlay_start_1:
0x0: {  	(tag) =	ssettag $0x1  }
0x1: {  	s1 =	rddreg [dreg:$0x0]  }
0x2: {  	s0 =	srdreg.scid;
	s7 =	rddreg [dreg:$0x1]  }
0x3: {  	s16 =	stileid.u32;
	s3 =	rddreg [dreg:$0x2];
	s4 =	simm.s32 $0x0  }
0x4: {  	s19 =	simm.s32 $0x5;
	s20 =	simm.s32 $0x80;
	s5 =	smul.u32 $0x50, s16  }
0x5: {  	s21 =	simm.s32 $0x2900;
	s28 =	simm.s32 $0x2;
	s8 =	smul.u32 $0x4E000, s16  }
0x6: {  	s29 =	simm.s32 $0x4;
	s31 =	simm.s32 $0x0;
	s11 =	smul.u32 $0x2700, s16  }
0x7: {  	s0 =	sand.u32 $0x1, s0;
	[smem:$0x7FF] =	sst s4;
	s13 =	smul.u32 $0x13800, s16  }
0x8: {  	s6 =	sadd.s32 $0xE400, s7;
	s23 =	sadd.s32 $0x24900, s1;
	s14 =	smul.u32 $0x500, s16  }
0x9: {  	p0 =	seq.s32 s16, $0xF;
	s2 =	smul.u32 $0x500, s0;
	_ =	strace $0x80000050  }
0xa: {  	s9 =	ssub.s32 $0x2, s0;
	s12 =	smul.u32 $0x138800, s0;
	[dreg:$0x5] =	wrdreg s23  }
0xb: {  	s0 =	smul.u32 $0x5000, s0;
	s23 =	simm.s32 $0x6900;
	s10 =	sshrl.u32 s9, $0x1  }
0xc: {  	s8 =	sshrl.u32 s8, $0x2;
	s22 =	sadd.s32 s1, s11;
	s11 =	sadd.s32 $0x124800, s3  }
0xd: {  	s2 =	sadd.s32 s5, s2;
	s9 =	ssub.s32 s9, s10;
	s8 =	sadd.s32 s8, s3  }
0xe: {  	[dreg:$0x4] =	wrdreg s22;
	s25 =	sadd.s32 s13, s12;
	s12 =	sshrl.u32 s12, $0x3  }
0xf: {  	s0 =	sadd.s32 s0, s6;
	s22 =	simm.s32 $0x2800;
	s5 =	sshll.u32 s2, $0x4  }
0x10: {  	s30 =	smax.u32 s9, $0x1;
	s0 =	sadd.s32 s14, s0;
	s18 =	sshrl.u32 @!p0 s8, $0x3  }
0x11: {  	s2 =	sadd.s32 s5, s7;
	s7 =	sadd.s32 $0x70800, s7;
	s24 =	sadd.s32 s6, s5  }
0x12: {  	[dreg:$0x9] =	wrdreg s30;
	s15 =	sadd.s32 $0x20, s0;
	s0 =	sshll.u32 @!p0 s16, $0x6  }
0x13: {  	s16 =	sshrl.u32 @p0 s11, $0x3;
	s2 =	sadd.s32 $0x18400, s2;
	s12 =	sadd.s32 s7, s12  }
0x14: {  	s13 =	smov.u32 s24;
	s14 =	sadd.s32 $0x4F0, s24;
	s17 =	sor.u32 @!p0 $0x1C05, s0  }
0x15: {  	[dreg:$0x6] =	wrdreg s2;
	s2 =	sshrl.u32 s25, $0x3;
	s26 =	sadd.s32 $0x24900, s12  }
0x16: {  	s24 =	simm.s32 $0x2880;
	s2 =	sadd.s32 s7, s2;
	[dreg:$0x8] =	wrdreg s26  }
0x17: {  	s25 =	simm.s32 $0x1;
	s26 =	simm.s32 $0x3;
	[dreg:$0x7] =	wrdreg s2  }
.LBB2_1:
0x18: {  	s0 =	simm.s32 @p0 $0x1FC5;
	s2 =	rddreg [dreg:$0x5]  }
0x19: {  	[spmem:s16], [sflag:s0] =	dma.local @p0 [hbm:s2], $0x2800  }
0x1a: {  	s0 =	simm.s32 @p0 $0x5  }
0x1b: {  	_ =	swait.ge @p0 [sflag:s0], $0x2800  }
0x1c: {  	[sflag:s0] =	ssyncset.done @p0 $0x0  }
0x1d: {  	[sflag:s0] =	ssyncadd.s32 @p0 $0xFFFFD800;
	s0 =	rddreg [dreg:$0x4]  }
0x1e: {  	[spmem:s18], [sflag:s17] =	dma.local @!p0 [hbm:s0], $0x2700  }
0x1f: {  	s0 =	simm.s32 @!p0 $0x5  }
0x20: {  	_ =	swait.ge @!p0 [sflag:s0], $0x2700  }
0x21: {  	[sflag:s0] =	ssyncset.done @!p0 $0x0  }
0x22: {  	s8 =	rddreg [dreg:$0x6];
	[sflag:s0] =	ssyncadd.s32 @!p0 $0xFFFFD900  }
0x23: {  	[tilespmem:s4], [sflag:$0x5] =	stream.linear.gather [hbm4b:s8+s4], $0x2800, $0x38;
	[tilespmem:$0x1E580] =	vst v63  }
0x24: {  	_ =	swait.ge [sflag:s19], $0x2800  }
0x25: {  	[sflag:s19] =	ssyncset.done $0x0  }
0x26: {  	s9 =	sadd.s32 $0x0, s5;
	s10 =	sand.u32 $0x60, s4;
	[sflag:s19] =	ssyncadd.s32 $0xFFFFD800  }
0x27: {  	[tilespmem:s21], [sflag:$0x1] =	stream.indirect.gather [hbm4b:s1+s20], $0x80, s4, s20, $0xb8;
	[tilespmem:$0x1E580] =	vst v63  }
0x28: {  	s2 =	sadd.s32 s10, s6;
	s0 =	sand.u32 $0x1FF80, s9  }
0x29: {  	[tilespmem:s22], [sflag:$0x3] =	stream.linear.gather [hbm4b:s13+s4], $0x80, $0x38;
	[tilespmem:$0x1E580] =	vst v63  }
0x2a: {  	s7 =	simm.s32 $0x80;
	s0 =	sadd.s32 s0, s2;
	[bflag:$0x0] =	sbarrier.arrive $0xFFFF  }
0x2b: {  	[tilespmem:s23], [sflag:$0x2] =	stream.indirect.gather [hbm4b:s1+s20], $0x80, s7, s20, $0xb8;
	[tilespmem:$0x1E580] =	vst v63  }
0x2c: {  	s0 =	sadd.s32 $0x10, s0  }
0x2d: {  	[tilespmem:s24], [sflag:$0x4] =	stream.linear.gather [hbm4b:s0+s4], $0x80, $0x38;
	[tilespmem:$0x1E580] =	vst v63  }
0x2e: {  	_ =	swait.ge [sflag:s25], $0x4000  }
0x2f: {  	[sflag:s25] =	ssyncset.done $0x0  }
0x30: {  	[sflag:s25] =	ssyncadd.s32 $0xFFFFC000  }
0x31: {  	_ =	swait.ge [sflag:s26], $0x80  }
0x32: {  	[sflag:s26] =	ssyncset.done $0x0  }
0x33: {  	[sflag:s26] =	ssyncadd.s32 $0xFFFFFF80  }
0x34: {  	[spmem:s3] =	stream.indirect.scatter.add.f32 [tilespmem:s21], [sflag:$0x5], $0x80, s22, s20, $0xb8;
	[tilespmem:$0x1E580] =	vst v63  }
0x35: {  	_ =	swait.ge [sflag:s19], $0x4000  }
0x36: {  	[sflag:s19] =	ssyncset.done $0x0  }
0x37: {  	s11 =	simm.s32 $0x100;
	[sflag:s19] =	ssyncadd.s32 $0xFFFFC000  }
0x38: {  	[tilespmem:s21], [sflag:$0x1] =	stream.indirect.gather [hbm4b:s1+s20], $0x80, s11, s20, $0xb8;
	[tilespmem:$0x1E580] =	vst v63  }
0x39: {  	s12 =	sadd.s32 $0x0, s15  }
0x3a: {  	[tilespmem:s22], [sflag:$0x3] =	stream.linear.gather [hbm4b:s12+s4], $0x80, $0x38;
	[tilespmem:$0x1E580] =	vst v63  }
0x3b: {  	_ =	swait.ge [sflag:s28], $0x4000  }
0x3c: {  	[sflag:s28] =	ssyncset.done $0x0  }
0x3d: {  	[sflag:s28] =	ssyncadd.s32 $0xFFFFC000  }
0x3e: {  	s30 =	simm.s32 $0x40;
	_ =	swait.ge [sflag:s29], $0x80  }
0x3f: {  	s9 =	sadd.s32 $0x20, s5;
	s2 =	simm.s32 $0x20;
	[sflag:s29] =	ssyncset.done $0x0  }
0x40: {  	s8 =	simm.s32 $0x180;
	s7 =	simm.s32 $0x300;
	[sflag:s29] =	ssyncadd.s32 $0xFFFFFF80  }
0x41: {  	[spmem:s3] =	stream.indirect.scatter.add.f32 [tilespmem:s23], [sflag:$0x5], $0x80, s24, s20, $0xb8;
	[tilespmem:$0x1E580] =	vst v63  }
0x42: {  	s0 =	simm.s32 $0x200;
	s11 =	sand.u32 $0x60, s2;
	_ =	swait.ge [sflag:s19], $0x4000  }
.LBB2_2:
0x43: {  	s9 =	sand.u32 $0x1FF80, s9  }
0x44: {  	s11 =	sadd.s32 s11, s6;
	[sflag:s19] =	ssyncset.done $0x0;
	s10 =	smov.u32 s30  }
0x45: {  	s12 =	sadd.s32 $0xFFFFFF80, s7;
	s9 =	sadd.s32 s9, s11;
	[sflag:s19] =	ssyncadd.s32 $0xFFFFC000  }
0x46: {  	[tilespmem:s23], [sflag:$0x2] =	stream.indirect.gather [hbm4b:s1+s20], $0x80, s8, s20, $0xb8;
	[tilespmem:$0x1E580] =	vst v63  }
0x47: {  	p1 =	sne.s32 s30, $0x4C0;
	s30 =	sadd.s32 $0x20, s30;
	s8 =	sadd.s32 $0x10, s9  }
0x48: {  	[tilespmem:s24], [sflag:$0x4] =	stream.linear.gather [hbm4b:s8+s4], $0x80, $0x38;
	[tilespmem:$0x1E580] =	vst v63  }
0x49: {  	s8 =	smov.u32 s12;
	_ =	swait.ge [sflag:s25], $0x4000  }
0x4a: {  	[sflag:s25] =	ssyncset.done $0x0  }
0x4b: {  	[sflag:s25] =	ssyncadd.s32 $0xFFFFC000  }
0x4c: {  	_ =	swait.ge [sflag:s26], $0x80  }
0x4d: {  	[sflag:s26] =	ssyncset.done $0x0  }
0x4e: {  	[sflag:s26] =	ssyncadd.s32 $0xFFFFFF80  }
0x4f: {  	[spmem:s3] =	stream.indirect.scatter.add.f32 [tilespmem:s21], [sflag:$0x5], $0x80, s22, s20, $0xb8;
	[tilespmem:$0x1E580] =	vst v63  }
0x50: {  	_ =	swait.ge [sflag:s19], $0x4000  }
0x51: {  	[sflag:s19] =	ssyncset.done $0x0  }
0x52: {  	s9 =	sadd.s32 s2, s15;
	s2 =	smov.u32 s10;
	[sflag:s19] =	ssyncadd.s32 $0xFFFFC000  }
0x53: {  	[tilespmem:s21], [sflag:$0x1] =	stream.indirect.gather [hbm4b:s1+s20], $0x80, s0, s20, $0xb8;
	[tilespmem:$0x1E580] =	vst v63  }
0x54: {  	s0 =	smov.u32 s7  }
0x55: {  	[tilespmem:s22], [sflag:$0x3] =	stream.linear.gather [hbm4b:s9+s4], $0x80, $0x38;
	[tilespmem:$0x1E580] =	vst v63  }
0x56: {  	_ =	swait.ge [sflag:s28], $0x4000  }
0x57: {  	[sflag:s28] =	ssyncset.done $0x0  }
0x58: {  	[sflag:s28] =	ssyncadd.s32 $0xFFFFC000  }
.Ltmp0:
0x59: {  	_ =	swait.ge [sflag:s29], $0x80;
	(pc) =	sbr.rel @p1 .LBB2_2-.Ltmp0, $4  }
0x5a: {  	[sflag:s29] =	ssyncset.done $0x0  }
0x5b: {  	s7 =	sadd.s32 $0x100, s7;
	[sflag:s29] =	ssyncadd.s32 $0xFFFFFF80  }
0x5c: {  	[spmem:s3] =	stream.indirect.scatter.add.f32 [tilespmem:s23], [sflag:$0x5], $0x80, s24, s20, $0xb8;
	[tilespmem:$0x1E580] =	vst v63  }
0x5d: {  	s11 =	sand.u32 $0x60, s2;
	s9 =	sadd.s32 s2, s5;
	_ =	swait.ge [sflag:s19], $0x4000  }
0x5e: {  	s7 =	sand.u32 $0x1FF80, s9;
	s10 =	sadd.s32 s11, s6;
	[sflag:s19] =	ssyncset.done $0x0  }
0x5f: {  	s7 =	sadd.s32 s7, s10;
	[sflag:s19] =	ssyncadd.s32 $0xFFFFC000  }
0x60: {  	[tilespmem:s23], [sflag:$0x2] =	stream.indirect.gather [hbm4b:s1+s20], $0x80, s8, s20, $0xb8;
	[tilespmem:$0x1E580] =	vst v63  }
0x61: {  	s7 =	sadd.s32 $0x10, s7  }
0x62: {  	[tilespmem:s24], [sflag:$0x4] =	stream.linear.gather [hbm4b:s7+s4], $0x80, $0x38;
	[tilespmem:$0x1E580] =	vst v63  }
0x63: {  	_ =	swait.ge [sflag:s25], $0x4000  }
0x64: {  	[sflag:s25] =	ssyncset.done $0x0  }
0x65: {  	[sflag:s25] =	ssyncadd.s32 $0xFFFFC000  }
0x66: {  	_ =	swait.ge [sflag:s26], $0x80  }
0x67: {  	[sflag:s26] =	ssyncset.done $0x0  }
0x68: {  	[sflag:s26] =	ssyncadd.s32 $0xFFFFFF80  }
0x69: {  	[spmem:s3] =	stream.indirect.scatter.add.f32 [tilespmem:s21], [sflag:$0x5], $0x80, s22, s20, $0xb8;
	[tilespmem:$0x1E580] =	vst v63  }
0x6a: {  	_ =	swait.ge [sflag:s19], $0x4000  }
0x6b: {  	[sflag:s19] =	ssyncset.done $0x0  }
0x6c: {  	[sflag:s19] =	ssyncadd.s32 $0xFFFFC000  }
0x6d: {  	[tilespmem:s21], [sflag:$0x1] =	stream.indirect.gather [hbm4b:s1+s20], $0x80, s0, s20, $0xb8;
	[tilespmem:$0x1E580] =	vst v63  }
0x6e: {  	s11 =	sadd.s32 s2, s15  }
0x6f: {  	[tilespmem:s22], [sflag:$0x3] =	stream.linear.gather [hbm4b:s11+s4], $0x80, $0x38;
	[tilespmem:$0x1E580] =	vst v63  }
0x70: {  	_ =	swait.ge [sflag:s28], $0x4000  }
0x71: {  	[sflag:s28] =	ssyncset.done $0x0  }
0x72: {  	[sflag:s28] =	ssyncadd.s32 $0xFFFFC000  }
0x73: {  	_ =	swait.ge [sflag:s29], $0x80  }
0x74: {  	[sflag:s29] =	ssyncset.done $0x0  }
0x75: {  	[sflag:s29] =	ssyncadd.s32 $0xFFFFFF80  }
0x76: {  	[spmem:s3] =	stream.indirect.scatter.add.f32 [tilespmem:s23], [sflag:$0x5], $0x80, s24, s20, $0xb8;
	[tilespmem:$0x1E580] =	vst v63  }
0x77: {  	_ =	swait.ge [sflag:s19], $0x4000  }
0x78: {  	[sflag:s19] =	ssyncset.done $0x0  }
0x79: {  	s12 =	simm.s32 $0x2780;
	[sflag:s19] =	ssyncadd.s32 $0xFFFFC000  }
0x7a: {  	[tilespmem:s23], [sflag:$0x2] =	stream.indirect.gather [hbm4b:s1+s20], $0x80, s12, s20, $0xb8;
	[tilespmem:$0x1E580] =	vst v63  }
0x7b: {  	_ = 	snop  }
0x7c: {  	[tilespmem:s24], [sflag:$0x4] =	stream.linear.gather [hbm4b:s14+s4], $0x80, $0x38;
	[tilespmem:$0x1E580] =	vst v63  }
0x7d: {  	_ =	swait.ge [sflag:s25], $0x4000  }
0x7e: {  	[sflag:s25] =	ssyncset.done $0x0  }
0x7f: {  	[sflag:s25] =	ssyncadd.s32 $0xFFFFC000  }
0x80: {  	_ =	swait.ge [sflag:s26], $0x80  }
0x81: {  	[sflag:s26] =	ssyncset.done $0x0  }
0x82: {  	[sflag:s26] =	ssyncadd.s32 $0xFFFFFF80  }
0x83: {  	[spmem:s3] =	stream.indirect.scatter.add.f32 [tilespmem:s21], [sflag:$0x5], $0x80, s22, s20, $0xb8;
	[tilespmem:$0x1E580] =	vst v63  }
0x84: {  	_ =	swait.ge [sflag:s19], $0x4000  }
0x85: {  	[sflag:s19] =	ssyncset.done $0x0  }
0x86: {  	[sflag:s19] =	ssyncadd.s32 $0xFFFFC000  }
0x87: {  	_ =	swait.ge [sflag:s28], $0x4000  }
0x88: {  	[sflag:s28] =	ssyncset.done $0x0  }
0x89: {  	[sflag:s28] =	ssyncadd.s32 $0xFFFFC000  }
0x8a: {  	_ =	swait.ge [sflag:s29], $0x80  }
0x8b: {  	[sflag:s29] =	ssyncset.done $0x0  }
0x8c: {  	[sflag:s29] =	ssyncadd.s32 $0xFFFFFF80  }
0x8d: {  	[spmem:s3] =	stream.indirect.scatter.add.f32 [tilespmem:s23], [sflag:$0x5], $0x80, s24, s20, $0xb8;
	[tilespmem:$0x1E580] =	vst v63  }
0x8e: {  	_ =	swait.ge [sflag:s19], $0x4000  }
0x8f: {  	[sflag:s19] =	ssyncset.done $0x0  }
0x90: {  	[sflag:s19] =	ssyncadd.s32 $0xFFFFC000  }
0x91: {  	[bflag:$0x0] =	sbarrier.arrive $0xFFFF  }
0x92: {  	s0 =	simm.s32 @p0 $0x1FC5;
	s2 =	rddreg [dreg:$0x8]  }
0x93: {  	[hbm:s2], [sflag:s0] =	dma.local @p0 [spmem:s16], $0x2800  }
0x94: {  	s0 =	simm.s32 @p0 $0x5  }
0x95: {  	_ =	swait.ge @p0 [sflag:s0], $0x2800  }
0x96: {  	[sflag:s0] =	ssyncset.done @p0 $0x0  }
0x97: {  	[sflag:s0] =	ssyncadd.s32 @p0 $0xFFFFD800;
	s0 =	rddreg [dreg:$0x7]  }
0x98: {  	[hbm:s0], [sflag:s17] =	dma.local @!p0 [spmem:s18], $0x2700  }
0x99: {  	s0 =	simm.s32 @!p0 $0x5  }
0x9a: {  	_ =	swait.ge @!p0 [sflag:s0], $0x2700  }
0x9b: {  	s31 =	sadd.s32 $0x1, s31;
	s30 =	rddreg [dreg:$0x9]  }
0x9c: {  	p1 =	sne.s32 s31, s30  }
.Ltmp1:
0x9d: {  	_ = 	snop;
	(pc) =	sbr.rel @p1 .LBB2_1-.Ltmp1, $3  }
0x9e: {  	_ =	sdelay $0x1  }
0x9f: {  	[sflag:s0] =	ssyncset.done @!p0 $0x0  }
0xa0: {  	[sflag:s0] =	ssyncadd.s32 @!p0 $0xFFFFD900  }
0xa1: {  	_ =	sfence.sel $0x180000  }
0xa2: {  	[bflag:$0x0] =	sbarrier.arrive $0xFFFF  }
0xa3: {  	_ =	strace $0x90000050  }
0xa4: {  	s0 =	stileid.u32;
	[bflag:$0x2] =	sbarrier.arrive $0xFFFF  }
0xa5: {  	p0 =	sne.s32 s0, $0x0;
	s0 =	rddreg [dreg:$0x3]  }
0xa6: {  	s0 =	sadd.s32 @!p0 $0x100000, s0  }
0xa7: {  	[sflag:s0] =	ssyncadd.tile.s32 @!p0 $0x1;
	_ =	shalt  }
.Lfunc_end2:
_tile_overlayer_lowered:
.L_overlay_start_2:
0xa8: {  	(tag) =	ssettag $0x2  }
0xa9: {  	s0 =	rddreg [dreg:$0x0];
	s2 =	stileid.u32  }
0xaa: {  	s1 =	rddreg [dreg:$0x1];
	p0 =	sne.s32 s2, $0x0  }
0xab: {  	s3 =	rddreg [dreg:$0x2];
	[bflag:$0x3] =	sbarrier.arrive $0xFFFF;
	s2 =	simm.s32 @!p0 $0x1C05  }
0xac: {  	[timem:s3], [sflag:s2] =	dma.local @!p0 [hbm:s0], s1  }
0xad: {  	s0 =	simm.s32 @!p0 $0x5  }
0xae: {  	_ =	swait.ge @!p0 [sflag:s0], s1  }
0xaf: {  	s1 =	ssub.s32 @!p0 $0x0, s1;
	[sflag:s0] =	ssyncset.done @!p0 $0x0  }
0xb0: {  	[sflag:s0] =	ssyncadd.s32 @!p0 s1  }
0xb1: {  	[bflag:$0x3] =	sbarrier.arrive $0xFFFF  }
0xb2: {  	_ =	shalt  }

</sc_bundles>
